<compile_context>
chip_gen: v7x
topology: tpu7x:2x2x1
jax: 0.10.2.dev20260603
libtpu: 0.0.44.dev20260713+nightly
codegen_flags: <defaults>
</compile_context>

<pallas_src>
import functools

import jax
import jax.numpy as jnp
from jax import lax
from jax.experimental import pallas as pl
from jax.experimental.pallas import tpu as pltpu
from jax.experimental.pallas import tpu_sc as plsc

_NC = 2
_NS = 16
_LANES = 16
_BBLK = 128
_NBUF = 5
_LEAD = 3
_OPAD = _BBLK + 1
_SUB = 8


def kernel(input_ids, word_embeddings, position_embeddings):
    B, L = input_ids.shape
    V, H = word_embeddings.shape
    NW = _NC * _NS
    assert B == NW * _BBLK
    assert L % _NBUF == 0
    nq = H // _LANES
    nt = H // _SUB

    ids_t = input_ids.T
    pos_t = position_embeddings.T

    mesh = plsc.VectorSubcoreMesh(core_axis_name="c", subcore_axis_name="s")

    @functools.partial(
        pl.kernel,
        out_type=jax.ShapeDtypeStruct((L, nt, NW, _SUB, _BBLK), jnp.float32),
        mesh=mesh,
        scratch_types=[
            pltpu.VMEM((L, _BBLK), jnp.int32),
            pltpu.VMEM((H, 256), jnp.float32),
            [pltpu.VMEM((_BBLK, H), jnp.float32) for _ in range(_NBUF)],
            [pltpu.VMEM((nt, _SUB, _OPAD), jnp.float32) for _ in range(_NBUF)],
            [pltpu.SemaphoreType.DMA for _ in range(_NBUF)],
            [pltpu.SemaphoreType.DMA for _ in range(_NBUF)],
        ],
        compiler_params=pltpu.CompilerParams(
            needs_layout_passes=False, use_tc_tiling_on_sc=False),
    )
    def emb_kernel(ids_hbm, tab_hbm, pos_hbm, out_hbm, idx_v, pos_v,
                   gbufs, obufs, gsems, osems):
        wid = lax.axis_index("s") * _NC + lax.axis_index("c")
        b0 = wid * _BBLK
        pltpu.sync_copy(ids_hbm.at[:, pl.ds(b0, _BBLK)], idx_v)
        pltpu.sync_copy(pos_hbm.at[:, pl.ds(0, 256)], pos_v)

        def start_gather(l, slot):
            pltpu.async_copy(tab_hbm.at[idx_v.at[l]], gbufs[slot], gsems[slot])

        def wait_gather(slot):
            pltpu.make_async_copy(tab_hbm.at[idx_v.at[0]], gbufs[slot],
                                  gsems[slot]).wait()

        def start_out(l, slot):
            pltpu.async_copy(obufs[slot].at[:, :, pl.ds(0, _BBLK)],
                             out_hbm.at[l, :, wid],
                             osems[slot])

        def wait_out(slot):
            pltpu.make_async_copy(obufs[slot].at[:, :, pl.ds(0, _BBLK)],
                                  out_hbm.at[0, :, 0],
                                  osems[slot]).wait()

        for s in range(_LEAD):
            start_gather(s, s)

        hq = [lax.iota(jnp.int32, _LANES) + q * _LANES for q in range(nq)]
        tq = [h // _SUB for h in hq]
        sq = [lax.rem(h, _SUB) for h in hq]

        def compute(l, slot):
            gbuf, obuf = gbufs[slot], obufs[slot]

            lvec = jnp.full((_LANES,), l, dtype=jnp.int32)
            pos_col = [plsc.load_gather(pos_v, [hq[q], lvec])
                       for q in range(nq)]

            @plsc.parallel_loop(0, _BBLK, unroll=8)
            def j_body(j):
                jvec = jnp.full((_LANES,), j, dtype=jnp.int32)
                for q in range(nq):
                    v = gbuf[j, pl.ds(q * _LANES, _LANES)] + pos_col[q]
                    plsc.store_scatter(obuf, [tq[q], sq[q], jvec], v)

        @pl.loop(0, L // _NBUF)
        def _round(r):
            for s in range(_NBUF):
                l = r * _NBUF + s
                wait_gather(s)

                @pl.when(l >= _NBUF)
                def _():
                    wait_out(s)
                compute(l, s)
                start_out(l, s)
                sa = (s + _LEAD) % _NBUF

                @pl.when(l + _LEAD < L)
                def _():
                    start_gather(l + _LEAD, sa)

        for s in range(_NBUF):
            wait_out(s)

    out5 = emb_kernel(ids_t, word_embeddings, pos_t)
    out = out5.transpose(2, 4, 0, 1, 3).reshape(B, L, H)
    return out

# --- scband reference (transcript-rebuilt; emitter-appended) ---
"""Pipeline reference for scband-trainable-embeddings-74586402063226 (READ-ONLY COPY).

The authoritative reference and input builder live on the scoring server;
editing this copy changes nothing except your own understanding.
"""

import jax, jax.numpy as jnp
import numpy as np

VOCAB = 1000000
HID = 64
MAXPOS = 512
B = 4096
L = 200


def setup_inputs(seed: int = 0) -> dict:
    key = jax.random.key(seed)
    k1, k2, k3 = jax.random.split(key, 3)
    input_ids = jax.random.randint(k1, (B, L), 0, VOCAB, dtype=jnp.int32)
    word_embeddings = jax.random.normal(k2, (VOCAB, HID), dtype=jnp.float32) * 0.02
    # nn.Embedding(padding_idx=0) initializes the padding row to zeros
    word_embeddings = word_embeddings.at[0].set(0.0)
    position_embeddings = jax.random.normal(k3, (MAXPOS, HID), dtype=jnp.float32) * 0.02
    return {
        "input_ids": input_ids,
        "word_embeddings": word_embeddings,
        "position_embeddings": position_embeddings,
    }


def reference(input_ids, word_embeddings, position_embeddings):
    seq_length = input_ids.shape[1]
    position_ids = jnp.broadcast_to(jnp.arange(seq_length, dtype=jnp.int32)[None, :], input_ids.shape)
    words_embeddings = jnp.take(word_embeddings, input_ids, axis=0)
    pos_embeddings = jnp.take(position_embeddings, position_ids, axis=0)
    embeddings = words_embeddings + pos_embeddings
    return embeddings

if __name__ == "__main__":
    import jax
    _d = setup_inputs()
    print(jax.jit(kernel)(*tuple(_d.values())))

</pallas_src>

<mosaic_0001>
#map = affine_map<(d0, d1) -> (0, 0)>
#map1 = affine_map<(d0, d1) -> (0, 0, 0, 0, 0)>
module attributes {stable_mosaic.version = 14 : i64} {
  func.func @emb_kernel(%arg0: i32, %arg1: i32, %arg2: memref<200x4096xi32, #tpu.memory_space<hbm>>, %arg3: memref<1000000x64xf32, #tpu.memory_space<hbm>>, %arg4: memref<64x512xf32, #tpu.memory_space<hbm>>, %arg5: memref<200x8x32x8x128xf32, #tpu.memory_space<hbm>>, %arg6: memref<200x128xi32, #tpu.memory_space<vmem>>, %arg7: memref<64x256xf32, #tpu.memory_space<vmem>>, %arg8: memref<128x64xf32, #tpu.memory_space<vmem>>, %arg9: memref<128x64xf32, #tpu.memory_space<vmem>>, %arg10: memref<128x64xf32, #tpu.memory_space<vmem>>, %arg11: memref<128x64xf32, #tpu.memory_space<vmem>>, %arg12: memref<128x64xf32, #tpu.memory_space<vmem>>, %arg13: memref<8x8x129xf32, #tpu.memory_space<vmem>>, %arg14: memref<8x8x129xf32, #tpu.memory_space<vmem>>, %arg15: memref<8x8x129xf32, #tpu.memory_space<vmem>>, %arg16: memref<8x8x129xf32, #tpu.memory_space<vmem>>, %arg17: memref<8x8x129xf32, #tpu.memory_space<vmem>>, %arg18: memref<!tpu.dma_semaphore, #tpu.memory_space<semaphore_mem>>, %arg19: memref<!tpu.dma_semaphore, #tpu.memory_space<semaphore_mem>>, %arg20: memref<!tpu.dma_semaphore, #tpu.memory_space<semaphore_mem>>, %arg21: memref<!tpu.dma_semaphore, #tpu.memory_space<semaphore_mem>>, %arg22: memref<!tpu.dma_semaphore, #tpu.memory_space<semaphore_mem>>, %arg23: memref<!tpu.dma_semaphore, #tpu.memory_space<semaphore_mem>>, %arg24: memref<!tpu.dma_semaphore, #tpu.memory_space<semaphore_mem>>, %arg25: memref<!tpu.dma_semaphore, #tpu.memory_space<semaphore_mem>>, %arg26: memref<!tpu.dma_semaphore, #tpu.memory_space<semaphore_mem>>, %arg27: memref<!tpu.dma_semaphore, #tpu.memory_space<semaphore_mem>>) attributes {dimension_semantics = [#tpu.dimension_semantics<core_parallel>, #tpu.dimension_semantics<subcore_parallel>], iteration_bounds = array<i64: 2, 16>, scalar_prefetch = 0 : i64, scratch_operands = 22 : i64, tpu.core_type = #tpu.core_type<sc_vector_subcore>, window_params = [{transform_indices = #map}, {transform_indices = #map}, {transform_indices = #map}, {transform_indices = #map1}]} {
    %mul3A = arith.constant 2 : i32
    %mul3A_0 = arith.muli %arg1, %mul3A : i32
    %add3A = arith.addi %mul3A_0, %arg0 : i32
    %mul3A_1 = arith.constant 128 : i32
    %mul3A_2 = arith.muli %add3A, %mul3A_1 : i32
    "tpu.region"() ({
      %run_scoped3A = tpu.sem_alloc : memref<!tpu.dma_semaphore, #tpu.memory_space<semaphore_mem>>
      %dma_start3A_269 = arith.constant 0 : i32
      %dma_start3A_270 = tpu.memref_slice %arg2[%dma_start3A_269, %mul3A_2] : memref<200x4096xi32, #tpu.memory_space<hbm>> -> memref<200x128xi32, #tpu.memory_space<hbm>>
      %dma_start3A_271 = arith.constant 0 : i32
      %dma_start3A_272 = tpu.memref_slice %arg2[%dma_start3A_271, %mul3A_2] : memref<200x4096xi32, #tpu.memory_space<hbm>> -> memref<200x128xi32, #tpu.memory_space<hbm>>
      tpu.enqueue_dma source(%dma_start3A_272 : memref<200x128xi32, #tpu.memory_space<hbm>>) target(%arg6 : memref<200x128xi32, #tpu.memory_space<vmem>>) target_semaphore(%run_scoped3A : memref<!tpu.dma_semaphore, #tpu.memory_space<semaphore_mem>>)
      %dma_wait3A_273 = arith.constant 0 : i32
      %dma_wait3A_274 = tpu.memref_slice %arg2[%dma_wait3A_273, %mul3A_2] : memref<200x4096xi32, #tpu.memory_space<hbm>> -> memref<200x128xi32, #tpu.memory_space<hbm>>
      %dma_wait3A_275 = arith.constant 0 : i32
      %dma_wait3A_276 = tpu.memref_slice %arg2[%dma_wait3A_275, %mul3A_2] : memref<200x4096xi32, #tpu.memory_space<hbm>> -> memref<200x128xi32, #tpu.memory_space<hbm>>
      tpu.wait_dma2 semaphore(%run_scoped3A : memref<!tpu.dma_semaphore, #tpu.memory_space<semaphore_mem>>) src(%dma_wait3A_276 : memref<200x128xi32, #tpu.memory_space<hbm>>) dst(%arg6 : memref<200x128xi32, #tpu.memory_space<vmem>>)
      tpu.yield
    }) : () -> ()
    "tpu.region"() ({
      %run_scoped3A = tpu.sem_alloc : memref<!tpu.dma_semaphore, #tpu.memory_space<semaphore_mem>>
      %dma_start3A_269 = arith.constant 0 : i32
      %dma_start3A_270 = arith.constant 0 : i32
      %dma_start3A_271 = tpu.memref_slice %arg4[%dma_start3A_269, %dma_start3A_270] : memref<64x512xf32, #tpu.memory_space<hbm>> -> memref<64x256xf32, #tpu.memory_space<hbm>>
      %dma_start3A_272 = arith.constant 0 : i32
      %dma_start3A_273 = arith.constant 0 : i32
      %dma_start3A_274 = tpu.memref_slice %arg4[%dma_start3A_272, %dma_start3A_273] : memref<64x512xf32, #tpu.memory_space<hbm>> -> memref<64x256xf32, #tpu.memory_space<hbm>>
      tpu.enqueue_dma source(%dma_start3A_274 : memref<64x256xf32, #tpu.memory_space<hbm>>) target(%arg7 : memref<64x256xf32, #tpu.memory_space<vmem>>) target_semaphore(%run_scoped3A : memref<!tpu.dma_semaphore, #tpu.memory_space<semaphore_mem>>)
      %dma_wait3A_275 = arith.constant 0 : i32
      %dma_wait3A_276 = arith.constant 0 : i32
      %dma_wait3A_277 = tpu.memref_slice %arg4[%dma_wait3A_275, %dma_wait3A_276] : memref<64x512xf32, #tpu.memory_space<hbm>> -> memref<64x256xf32, #tpu.memory_space<hbm>>
      %dma_wait3A_278 = arith.constant 0 : i32
      %dma_wait3A_279 = arith.constant 0 : i32
      %dma_wait3A_280 = tpu.memref_slice %arg4[%dma_wait3A_278, %dma_wait3A_279] : memref<64x512xf32, #tpu.memory_space<hbm>> -> memref<64x256xf32, #tpu.memory_space<hbm>>
      tpu.wait_dma2 semaphore(%run_scoped3A : memref<!tpu.dma_semaphore, #tpu.memory_space<semaphore_mem>>) src(%dma_wait3A_280 : memref<64x256xf32, #tpu.memory_space<hbm>>) dst(%arg7 : memref<64x256xf32, #tpu.memory_space<vmem>>)
      tpu.yield
    }) : () -> ()
    %dma_start3A = arith.constant 0 : i32
    %dma_start3A_3 = arith.constant 0 : i32
    %dma_start3A_4 = tpu.memref_slice %arg6[%dma_start3A, %dma_start3A_3] : memref<200x128xi32, #tpu.memory_space<vmem>> -> memref<1x128xi32, #tpu.memory_space<vmem>>
    %dma_start3A_5 = tpu.memref_squeeze %dma_start3A_4 : memref<1x128xi32, #tpu.memory_space<vmem>> -> memref<128xi32, #tpu.memory_space<vmem>>
    %dma_start3A_6 = arith.constant 0 : i32
    %dma_start3A_7 = arith.constant 0 : i32
    %dma_start3A_8 = tpu.memref_slice %arg3[%dma_start3A_6, %dma_start3A_7] : memref<1000000x64xf32, #tpu.memory_space<hbm>> -> memref<1000000x64xf32, #tpu.memory_space<hbm>>
    tpu.enqueue_indirect_dma source(%dma_start3A_8 : memref<1000000x64xf32, #tpu.memory_space<hbm>>) target(%arg8 : memref<128x64xf32, #tpu.memory_space<vmem>>) offsets(%dma_start3A_5 : memref<128xi32, #tpu.memory_space<vmem>>) semaphore(%arg18 : memref<!tpu.dma_semaphore, #tpu.memory_space<semaphore_mem>>)
    %dma_start3A_9 = arith.constant 1 : i32
    %dma_start3A_10 = arith.constant 0 : i32
    %dma_start3A_11 = tpu.memref_slice %arg6[%dma_start3A_9, %dma_start3A_10] : memref<200x128xi32, #tpu.memory_space<vmem>> -> memref<1x128xi32, #tpu.memory_space<vmem>>
    %dma_start3A_12 = tpu.memref_squeeze %dma_start3A_11 : memref<1x128xi32, #tpu.memory_space<vmem>> -> memref<128xi32, #tpu.memory_space<vmem>>
    %dma_start3A_13 = arith.constant 0 : i32
    %dma_start3A_14 = arith.constant 0 : i32
    %dma_start3A_15 = tpu.memref_slice %arg3[%dma_start3A_13, %dma_start3A_14] : memref<1000000x64xf32, #tpu.memory_space<hbm>> -> memref<1000000x64xf32, #tpu.memory_space<hbm>>
    tpu.enqueue_indirect_dma source(%dma_start3A_15 : memref<1000000x64xf32, #tpu.memory_space<hbm>>) target(%arg9 : memref<128x64xf32, #tpu.memory_space<vmem>>) offsets(%dma_start3A_12 : memref<128xi32, #tpu.memory_space<vmem>>) semaphore(%arg19 : memref<!tpu.dma_semaphore, #tpu.memory_space<semaphore_mem>>)
    %dma_start3A_16 = arith.constant 2 : i32
    %dma_start3A_17 = arith.constant 0 : i32
    %dma_start3A_18 = tpu.memref_slice %arg6[%dma_start3A_16, %dma_start3A_17] : memref<200x128xi32, #tpu.memory_space<vmem>> -> memref<1x128xi32, #tpu.memory_space<vmem>>
    %dma_start3A_19 = tpu.memref_squeeze %dma_start3A_18 : memref<1x128xi32, #tpu.memory_space<vmem>> -> memref<128xi32, #tpu.memory_space<vmem>>
    %dma_start3A_20 = arith.constant 0 : i32
    %dma_start3A_21 = arith.constant 0 : i32
    %dma_start3A_22 = tpu.memref_slice %arg3[%dma_start3A_20, %dma_start3A_21] : memref<1000000x64xf32, #tpu.memory_space<hbm>> -> memref<1000000x64xf32, #tpu.memory_space<hbm>>
    tpu.enqueue_indirect_dma source(%dma_start3A_22 : memref<1000000x64xf32, #tpu.memory_space<hbm>>) target(%arg10 : memref<128x64xf32, #tpu.memory_space<vmem>>) offsets(%dma_start3A_19 : memref<128xi32, #tpu.memory_space<vmem>>) semaphore(%arg20 : memref<!tpu.dma_semaphore, #tpu.memory_space<semaphore_mem>>)
    %iota3A = tpu.iota {dimensions = array<i32: 0>} : vector<16xi32>
    %add3A_23 = arith.constant 0 : i32
    %add3A_24 = vector.broadcast %add3A_23 : i32 to vector<16xi32>
    %add3A_25 = arith.addi %iota3A, %add3A_24 : vector<16xi32>
    %iota3A_26 = tpu.iota {dimensions = array<i32: 0>} : vector<16xi32>
    %add3A_27 = arith.constant 16 : i32
    %add3A_28 = vector.broadcast %add3A_27 : i32 to vector<16xi32>
    %add3A_29 = arith.addi %iota3A_26, %add3A_28 : vector<16xi32>
    %iota3A_30 = tpu.iota {dimensions = array<i32: 0>} : vector<16xi32>
    %add3A_31 = arith.constant 32 : i32
    %add3A_32 = vector.broadcast %add3A_31 : i32 to vector<16xi32>
    %add3A_33 = arith.addi %iota3A_30, %add3A_32 : vector<16xi32>
    %iota3A_34 = tpu.iota {dimensions = array<i32: 0>} : vector<16xi32>
    %add3A_35 = arith.constant 48 : i32
    %add3A_36 = vector.broadcast %add3A_35 : i32 to vector<16xi32>
    %add3A_37 = arith.addi %iota3A_34, %add3A_36 : vector<16xi32>
    %jit3A = arith.constant 8 : i32
    %div3A = vector.broadcast %jit3A : i32 to vector<16xi32>
    %div3A_38 = arith.divsi %add3A_25, %div3A : vector<16xi32>
    %sign3A = arith.constant 0 : i32
    %sign3A_39 = vector.broadcast %sign3A : i32 to vector<16xi32>
    %sign3A_40 = arith.cmpi sgt, %add3A_25, %sign3A_39 : vector<16xi32>
    %sign3A_41 = arith.extui %sign3A_40 : vector<16xi1> to vector<16xi32>
    %sign3A_42 = arith.constant 0 : i32
    %sign3A_43 = vector.broadcast %sign3A_42 : i32 to vector<16xi32>
    %sign3A_44 = arith.cmpi slt, %add3A_25, %sign3A_43 : vector<16xi32>
    %sign3A_45 = arith.extui %sign3A_44 : vector<16xi1> to vector<16xi32>
    %sign3A_46 = arith.subi %sign3A_41, %sign3A_45 : vector<16xi32>
    %sign3A_47 = arith.constant 0 : i32
    %sign3A_48 = arith.cmpi sgt, %jit3A, %sign3A_47 : i32
    %sign3A_49 = arith.extui %sign3A_48 : i1 to i32
    %sign3A_50 = arith.constant 0 : i32
    %sign3A_51 = arith.cmpi slt, %jit3A, %sign3A_50 : i32
    %sign3A_52 = arith.extui %sign3A_51 : i1 to i32
    %sign3A_53 = arith.subi %sign3A_49, %sign3A_52 : i32
    %ne3A = vector.broadcast %sign3A_53 : i32 to vector<16xi32>
    %ne3A_54 = arith.cmpi ne, %sign3A_46, %ne3A : vector<16xi32>
    %rem3A = vector.broadcast %jit3A : i32 to vector<16xi32>
    %rem3A_55 = arith.remsi %add3A_25, %rem3A : vector<16xi32>
    %ne3A_56 = arith.constant 0 : i32
    %ne3A_57 = vector.broadcast %ne3A_56 : i32 to vector<16xi32>
    %ne3A_58 = arith.cmpi ne, %rem3A_55, %ne3A_57 : vector<16xi32>
    %and3A = arith.andi %ne3A_54, %ne3A_58 : vector<16xi1>
    %sub3A = arith.constant 1 : i32
    %sub3A_59 = vector.broadcast %sub3A : i32 to vector<16xi32>
    %sub3A_60 = arith.subi %div3A_38, %sub3A_59 : vector<16xi32>
    %select_n3A = arith.select %and3A, %sub3A_60, %div3A_38 : vector<16xi1>, vector<16xi32>
    %jit3A_61 = arith.constant 8 : i32
    %div3A_62 = vector.broadcast %jit3A_61 : i32 to vector<16xi32>
    %div3A_63 = arith.divsi %add3A_29, %div3A_62 : vector<16xi32>
    %sign3A_64 = arith.constant 0 : i32
    %sign3A_65 = vector.broadcast %sign3A_64 : i32 to vector<16xi32>
    %sign3A_66 = arith.cmpi sgt, %add3A_29, %sign3A_65 : vector<16xi32>
    %sign3A_67 = arith.extui %sign3A_66 : vector<16xi1> to vector<16xi32>
    %sign3A_68 = arith.constant 0 : i32
    %sign3A_69 = vector.broadcast %sign3A_68 : i32 to vector<16xi32>
    %sign3A_70 = arith.cmpi slt, %add3A_29, %sign3A_69 : vector<16xi32>
    %sign3A_71 = arith.extui %sign3A_70 : vector<16xi1> to vector<16xi32>
    %sign3A_72 = arith.subi %sign3A_67, %sign3A_71 : vector<16xi32>
    %sign3A_73 = arith.constant 0 : i32
    %sign3A_74 = arith.cmpi sgt, %jit3A_61, %sign3A_73 : i32
    %sign3A_75 = arith.extui %sign3A_74 : i1 to i32
    %sign3A_76 = arith.constant 0 : i32
    %sign3A_77 = arith.cmpi slt, %jit3A_61, %sign3A_76 : i32
    %sign3A_78 = arith.extui %sign3A_77 : i1 to i32
    %sign3A_79 = arith.subi %sign3A_75, %sign3A_78 : i32
    %ne3A_80 = vector.broadcast %sign3A_79 : i32 to vector<16xi32>
    %ne3A_81 = arith.cmpi ne, %sign3A_72, %ne3A_80 : vector<16xi32>
    %rem3A_82 = vector.broadcast %jit3A_61 : i32 to vector<16xi32>
    %rem3A_83 = arith.remsi %add3A_29, %rem3A_82 : vector<16xi32>
    %ne3A_84 = arith.constant 0 : i32
    %ne3A_85 = vector.broadcast %ne3A_84 : i32 to vector<16xi32>
    %ne3A_86 = arith.cmpi ne, %rem3A_83, %ne3A_85 : vector<16xi32>
    %and3A_87 = arith.andi %ne3A_81, %ne3A_86 : vector<16xi1>
    %sub3A_88 = arith.constant 1 : i32
    %sub3A_89 = vector.broadcast %sub3A_88 : i32 to vector<16xi32>
    %sub3A_90 = arith.subi %div3A_63, %sub3A_89 : vector<16xi32>
    %select_n3A_91 = arith.select %and3A_87, %sub3A_90, %div3A_63 : vector<16xi1>, vector<16xi32>
    %jit3A_92 = arith.constant 8 : i32
    %div3A_93 = vector.broadcast %jit3A_92 : i32 to vector<16xi32>
    %div3A_94 = arith.divsi %add3A_33, %div3A_93 : vector<16xi32>
    %sign3A_95 = arith.constant 0 : i32
    %sign3A_96 = vector.broadcast %sign3A_95 : i32 to vector<16xi32>
    %sign3A_97 = arith.cmpi sgt, %add3A_33, %sign3A_96 : vector<16xi32>
    %sign3A_98 = arith.extui %sign3A_97 : vector<16xi1> to vector<16xi32>
    %sign3A_99 = arith.constant 0 : i32
    %sign3A_100 = vector.broadcast %sign3A_99 : i32 to vector<16xi32>
    %sign3A_101 = arith.cmpi slt, %add3A_33, %sign3A_100 : vector<16xi32>
    %sign3A_102 = arith.extui %sign3A_101 : vector<16xi1> to vector<16xi32>
    %sign3A_103 = arith.subi %sign3A_98, %sign3A_102 : vector<16xi32>
    %sign3A_104 = arith.constant 0 : i32
    %sign3A_105 = arith.cmpi sgt, %jit3A_92, %sign3A_104 : i32
    %sign3A_106 = arith.extui %sign3A_105 : i1 to i32
    %sign3A_107 = arith.constant 0 : i32
    %sign3A_108 = arith.cmpi slt, %jit3A_92, %sign3A_107 : i32
    %sign3A_109 = arith.extui %sign3A_108 : i1 to i32
    %sign3A_110 = arith.subi %sign3A_106, %sign3A_109 : i32
    %ne3A_111 = vector.broadcast %sign3A_110 : i32 to vector<16xi32>
    %ne3A_112 = arith.cmpi ne, %sign3A_103, %ne3A_111 : vector<16xi32>
    %rem3A_113 = vector.broadcast %jit3A_92 : i32 to vector<16xi32>
    %rem3A_114 = arith.remsi %add3A_33, %rem3A_113 : vector<16xi32>
    %ne3A_115 = arith.constant 0 : i32
    %ne3A_116 = vector.broadcast %ne3A_115 : i32 to vector<16xi32>
    %ne3A_117 = arith.cmpi ne, %rem3A_114, %ne3A_116 : vector<16xi32>
    %and3A_118 = arith.andi %ne3A_112, %ne3A_117 : vector<16xi1>
    %sub3A_119 = arith.constant 1 : i32
    %sub3A_120 = vector.broadcast %sub3A_119 : i32 to vector<16xi32>
    %sub3A_121 = arith.subi %div3A_94, %sub3A_120 : vector<16xi32>
    %select_n3A_122 = arith.select %and3A_118, %sub3A_121, %div3A_94 : vector<16xi1>, vector<16xi32>
    %jit3A_123 = arith.constant 8 : i32
    %div3A_124 = vector.broadcast %jit3A_123 : i32 to vector<16xi32>
    %div3A_125 = arith.divsi %add3A_37, %div3A_124 : vector<16xi32>
    %sign3A_126 = arith.constant 0 : i32
    %sign3A_127 = vector.broadcast %sign3A_126 : i32 to vector<16xi32>
    %sign3A_128 = arith.cmpi sgt, %add3A_37, %sign3A_127 : vector<16xi32>
    %sign3A_129 = arith.extui %sign3A_128 : vector<16xi1> to vector<16xi32>
    %sign3A_130 = arith.constant 0 : i32
    %sign3A_131 = vector.broadcast %sign3A_130 : i32 to vector<16xi32>
    %sign3A_132 = arith.cmpi slt, %add3A_37, %sign3A_131 : vector<16xi32>
    %sign3A_133 = arith.extui %sign3A_132 : vector<16xi1> to vector<16xi32>
    %sign3A_134 = arith.subi %sign3A_129, %sign3A_133 : vector<16xi32>
    %sign3A_135 = arith.constant 0 : i32
    %sign3A_136 = arith.cmpi sgt, %jit3A_123, %sign3A_135 : i32
    %sign3A_137 = arith.extui %sign3A_136 : i1 to i32
    %sign3A_138 = arith.constant 0 : i32
    %sign3A_139 = arith.cmpi slt, %jit3A_123, %sign3A_138 : i32
    %sign3A_140 = arith.extui %sign3A_139 : i1 to i32
    %sign3A_141 = arith.subi %sign3A_137, %sign3A_140 : i32
    %ne3A_142 = vector.broadcast %sign3A_141 : i32 to vector<16xi32>
    %ne3A_143 = arith.cmpi ne, %sign3A_134, %ne3A_142 : vector<16xi32>
    %rem3A_144 = vector.broadcast %jit3A_123 : i32 to vector<16xi32>
    %rem3A_145 = arith.remsi %add3A_37, %rem3A_144 : vector<16xi32>
    %ne3A_146 = arith.constant 0 : i32
    %ne3A_147 = vector.broadcast %ne3A_146 : i32 to vector<16xi32>
    %ne3A_148 = arith.cmpi ne, %rem3A_145, %ne3A_147 : vector<16xi32>
    %and3A_149 = arith.andi %ne3A_143, %ne3A_148 : vector<16xi1>
    %sub3A_150 = arith.constant 1 : i32
    %sub3A_151 = vector.broadcast %sub3A_150 : i32 to vector<16xi32>
    %sub3A_152 = arith.subi %div3A_125, %sub3A_151 : vector<16xi32>
    %select_n3A_153 = arith.select %and3A_149, %sub3A_152, %div3A_125 : vector<16xi1>, vector<16xi32>
    %rem3A_154 = arith.constant 8 : i32
    %rem3A_155 = vector.broadcast %rem3A_154 : i32 to vector<16xi32>
    %rem3A_156 = arith.remsi %add3A_25, %rem3A_155 : vector<16xi32>
    %rem3A_157 = arith.constant 8 : i32
    %rem3A_158 = vector.broadcast %rem3A_157 : i32 to vector<16xi32>
    %rem3A_159 = arith.remsi %add3A_29, %rem3A_158 : vector<16xi32>
    %rem3A_160 = arith.constant 8 : i32
    %rem3A_161 = vector.broadcast %rem3A_160 : i32 to vector<16xi32>
    %rem3A_162 = arith.remsi %add3A_33, %rem3A_161 : vector<16xi32>
    %rem3A_163 = arith.constant 8 : i32
    %rem3A_164 = vector.broadcast %rem3A_163 : i32 to vector<16xi32>
    %rem3A_165 = arith.remsi %add3A_37, %rem3A_164 : vector<16xi32>
    %scan3A = arith.constant 0 : i32
    %scan3A_166 = arith.constant 40 : i32
    %scan3A_167 = arith.addi %scan3A, %scan3A_166 : i32
    %scan3A_168 = arith.constant 1 : i32
    scf.for %scan3A_269 = %scan3A to %scan3A_167 step %scan3A_168  : i32 {
      %mul3A_270 = arith.constant 1 : i32
      %mul3A_271 = arith.muli %scan3A_269, %mul3A_270 : i32
      %add3A_272 = arith.constant 0 : i32
      %add3A_273 = arith.addi %add3A_272, %mul3A_271 : i32
      %mul3A_274 = arith.constant 5 : i32
      %mul3A_275 = arith.muli %add3A_273, %mul3A_274 : i32
      %add3A_276 = arith.constant 0 : i32
      %add3A_277 = arith.addi %mul3A_275, %add3A_276 : i32
      %dma_wait3A_278 = arith.constant 0 : i32
      %dma_wait3A_279 = arith.constant 0 : i32
      %dma_wait3A_280 = tpu.memref_slice %arg6[%dma_wait3A_278, %dma_wait3A_279] : memref<200x128xi32, #tpu.memory_space<vmem>> -> memref<1x128xi32, #tpu.memory_space<vmem>>
      %dma_wait3A_281 = tpu.memref_squeeze %dma_wait3A_280 : memref<1x128xi32, #tpu.memory_space<vmem>> -> memref<128xi32, #tpu.memory_space<vmem>>
      %dma_wait3A_282 = arith.constant 0 : i32
      %dma_wait3A_283 = arith.constant 0 : i32
      %dma_wait3A_284 = tpu.memref_slice %arg3[%dma_wait3A_282, %dma_wait3A_283] : memref<1000000x64xf32, #tpu.memory_space<hbm>> -> memref<1000000x64xf32, #tpu.memory_space<hbm>>
      tpu.wait_indirect_dma semaphore(%arg18 : memref<!tpu.dma_semaphore, #tpu.memory_space<semaphore_mem>>) src(%dma_wait3A_284 : memref<1000000x64xf32, #tpu.memory_space<hbm>>) dst(%arg8 : memref<128x64xf32, #tpu.memory_space<vmem>>)
      %ge3A = arith.constant 5 : i32
      %ge3A_285 = arith.cmpi sge, %add3A_277, %ge3A : i32
      %convert_element_type3A = arith.extui %ge3A_285 : i1 to i32
      %cond3A = arith.constant 0 : i32
      %cond3A_286 = arith.cmpi ne, %convert_element_type3A, %cond3A : i32
      scf.if %cond3A_286 {
        %dma_wait3A_512 = arith.constant 0 : i32
        %dma_wait3A_513 = arith.constant 0 : i32
        %dma_wait3A_514 = arith.constant 0 : i32
        %dma_wait3A_515 = arith.constant 0 : i32
        %dma_wait3A_516 = arith.constant 0 : i32
        %dma_wait3A_517 = tpu.memref_slice %arg13[%dma_wait3A_514, %dma_wait3A_515, %dma_wait3A_516] : memref<8x8x129xf32, #tpu.memory_space<vmem>> -> memref<8x8x128xf32, #tpu.memory_space<vmem>>
        %dma_wait3A_518 = arith.constant 0 : i32
        %dma_wait3A_519 = arith.constant 0 : i32
        %dma_wait3A_520 = arith.constant 0 : i32
        %dma_wait3A_521 = tpu.memref_slice %arg5[%dma_wait3A_512, %dma_wait3A_518, %dma_wait3A_513, %dma_wait3A_519, %dma_wait3A_520] : memref<200x8x32x8x128xf32, #tpu.memory_space<hbm>> -> memref<1x8x1x8x128xf32, #tpu.memory_space<hbm>>
        %dma_wait3A_522 = tpu.memref_squeeze %dma_wait3A_521 : memref<1x8x1x8x128xf32, #tpu.memory_space<hbm>> -> memref<8x8x128xf32, #tpu.memory_space<hbm>>
        %dma_wait3A_523 = arith.constant 0 : i32
        %dma_wait3A_524 = arith.constant 0 : i32
        %dma_wait3A_525 = arith.constant 0 : i32
        %dma_wait3A_526 = tpu.memref_slice %arg5[%dma_wait3A_512, %dma_wait3A_523, %dma_wait3A_513, %dma_wait3A_524, %dma_wait3A_525] : memref<200x8x32x8x128xf32, #tpu.memory_space<hbm>> -> memref<1x8x1x8x128xf32, #tpu.memory_space<hbm>>
        %dma_wait3A_527 = tpu.memref_squeeze %dma_wait3A_526 : memref<1x8x1x8x128xf32, #tpu.memory_space<hbm>> -> memref<8x8x128xf32, #tpu.memory_space<hbm>>
        %dma_wait3A_528 = arith.constant 0 : i32
        %dma_wait3A_529 = arith.constant 0 : i32
        %dma_wait3A_530 = arith.constant 0 : i32
        %dma_wait3A_531 = tpu.memref_slice %arg13[%dma_wait3A_528, %dma_wait3A_529, %dma_wait3A_530] : memref<8x8x129xf32, #tpu.memory_space<vmem>> -> memref<8x8x128xf32, #tpu.memory_space<vmem>>
        tpu.wait_dma2 semaphore(%arg23 : memref<!tpu.dma_semaphore, #tpu.memory_space<semaphore_mem>>) src(%dma_wait3A_531 : memref<8x8x128xf32, #tpu.memory_space<vmem>>) dst(%dma_wait3A_527 : memref<8x8x128xf32, #tpu.memory_space<hbm>>)
      } else {
      }
      %broadcast_in_dim3A = vector.broadcast %add3A_277 : i32 to vector<16xi32>
      %gather3A = tpu.vector_load_idx %arg7[%add3A_25, %broadcast_in_dim3A] : memref<64x256xf32, #tpu.memory_space<vmem>>[vector<16xi32>, vector<16xi32>], vector<16xf32>,
      %gather3A_287 = tpu.vector_load_idx %arg7[%add3A_29, %broadcast_in_dim3A] : memref<64x256xf32, #tpu.memory_space<vmem>>[vector<16xi32>, vector<16xi32>], vector<16xf32>,
      %gather3A_288 = tpu.vector_load_idx %arg7[%add3A_33, %broadcast_in_dim3A] : memref<64x256xf32, #tpu.memory_space<vmem>>[vector<16xi32>, vector<16xi32>], vector<16xf32>,
      %gather3A_289 = tpu.vector_load_idx %arg7[%add3A_37, %broadcast_in_dim3A] : memref<64x256xf32, #tpu.memory_space<vmem>>[vector<16xi32>, vector<16xi32>], vector<16xf32>,
      %parallel_loop3A = arith.constant 0 : i32
      %parallel_loop3A_290 = arith.constant 128 : i32
      %parallel_loop3A_291 = arith.constant 1 : i32
      scf.for %parallel_loop3A_512 = %parallel_loop3A to %parallel_loop3A_290 step %parallel_loop3A_291  : i32 {
        %parallel_loop3A_513 = vector.broadcast %parallel_loop3A_512 : i32 to vector<16xi32>
        %parallel_loop3A_514 = arith.index_cast %parallel_loop3A_512 : i32 to index
        %parallel_loop3A_515 = arith.constant 0 : index
        %parallel_loop3A_516 = tpu.vector_load %arg8[%parallel_loop3A_514, %parallel_loop3A_515] {strides = array<i32>} : memref<128x64xf32, #tpu.memory_space<vmem>>, vector<16xf32>,
        %parallel_loop3A_517 = arith.addf %parallel_loop3A_516, %gather3A : vector<16xf32>
        tpu.vector_store_idx %arg13[%select_n3A, %rem3A_156, %parallel_loop3A_513], %parallel_loop3A_517 : memref<8x8x129xf32, #tpu.memory_space<vmem>>[vector<16xi32>, vector<16xi32>, vector<16xi32>], vector<16xf32>,
        %parallel_loop3A_518 = arith.index_cast %parallel_loop3A_512 : i32 to index
        %parallel_loop3A_519 = arith.constant 16 : index
        %parallel_loop3A_520 = tpu.vector_load %arg8[%parallel_loop3A_518, %parallel_loop3A_519] {strides = array<i32>} : memref<128x64xf32, #tpu.memory_space<vmem>>, vector<16xf32>,
        %parallel_loop3A_521 = arith.addf %parallel_loop3A_520, %gather3A_287 : vector<16xf32>
        tpu.vector_store_idx %arg13[%select_n3A_91, %rem3A_159, %parallel_loop3A_513], %parallel_loop3A_521 : memref<8x8x129xf32, #tpu.memory_space<vmem>>[vector<16xi32>, vector<16xi32>, vector<16xi32>], vector<16xf32>,
        %parallel_loop3A_522 = arith.index_cast %parallel_loop3A_512 : i32 to index
        %parallel_loop3A_523 = arith.constant 32 : index
        %parallel_loop3A_524 = tpu.vector_load %arg8[%parallel_loop3A_522, %parallel_loop3A_523] {strides = array<i32>} : memref<128x64xf32, #tpu.memory_space<vmem>>, vector<16xf32>,
        %parallel_loop3A_525 = arith.addf %parallel_loop3A_524, %gather3A_288 : vector<16xf32>
        tpu.vector_store_idx %arg13[%select_n3A_122, %rem3A_162, %parallel_loop3A_513], %parallel_loop3A_525 : memref<8x8x129xf32, #tpu.memory_space<vmem>>[vector<16xi32>, vector<16xi32>, vector<16xi32>], vector<16xf32>,
        %parallel_loop3A_526 = arith.index_cast %parallel_loop3A_512 : i32 to index
        %parallel_loop3A_527 = arith.constant 48 : index
        %parallel_loop3A_528 = tpu.vector_load %arg8[%parallel_loop3A_526, %parallel_loop3A_527] {strides = array<i32>} : memref<128x64xf32, #tpu.memory_space<vmem>>, vector<16xf32>,
        %parallel_loop3A_529 = arith.addf %parallel_loop3A_528, %gather3A_289 : vector<16xf32>
        tpu.vector_store_idx %arg13[%select_n3A_153, %rem3A_165, %parallel_loop3A_513], %parallel_loop3A_529 : memref<8x8x129xf32, #tpu.memory_space<vmem>>[vector<16xi32>, vector<16xi32>, vector<16xi32>], vector<16xf32>,
      } {sc.loop_unroll_factor = 8 : i64, sc.parallel_access}
      %dma_start3A_292 = arith.constant 0 : i32
      %dma_start3A_293 = arith.constant 0 : i32
      %dma_start3A_294 = arith.constant 0 : i32
      %dma_start3A_295 = tpu.memref_slice %arg13[%dma_start3A_292, %dma_start3A_293, %dma_start3A_294] : memref<8x8x129xf32, #tpu.memory_space<vmem>> -> memref<8x8x128xf32, #tpu.memory_space<vmem>>
      %dma_start3A_296 = arith.constant 0 : i32
      %dma_start3A_297 = arith.constant 0 : i32
      %dma_start3A_298 = arith.constant 0 : i32
      %dma_start3A_299 = tpu.memref_slice %arg5[%add3A_277, %dma_start3A_296, %add3A, %dma_start3A_297, %dma_start3A_298] : memref<200x8x32x8x128xf32, #tpu.memory_space<hbm>> -> memref<1x8x1x8x128xf32, #tpu.memory_space<hbm>>
      %dma_start3A_300 = tpu.memref_squeeze %dma_start3A_299 : memref<1x8x1x8x128xf32, #tpu.memory_space<hbm>> -> memref<8x8x128xf32, #tpu.memory_space<hbm>>
      %dma_start3A_301 = arith.constant 0 : i32
      %dma_start3A_302 = arith.constant 0 : i32
      %dma_start3A_303 = arith.constant 0 : i32
      %dma_start3A_304 = tpu.memref_slice %arg5[%add3A_277, %dma_start3A_301, %add3A, %dma_start3A_302, %dma_start3A_303] : memref<200x8x32x8x128xf32, #tpu.memory_space<hbm>> -> memref<1x8x1x8x128xf32, #tpu.memory_space<hbm>>
      %dma_start3A_305 = tpu.memref_squeeze %dma_start3A_304 : memref<1x8x1x8x128xf32, #tpu.memory_space<hbm>> -> memref<8x8x128xf32, #tpu.memory_space<hbm>>
      %dma_start3A_306 = arith.constant 0 : i32
      %dma_start3A_307 = arith.constant 0 : i32
      %dma_start3A_308 = arith.constant 0 : i32
      %dma_start3A_309 = tpu.memref_slice %arg13[%dma_start3A_306, %dma_start3A_307, %dma_start3A_308] : memref<8x8x129xf32, #tpu.memory_space<vmem>> -> memref<8x8x128xf32, #tpu.memory_space<vmem>>
      tpu.enqueue_dma source(%dma_start3A_309 : memref<8x8x128xf32, #tpu.memory_space<vmem>>) target(%dma_start3A_305 : memref<8x8x128xf32, #tpu.memory_space<hbm>>) target_semaphore(%arg23 : memref<!tpu.dma_semaphore, #tpu.memory_space<semaphore_mem>>)
      %add3A_310 = arith.constant 3 : i32
      %add3A_311 = arith.addi %add3A_277, %add3A_310 : i32
      %lt3A = arith.constant 200 : i32
      %lt3A_312 = arith.cmpi slt, %add3A_311, %lt3A : i32
      %convert_element_type3A_313 = arith.extui %lt3A_312 : i1 to i32
      %cond3A_314 = arith.constant 0 : i32
      %cond3A_315 = arith.cmpi ne, %convert_element_type3A_313, %cond3A_314 : i32
      scf.if %cond3A_315 {
        %add3A_512 = arith.constant 3 : i32
        %add3A_513 = arith.addi %add3A_277, %add3A_512 : i32
        %dma_start3A_514 = arith.constant 0 : i32
        %dma_start3A_515 = tpu.memref_slice %arg6[%add3A_513, %dma_start3A_514] : memref<200x128xi32, #tpu.memory_space<vmem>> -> memref<1x128xi32, #tpu.memory_space<vmem>>
        %dma_start3A_516 = tpu.memref_squeeze %dma_start3A_515 : memref<1x128xi32, #tpu.memory_space<vmem>> -> memref<128xi32, #tpu.memory_space<vmem>>
        %dma_start3A_517 = arith.constant 0 : i32
        %dma_start3A_518 = arith.constant 0 : i32
        %dma_start3A_519 = tpu.memref_slice %arg3[%dma_start3A_517, %dma_start3A_518] : memref<1000000x64xf32, #tpu.memory_space<hbm>> -> memref<1000000x64xf32, #tpu.memory_space<hbm>>
        tpu.enqueue_indirect_dma source(%dma_start3A_519 : memref<1000000x64xf32, #tpu.memory_space<hbm>>) target(%arg11 : memref<128x64xf32, #tpu.memory_space<vmem>>) offsets(%dma_start3A_516 : memref<128xi32, #tpu.memory_space<vmem>>) semaphore(%arg21 : memref<!tpu.dma_semaphore, #tpu.memory_space<semaphore_mem>>)
      } else {
      }
      %mul3A_316 = arith.constant 5 : i32
      %mul3A_317 = arith.muli %add3A_273, %mul3A_316 : i32
      %add3A_318 = arith.constant 1 : i32
      %add3A_319 = arith.addi %mul3A_317, %add3A_318 : i32
      %dma_wait3A_320 = arith.constant 0 : i32
      %dma_wait3A_321 = arith.constant 0 : i32
      %dma_wait3A_322 = tpu.memref_slice %arg6[%dma_wait3A_320, %dma_wait3A_321] : memref<200x128xi32, #tpu.memory_space<vmem>> -> memref<1x128xi32, #tpu.memory_space<vmem>>
      %dma_wait3A_323 = tpu.memref_squeeze %dma_wait3A_322 : memref<1x128xi32, #tpu.memory_space<vmem>> -> memref<128xi32, #tpu.memory_space<vmem>>
      %dma_wait3A_324 = arith.constant 0 : i32
      %dma_wait3A_325 = arith.constant 0 : i32
      %dma_wait3A_326 = tpu.memref_slice %arg3[%dma_wait3A_324, %dma_wait3A_325] : memref<1000000x64xf32, #tpu.memory_space<hbm>> -> memref<1000000x64xf32, #tpu.memory_space<hbm>>
      tpu.wait_indirect_dma semaphore(%arg19 : memref<!tpu.dma_semaphore, #tpu.memory_space<semaphore_mem>>) src(%dma_wait3A_326 : memref<1000000x64xf32, #tpu.memory_space<hbm>>) dst(%arg9 : memref<128x64xf32, #tpu.memory_space<vmem>>)
      %ge3A_327 = arith.constant 5 : i32
      %ge3A_328 = arith.cmpi sge, %add3A_319, %ge3A_327 : i32
      %convert_element_type3A_329 = arith.extui %ge3A_328 : i1 to i32
      %cond3A_330 = arith.constant 0 : i32
      %cond3A_331 = arith.cmpi ne, %convert_element_type3A_329, %cond3A_330 : i32
      scf.if %cond3A_331 {
        %dma_wait3A_512 = arith.constant 0 : i32
        %dma_wait3A_513 = arith.constant 0 : i32
        %dma_wait3A_514 = arith.constant 0 : i32
        %dma_wait3A_515 = arith.constant 0 : i32
        %dma_wait3A_516 = arith.constant 0 : i32
        %dma_wait3A_517 = tpu.memref_slice %arg14[%dma_wait3A_514, %dma_wait3A_515, %dma_wait3A_516] : memref<8x8x129xf32, #tpu.memory_space<vmem>> -> memref<8x8x128xf32, #tpu.memory_space<vmem>>
        %dma_wait3A_518 = arith.constant 0 : i32
        %dma_wait3A_519 = arith.constant 0 : i32
        %dma_wait3A_520 = arith.constant 0 : i32
        %dma_wait3A_521 = tpu.memref_slice %arg5[%dma_wait3A_512, %dma_wait3A_518, %dma_wait3A_513, %dma_wait3A_519, %dma_wait3A_520] : memref<200x8x32x8x128xf32, #tpu.memory_space<hbm>> -> memref<1x8x1x8x128xf32, #tpu.memory_space<hbm>>
        %dma_wait3A_522 = tpu.memref_squeeze %dma_wait3A_521 : memref<1x8x1x8x128xf32, #tpu.memory_space<hbm>> -> memref<8x8x128xf32, #tpu.memory_space<hbm>>
        %dma_wait3A_523 = arith.constant 0 : i32
        %dma_wait3A_524 = arith.constant 0 : i32
        %dma_wait3A_525 = arith.constant 0 : i32
        %dma_wait3A_526 = tpu.memref_slice %arg5[%dma_wait3A_512, %dma_wait3A_523, %dma_wait3A_513, %dma_wait3A_524, %dma_wait3A_525] : memref<200x8x32x8x128xf32, #tpu.memory_space<hbm>> -> memref<1x8x1x8x128xf32, #tpu.memory_space<hbm>>
        %dma_wait3A_527 = tpu.memref_squeeze %dma_wait3A_526 : memref<1x8x1x8x128xf32, #tpu.memory_space<hbm>> -> memref<8x8x128xf32, #tpu.memory_space<hbm>>
        %dma_wait3A_528 = arith.constant 0 : i32
        %dma_wait3A_529 = arith.constant 0 : i32
        %dma_wait3A_530 = arith.constant 0 : i32
        %dma_wait3A_531 = tpu.memref_slice %arg14[%dma_wait3A_528, %dma_wait3A_529, %dma_wait3A_530] : memref<8x8x129xf32, #tpu.memory_space<vmem>> -> memref<8x8x128xf32, #tpu.memory_space<vmem>>
        tpu.wait_dma2 semaphore(%arg24 : memref<!tpu.dma_semaphore, #tpu.memory_space<semaphore_mem>>) src(%dma_wait3A_531 : memref<8x8x128xf32, #tpu.memory_space<vmem>>) dst(%dma_wait3A_527 : memref<8x8x128xf32, #tpu.memory_space<hbm>>)
      } else {
      }
      %broadcast_in_dim3A_332 = vector.broadcast %add3A_319 : i32 to vector<16xi32>
      %gather3A_333 = tpu.vector_load_idx %arg7[%add3A_25, %broadcast_in_dim3A_332] : memref<64x256xf32, #tpu.memory_space<vmem>>[vector<16xi32>, vector<16xi32>], vector<16xf32>,
      %gather3A_334 = tpu.vector_load_idx %arg7[%add3A_29, %broadcast_in_dim3A_332] : memref<64x256xf32, #tpu.memory_space<vmem>>[vector<16xi32>, vector<16xi32>], vector<16xf32>,
      %gather3A_335 = tpu.vector_load_idx %arg7[%add3A_33, %broadcast_in_dim3A_332] : memref<64x256xf32, #tpu.memory_space<vmem>>[vector<16xi32>, vector<16xi32>], vector<16xf32>,
      %gather3A_336 = tpu.vector_load_idx %arg7[%add3A_37, %broadcast_in_dim3A_332] : memref<64x256xf32, #tpu.memory_space<vmem>>[vector<16xi32>, vector<16xi32>], vector<16xf32>,
      %parallel_loop3A_337 = arith.constant 0 : i32
      %parallel_loop3A_338 = arith.constant 128 : i32
      %parallel_loop3A_339 = arith.constant 1 : i32
      scf.for %parallel_loop3A_512 = %parallel_loop3A_337 to %parallel_loop3A_338 step %parallel_loop3A_339  : i32 {
        %parallel_loop3A_513 = vector.broadcast %parallel_loop3A_512 : i32 to vector<16xi32>
        %parallel_loop3A_514 = arith.index_cast %parallel_loop3A_512 : i32 to index
        %parallel_loop3A_515 = arith.constant 0 : index
        %parallel_loop3A_516 = tpu.vector_load %arg9[%parallel_loop3A_514, %parallel_loop3A_515] {strides = array<i32>} : memref<128x64xf32, #tpu.memory_space<vmem>>, vector<16xf32>,
        %parallel_loop3A_517 = arith.addf %parallel_loop3A_516, %gather3A_333 : vector<16xf32>
        tpu.vector_store_idx %arg14[%select_n3A, %rem3A_156, %parallel_loop3A_513], %parallel_loop3A_517 : memref<8x8x129xf32, #tpu.memory_space<vmem>>[vector<16xi32>, vector<16xi32>, vector<16xi32>], vector<16xf32>,
        %parallel_loop3A_518 = arith.index_cast %parallel_loop3A_512 : i32 to index
        %parallel_loop3A_519 = arith.constant 16 : index
        %parallel_loop3A_520 = tpu.vector_load %arg9[%parallel_loop3A_518, %parallel_loop3A_519] {strides = array<i32>} : memref<128x64xf32, #tpu.memory_space<vmem>>, vector<16xf32>,
        %parallel_loop3A_521 = arith.addf %parallel_loop3A_520, %gather3A_334 : vector<16xf32>
        tpu.vector_store_idx %arg14[%select_n3A_91, %rem3A_159, %parallel_loop3A_513], %parallel_loop3A_521 : memref<8x8x129xf32, #tpu.memory_space<vmem>>[vector<16xi32>, vector<16xi32>, vector<16xi32>], vector<16xf32>,
        %parallel_loop3A_522 = arith.index_cast %parallel_loop3A_512 : i32 to index
        %parallel_loop3A_523 = arith.constant 32 : index
        %parallel_loop3A_524 = tpu.vector_load %arg9[%parallel_loop3A_522, %parallel_loop3A_523] {strides = array<i32>} : memref<128x64xf32, #tpu.memory_space<vmem>>, vector<16xf32>,
        %parallel_loop3A_525 = arith.addf %parallel_loop3A_524, %gather3A_335 : vector<16xf32>
        tpu.vector_store_idx %arg14[%select_n3A_122, %rem3A_162, %parallel_loop3A_513], %parallel_loop3A_525 : memref<8x8x129xf32, #tpu.memory_space<vmem>>[vector<16xi32>, vector<16xi32>, vector<16xi32>], vector<16xf32>,
        %parallel_loop3A_526 = arith.index_cast %parallel_loop3A_512 : i32 to index
        %parallel_loop3A_527 = arith.constant 48 : index
        %parallel_loop3A_528 = tpu.vector_load %arg9[%parallel_loop3A_526, %parallel_loop3A_527] {strides = array<i32>} : memref<128x64xf32, #tpu.memory_space<vmem>>, vector<16xf32>,
        %parallel_loop3A_529 = arith.addf %parallel_loop3A_528, %gather3A_336 : vector<16xf32>
        tpu.vector_store_idx %arg14[%select_n3A_153, %rem3A_165, %parallel_loop3A_513], %parallel_loop3A_529 : memref<8x8x129xf32, #tpu.memory_space<vmem>>[vector<16xi32>, vector<16xi32>, vector<16xi32>], vector<16xf32>,
      } {sc.loop_unroll_factor = 8 : i64, sc.parallel_access}
      %dma_start3A_340 = arith.constant 0 : i32
      %dma_start3A_341 = arith.constant 0 : i32
      %dma_start3A_342 = arith.constant 0 : i32
      %dma_start3A_343 = tpu.memref_slice %arg14[%dma_start3A_340, %dma_start3A_341, %dma_start3A_342] : memref<8x8x129xf32, #tpu.memory_space<vmem>> -> memref<8x8x128xf32, #tpu.memory_space<vmem>>
      %dma_start3A_344 = arith.constant 0 : i32
      %dma_start3A_345 = arith.constant 0 : i32
      %dma_start3A_346 = arith.constant 0 : i32
      %dma_start3A_347 = tpu.memref_slice %arg5[%add3A_319, %dma_start3A_344, %add3A, %dma_start3A_345, %dma_start3A_346] : memref<200x8x32x8x128xf32, #tpu.memory_space<hbm>> -> memref<1x8x1x8x128xf32, #tpu.memory_space<hbm>>
      %dma_start3A_348 = tpu.memref_squeeze %dma_start3A_347 : memref<1x8x1x8x128xf32, #tpu.memory_space<hbm>> -> memref<8x8x128xf32, #tpu.memory_space<hbm>>
      %dma_start3A_349 = arith.constant 0 : i32
      %dma_start3A_350 = arith.constant 0 : i32
      %dma_start3A_351 = arith.constant 0 : i32
      %dma_start3A_352 = tpu.memref_slice %arg5[%add3A_319, %dma_start3A_349, %add3A, %dma_start3A_350, %dma_start3A_351] : memref<200x8x32x8x128xf32, #tpu.memory_space<hbm>> -> memref<1x8x1x8x128xf32, #tpu.memory_space<hbm>>
      %dma_start3A_353 = tpu.memref_squeeze %dma_start3A_352 : memref<1x8x1x8x128xf32, #tpu.memory_space<hbm>> -> memref<8x8x128xf32, #tpu.memory_space<hbm>>
      %dma_start3A_354 = arith.constant 0 : i32
      %dma_start3A_355 = arith.constant 0 : i32
      %dma_start3A_356 = arith.constant 0 : i32
      %dma_start3A_357 = tpu.memref_slice %arg14[%dma_start3A_354, %dma_start3A_355, %dma_start3A_356] : memref<8x8x129xf32, #tpu.memory_space<vmem>> -> memref<8x8x128xf32, #tpu.memory_space<vmem>>
      tpu.enqueue_dma source(%dma_start3A_357 : memref<8x8x128xf32, #tpu.memory_space<vmem>>) target(%dma_start3A_353 : memref<8x8x128xf32, #tpu.memory_space<hbm>>) target_semaphore(%arg24 : memref<!tpu.dma_semaphore, #tpu.memory_space<semaphore_mem>>)
      %add3A_358 = arith.constant 3 : i32
      %add3A_359 = arith.addi %add3A_319, %add3A_358 : i32
      %lt3A_360 = arith.constant 200 : i32
      %lt3A_361 = arith.cmpi slt, %add3A_359, %lt3A_360 : i32
      %convert_element_type3A_362 = arith.extui %lt3A_361 : i1 to i32
      %cond3A_363 = arith.constant 0 : i32
      %cond3A_364 = arith.cmpi ne, %convert_element_type3A_362, %cond3A_363 : i32
      scf.if %cond3A_364 {
        %add3A_512 = arith.constant 3 : i32
        %add3A_513 = arith.addi %add3A_319, %add3A_512 : i32
        %dma_start3A_514 = arith.constant 0 : i32
        %dma_start3A_515 = tpu.memref_slice %arg6[%add3A_513, %dma_start3A_514] : memref<200x128xi32, #tpu.memory_space<vmem>> -> memref<1x128xi32, #tpu.memory_space<vmem>>
        %dma_start3A_516 = tpu.memref_squeeze %dma_start3A_515 : memref<1x128xi32, #tpu.memory_space<vmem>> -> memref<128xi32, #tpu.memory_space<vmem>>
        %dma_start3A_517 = arith.constant 0 : i32
        %dma_start3A_518 = arith.constant 0 : i32
        %dma_start3A_519 = tpu.memref_slice %arg3[%dma_start3A_517, %dma_start3A_518] : memref<1000000x64xf32, #tpu.memory_space<hbm>> -> memref<1000000x64xf32, #tpu.memory_space<hbm>>
        tpu.enqueue_indirect_dma source(%dma_start3A_519 : memref<1000000x64xf32, #tpu.memory_space<hbm>>) target(%arg12 : memref<128x64xf32, #tpu.memory_space<vmem>>) offsets(%dma_start3A_516 : memref<128xi32, #tpu.memory_space<vmem>>) semaphore(%arg22 : memref<!tpu.dma_semaphore, #tpu.memory_space<semaphore_mem>>)
      } else {
      }
      %mul3A_365 = arith.constant 5 : i32
      %mul3A_366 = arith.muli %add3A_273, %mul3A_365 : i32
      %add3A_367 = arith.constant 2 : i32
      %add3A_368 = arith.addi %mul3A_366, %add3A_367 : i32
      %dma_wait3A_369 = arith.constant 0 : i32
      %dma_wait3A_370 = arith.constant 0 : i32
      %dma_wait3A_371 = tpu.memref_slice %arg6[%dma_wait3A_369, %dma_wait3A_370] : memref<200x128xi32, #tpu.memory_space<vmem>> -> memref<1x128xi32, #tpu.memory_space<vmem>>
      %dma_wait3A_372 = tpu.memref_squeeze %dma_wait3A_371 : memref<1x128xi32, #tpu.memory_space<vmem>> -> memref<128xi32, #tpu.memory_space<vmem>>
      %dma_wait3A_373 = arith.constant 0 : i32
      %dma_wait3A_374 = arith.constant 0 : i32
      %dma_wait3A_375 = tpu.memref_slice %arg3[%dma_wait3A_373, %dma_wait3A_374] : memref<1000000x64xf32, #tpu.memory_space<hbm>> -> memref<1000000x64xf32, #tpu.memory_space<hbm>>
      tpu.wait_indirect_dma semaphore(%arg20 : memref<!tpu.dma_semaphore, #tpu.memory_space<semaphore_mem>>) src(%dma_wait3A_375 : memref<1000000x64xf32, #tpu.memory_space<hbm>>) dst(%arg10 : memref<128x64xf32, #tpu.memory_space<vmem>>)
      %ge3A_376 = arith.constant 5 : i32
      %ge3A_377 = arith.cmpi sge, %add3A_368, %ge3A_376 : i32
      %convert_element_type3A_378 = arith.extui %ge3A_377 : i1 to i32
      %cond3A_379 = arith.constant 0 : i32
      %cond3A_380 = arith.cmpi ne, %convert_element_type3A_378, %cond3A_379 : i32
      scf.if %cond3A_380 {
        %dma_wait3A_512 = arith.constant 0 : i32
        %dma_wait3A_513 = arith.constant 0 : i32
        %dma_wait3A_514 = arith.constant 0 : i32
        %dma_wait3A_515 = arith.constant 0 : i32
        %dma_wait3A_516 = arith.constant 0 : i32
        %dma_wait3A_517 = tpu.memref_slice %arg15[%dma_wait3A_514, %dma_wait3A_515, %dma_wait3A_516] : memref<8x8x129xf32, #tpu.memory_space<vmem>> -> memref<8x8x128xf32, #tpu.memory_space<vmem>>
        %dma_wait3A_518 = arith.constant 0 : i32
        %dma_wait3A_519 = arith.constant 0 : i32
        %dma_wait3A_520 = arith.constant 0 : i32
        %dma_wait3A_521 = tpu.memref_slice %arg5[%dma_wait3A_512, %dma_wait3A_518, %dma_wait3A_513, %dma_wait3A_519, %dma_wait3A_520] : memref<200x8x32x8x128xf32, #tpu.memory_space<hbm>> -> memref<1x8x1x8x128xf32, #tpu.memory_space<hbm>>
        %dma_wait3A_522 = tpu.memref_squeeze %dma_wait3A_521 : memref<1x8x1x8x128xf32, #tpu.memory_space<hbm>> -> memref<8x8x128xf32, #tpu.memory_space<hbm>>
        %dma_wait3A_523 = arith.constant 0 : i32
        %dma_wait3A_524 = arith.constant 0 : i32
        %dma_wait3A_525 = arith.constant 0 : i32
        %dma_wait3A_526 = tpu.memref_slice %arg5[%dma_wait3A_512, %dma_wait3A_523, %dma_wait3A_513, %dma_wait3A_524, %dma_wait3A_525] : memref<200x8x32x8x128xf32, #tpu.memory_space<hbm>> -> memref<1x8x1x8x128xf32, #tpu.memory_space<hbm>>
        %dma_wait3A_527 = tpu.memref_squeeze %dma_wait3A_526 : memref<1x8x1x8x128xf32, #tpu.memory_space<hbm>> -> memref<8x8x128xf32, #tpu.memory_space<hbm>>
        %dma_wait3A_528 = arith.constant 0 : i32
        %dma_wait3A_529 = arith.constant 0 : i32
        %dma_wait3A_530 = arith.constant 0 : i32
        %dma_wait3A_531 = tpu.memref_slice %arg15[%dma_wait3A_528, %dma_wait3A_529, %dma_wait3A_530] : memref<8x8x129xf32, #tpu.memory_space<vmem>> -> memref<8x8x128xf32, #tpu.memory_space<vmem>>
        tpu.wait_dma2 semaphore(%arg25 : memref<!tpu.dma_semaphore, #tpu.memory_space<semaphore_mem>>) src(%dma_wait3A_531 : memref<8x8x128xf32, #tpu.memory_space<vmem>>) dst(%dma_wait3A_527 : memref<8x8x128xf32, #tpu.memory_space<hbm>>)
      } else {
      }
      %broadcast_in_dim3A_381 = vector.broadcast %add3A_368 : i32 to vector<16xi32>
      %gather3A_382 = tpu.vector_load_idx %arg7[%add3A_25, %broadcast_in_dim3A_381] : memref<64x256xf32, #tpu.memory_space<vmem>>[vector<16xi32>, vector<16xi32>], vector<16xf32>,
      %gather3A_383 = tpu.vector_load_idx %arg7[%add3A_29, %broadcast_in_dim3A_381] : memref<64x256xf32, #tpu.memory_space<vmem>>[vector<16xi32>, vector<16xi32>], vector<16xf32>,
      %gather3A_384 = tpu.vector_load_idx %arg7[%add3A_33, %broadcast_in_dim3A_381] : memref<64x256xf32, #tpu.memory_space<vmem>>[vector<16xi32>, vector<16xi32>], vector<16xf32>,
      %gather3A_385 = tpu.vector_load_idx %arg7[%add3A_37, %broadcast_in_dim3A_381] : memref<64x256xf32, #tpu.memory_space<vmem>>[vector<16xi32>, vector<16xi32>], vector<16xf32>,
      %parallel_loop3A_386 = arith.constant 0 : i32
      %parallel_loop3A_387 = arith.constant 128 : i32
      %parallel_loop3A_388 = arith.constant 1 : i32
      scf.for %parallel_loop3A_512 = %parallel_loop3A_386 to %parallel_loop3A_387 step %parallel_loop3A_388  : i32 {
        %parallel_loop3A_513 = vector.broadcast %parallel_loop3A_512 : i32 to vector<16xi32>
        %parallel_loop3A_514 = arith.index_cast %parallel_loop3A_512 : i32 to index
        %parallel_loop3A_515 = arith.constant 0 : index
        %parallel_loop3A_516 = tpu.vector_load %arg10[%parallel_loop3A_514, %parallel_loop3A_515] {strides = array<i32>} : memref<128x64xf32, #tpu.memory_space<vmem>>, vector<16xf32>,
        %parallel_loop3A_517 = arith.addf %parallel_loop3A_516, %gather3A_382 : vector<16xf32>
        tpu.vector_store_idx %arg15[%select_n3A, %rem3A_156, %parallel_loop3A_513], %parallel_loop3A_517 : memref<8x8x129xf32, #tpu.memory_space<vmem>>[vector<16xi32>, vector<16xi32>, vector<16xi32>], vector<16xf32>,
        %parallel_loop3A_518 = arith.index_cast %parallel_loop3A_512 : i32 to index
        %parallel_loop3A_519 = arith.constant 16 : index
        %parallel_loop3A_520 = tpu.vector_load %arg10[%parallel_loop3A_518, %parallel_loop3A_519] {strides = array<i32>} : memref<128x64xf32, #tpu.memory_space<vmem>>, vector<16xf32>,
        %parallel_loop3A_521 = arith.addf %parallel_loop3A_520, %gather3A_383 : vector<16xf32>
        tpu.vector_store_idx %arg15[%select_n3A_91, %rem3A_159, %parallel_loop3A_513], %parallel_loop3A_521 : memref<8x8x129xf32, #tpu.memory_space<vmem>>[vector<16xi32>, vector<16xi32>, vector<16xi32>], vector<16xf32>,
        %parallel_loop3A_522 = arith.index_cast %parallel_loop3A_512 : i32 to index
        %parallel_loop3A_523 = arith.constant 32 : index
        %parallel_loop3A_524 = tpu.vector_load %arg10[%parallel_loop3A_522, %parallel_loop3A_523] {strides = array<i32>} : memref<128x64xf32, #tpu.memory_space<vmem>>, vector<16xf32>,
        %parallel_loop3A_525 = arith.addf %parallel_loop3A_524, %gather3A_384 : vector<16xf32>
        tpu.vector_store_idx %arg15[%select_n3A_122, %rem3A_162, %parallel_loop3A_513], %parallel_loop3A_525 : memref<8x8x129xf32, #tpu.memory_space<vmem>>[vector<16xi32>, vector<16xi32>, vector<16xi32>], vector<16xf32>,
        %parallel_loop3A_526 = arith.index_cast %parallel_loop3A_512 : i32 to index
        %parallel_loop3A_527 = arith.constant 48 : index
        %parallel_loop3A_528 = tpu.vector_load %arg10[%parallel_loop3A_526, %parallel_loop3A_527] {strides = array<i32>} : memref<128x64xf32, #tpu.memory_space<vmem>>, vector<16xf32>,
        %parallel_loop3A_529 = arith.addf %parallel_loop3A_528, %gather3A_385 : vector<16xf32>
        tpu.vector_store_idx %arg15[%select_n3A_153, %rem3A_165, %parallel_loop3A_513], %parallel_loop3A_529 : memref<8x8x129xf32, #tpu.memory_space<vmem>>[vector<16xi32>, vector<16xi32>, vector<16xi32>], vector<16xf32>,
      } {sc.loop_unroll_factor = 8 : i64, sc.parallel_access}
      %dma_start3A_389 = arith.constant 0 : i32
      %dma_start3A_390 = arith.constant 0 : i32
      %dma_start3A_391 = arith.constant 0 : i32
      %dma_start3A_392 = tpu.memref_slice %arg15[%dma_start3A_389, %dma_start3A_390, %dma_start3A_391] : memref<8x8x129xf32, #tpu.memory_space<vmem>> -> memref<8x8x128xf32, #tpu.memory_space<vmem>>
      %dma_start3A_393 = arith.constant 0 : i32
      %dma_start3A_394 = arith.constant 0 : i32
      %dma_start3A_395 = arith.constant 0 : i32
      %dma_start3A_396 = tpu.memref_slice %arg5[%add3A_368, %dma_start3A_393, %add3A, %dma_start3A_394, %dma_start3A_395] : memref<200x8x32x8x128xf32, #tpu.memory_space<hbm>> -> memref<1x8x1x8x128xf32, #tpu.memory_space<hbm>>
      %dma_start3A_397 = tpu.memref_squeeze %dma_start3A_396 : memref<1x8x1x8x128xf32, #tpu.memory_space<hbm>> -> memref<8x8x128xf32, #tpu.memory_space<hbm>>
      %dma_start3A_398 = arith.constant 0 : i32
      %dma_start3A_399 = arith.constant 0 : i32
      %dma_start3A_400 = arith.constant 0 : i32
      %dma_start3A_401 = tpu.memref_slice %arg5[%add3A_368, %dma_start3A_398, %add3A, %dma_start3A_399, %dma_start3A_400] : memref<200x8x32x8x128xf32, #tpu.memory_space<hbm>> -> memref<1x8x1x8x128xf32, #tpu.memory_space<hbm>>
      %dma_start3A_402 = tpu.memref_squeeze %dma_start3A_401 : memref<1x8x1x8x128xf32, #tpu.memory_space<hbm>> -> memref<8x8x128xf32, #tpu.memory_space<hbm>>
      %dma_start3A_403 = arith.constant 0 : i32
      %dma_start3A_404 = arith.constant 0 : i32
      %dma_start3A_405 = arith.constant 0 : i32
      %dma_start3A_406 = tpu.memref_slice %arg15[%dma_start3A_403, %dma_start3A_404, %dma_start3A_405] : memref<8x8x129xf32, #tpu.memory_space<vmem>> -> memref<8x8x128xf32, #tpu.memory_space<vmem>>
      tpu.enqueue_dma source(%dma_start3A_406 : memref<8x8x128xf32, #tpu.memory_space<vmem>>) target(%dma_start3A_402 : memref<8x8x128xf32, #tpu.memory_space<hbm>>) target_semaphore(%arg25 : memref<!tpu.dma_semaphore, #tpu.memory_space<semaphore_mem>>)
      %add3A_407 = arith.constant 3 : i32
      %add3A_408 = arith.addi %add3A_368, %add3A_407 : i32
      %lt3A_409 = arith.constant 200 : i32
      %lt3A_410 = arith.cmpi slt, %add3A_408, %lt3A_409 : i32
      %convert_element_type3A_411 = arith.extui %lt3A_410 : i1 to i32
      %cond3A_412 = arith.constant 0 : i32
      %cond3A_413 = arith.cmpi ne, %convert_element_type3A_411, %cond3A_412 : i32
      scf.if %cond3A_413 {
        %add3A_512 = arith.constant 3 : i32
        %add3A_513 = arith.addi %add3A_368, %add3A_512 : i32
        %dma_start3A_514 = arith.constant 0 : i32
        %dma_start3A_515 = tpu.memref_slice %arg6[%add3A_513, %dma_start3A_514] : memref<200x128xi32, #tpu.memory_space<vmem>> -> memref<1x128xi32, #tpu.memory_space<vmem>>
        %dma_start3A_516 = tpu.memref_squeeze %dma_start3A_515 : memref<1x128xi32, #tpu.memory_space<vmem>> -> memref<128xi32, #tpu.memory_space<vmem>>
        %dma_start3A_517 = arith.constant 0 : i32
        %dma_start3A_518 = arith.constant 0 : i32
        %dma_start3A_519 = tpu.memref_slice %arg3[%dma_start3A_517, %dma_start3A_518] : memref<1000000x64xf32, #tpu.memory_space<hbm>> -> memref<1000000x64xf32, #tpu.memory_space<hbm>>
        tpu.enqueue_indirect_dma source(%dma_start3A_519 : memref<1000000x64xf32, #tpu.memory_space<hbm>>) target(%arg8 : memref<128x64xf32, #tpu.memory_space<vmem>>) offsets(%dma_start3A_516 : memref<128xi32, #tpu.memory_space<vmem>>) semaphore(%arg18 : memref<!tpu.dma_semaphore, #tpu.memory_space<semaphore_mem>>)
      } else {
      }
      %mul3A_414 = arith.constant 5 : i32
      %mul3A_415 = arith.muli %add3A_273, %mul3A_414 : i32
      %add3A_416 = arith.constant 3 : i32
      %add3A_417 = arith.addi %mul3A_415, %add3A_416 : i32
      %dma_wait3A_418 = arith.constant 0 : i32
      %dma_wait3A_419 = arith.constant 0 : i32
      %dma_wait3A_420 = tpu.memref_slice %arg6[%dma_wait3A_418, %dma_wait3A_419] : memref<200x128xi32, #tpu.memory_space<vmem>> -> memref<1x128xi32, #tpu.memory_space<vmem>>
      %dma_wait3A_421 = tpu.memref_squeeze %dma_wait3A_420 : memref<1x128xi32, #tpu.memory_space<vmem>> -> memref<128xi32, #tpu.memory_space<vmem>>
      %dma_wait3A_422 = arith.constant 0 : i32
      %dma_wait3A_423 = arith.constant 0 : i32
      %dma_wait3A_424 = tpu.memref_slice %arg3[%dma_wait3A_422, %dma_wait3A_423] : memref<1000000x64xf32, #tpu.memory_space<hbm>> -> memref<1000000x64xf32, #tpu.memory_space<hbm>>
      tpu.wait_indirect_dma semaphore(%arg21 : memref<!tpu.dma_semaphore, #tpu.memory_space<semaphore_mem>>) src(%dma_wait3A_424 : memref<1000000x64xf32, #tpu.memory_space<hbm>>) dst(%arg11 : memref<128x64xf32, #tpu.memory_space<vmem>>)
      %ge3A_425 = arith.constant 5 : i32
      %ge3A_426 = arith.cmpi sge, %add3A_417, %ge3A_425 : i32
      %convert_element_type3A_427 = arith.extui %ge3A_426 : i1 to i32
      %cond3A_428 = arith.constant 0 : i32
      %cond3A_429 = arith.cmpi ne, %convert_element_type3A_427, %cond3A_428 : i32
      scf.if %cond3A_429 {
        %dma_wait3A_512 = arith.constant 0 : i32
        %dma_wait3A_513 = arith.constant 0 : i32
        %dma_wait3A_514 = arith.constant 0 : i32
        %dma_wait3A_515 = arith.constant 0 : i32
        %dma_wait3A_516 = arith.constant 0 : i32
        %dma_wait3A_517 = tpu.memref_slice %arg16[%dma_wait3A_514, %dma_wait3A_515, %dma_wait3A_516] : memref<8x8x129xf32, #tpu.memory_space<vmem>> -> memref<8x8x128xf32, #tpu.memory_space<vmem>>
        %dma_wait3A_518 = arith.constant 0 : i32
        %dma_wait3A_519 = arith.constant 0 : i32
        %dma_wait3A_520 = arith.constant 0 : i32
        %dma_wait3A_521 = tpu.memref_slice %arg5[%dma_wait3A_512, %dma_wait3A_518, %dma_wait3A_513, %dma_wait3A_519, %dma_wait3A_520] : memref<200x8x32x8x128xf32, #tpu.memory_space<hbm>> -> memref<1x8x1x8x128xf32, #tpu.memory_space<hbm>>
        %dma_wait3A_522 = tpu.memref_squeeze %dma_wait3A_521 : memref<1x8x1x8x128xf32, #tpu.memory_space<hbm>> -> memref<8x8x128xf32, #tpu.memory_space<hbm>>
        %dma_wait3A_523 = arith.constant 0 : i32
        %dma_wait3A_524 = arith.constant 0 : i32
        %dma_wait3A_525 = arith.constant 0 : i32
        %dma_wait3A_526 = tpu.memref_slice %arg5[%dma_wait3A_512, %dma_wait3A_523, %dma_wait3A_513, %dma_wait3A_524, %dma_wait3A_525] : memref<200x8x32x8x128xf32, #tpu.memory_space<hbm>> -> memref<1x8x1x8x128xf32, #tpu.memory_space<hbm>>
        %dma_wait3A_527 = tpu.memref_squeeze %dma_wait3A_526 : memref<1x8x1x8x128xf32, #tpu.memory_space<hbm>> -> memref<8x8x128xf32, #tpu.memory_space<hbm>>
        %dma_wait3A_528 = arith.constant 0 : i32
        %dma_wait3A_529 = arith.constant 0 : i32
        %dma_wait3A_530 = arith.constant 0 : i32
        %dma_wait3A_531 = tpu.memref_slice %arg16[%dma_wait3A_528, %dma_wait3A_529, %dma_wait3A_530] : memref<8x8x129xf32, #tpu.memory_space<vmem>> -> memref<8x8x128xf32, #tpu.memory_space<vmem>>
        tpu.wait_dma2 semaphore(%arg26 : memref<!tpu.dma_semaphore, #tpu.memory_space<semaphore_mem>>) src(%dma_wait3A_531 : memref<8x8x128xf32, #tpu.memory_space<vmem>>) dst(%dma_wait3A_527 : memref<8x8x128xf32, #tpu.memory_space<hbm>>)
      } else {
      }
      %broadcast_in_dim3A_430 = vector.broadcast %add3A_417 : i32 to vector<16xi32>
      %gather3A_431 = tpu.vector_load_idx %arg7[%add3A_25, %broadcast_in_dim3A_430] : memref<64x256xf32, #tpu.memory_space<vmem>>[vector<16xi32>, vector<16xi32>], vector<16xf32>,
      %gather3A_432 = tpu.vector_load_idx %arg7[%add3A_29, %broadcast_in_dim3A_430] : memref<64x256xf32, #tpu.memory_space<vmem>>[vector<16xi32>, vector<16xi32>], vector<16xf32>,
      %gather3A_433 = tpu.vector_load_idx %arg7[%add3A_33, %broadcast_in_dim3A_430] : memref<64x256xf32, #tpu.memory_space<vmem>>[vector<16xi32>, vector<16xi32>], vector<16xf32>,
      %gather3A_434 = tpu.vector_load_idx %arg7[%add3A_37, %broadcast_in_dim3A_430] : memref<64x256xf32, #tpu.memory_space<vmem>>[vector<16xi32>, vector<16xi32>], vector<16xf32>,
      %parallel_loop3A_435 = arith.constant 0 : i32
      %parallel_loop3A_436 = arith.constant 128 : i32
      %parallel_loop3A_437 = arith.constant 1 : i32
      scf.for %parallel_loop3A_512 = %parallel_loop3A_435 to %parallel_loop3A_436 step %parallel_loop3A_437  : i32 {
        %parallel_loop3A_513 = vector.broadcast %parallel_loop3A_512 : i32 to vector<16xi32>
        %parallel_loop3A_514 = arith.index_cast %parallel_loop3A_512 : i32 to index
        %parallel_loop3A_515 = arith.constant 0 : index
        %parallel_loop3A_516 = tpu.vector_load %arg11[%parallel_loop3A_514, %parallel_loop3A_515] {strides = array<i32>} : memref<128x64xf32, #tpu.memory_space<vmem>>, vector<16xf32>,
        %parallel_loop3A_517 = arith.addf %parallel_loop3A_516, %gather3A_431 : vector<16xf32>
        tpu.vector_store_idx %arg16[%select_n3A, %rem3A_156, %parallel_loop3A_513], %parallel_loop3A_517 : memref<8x8x129xf32, #tpu.memory_space<vmem>>[vector<16xi32>, vector<16xi32>, vector<16xi32>], vector<16xf32>,
        %parallel_loop3A_518 = arith.index_cast %parallel_loop3A_512 : i32 to index
        %parallel_loop3A_519 = arith.constant 16 : index
        %parallel_loop3A_520 = tpu.vector_load %arg11[%parallel_loop3A_518, %parallel_loop3A_519] {strides = array<i32>} : memref<128x64xf32, #tpu.memory_space<vmem>>, vector<16xf32>,
        %parallel_loop3A_521 = arith.addf %parallel_loop3A_520, %gather3A_432 : vector<16xf32>
        tpu.vector_store_idx %arg16[%select_n3A_91, %rem3A_159, %parallel_loop3A_513], %parallel_loop3A_521 : memref<8x8x129xf32, #tpu.memory_space<vmem>>[vector<16xi32>, vector<16xi32>, vector<16xi32>], vector<16xf32>,
        %parallel_loop3A_522 = arith.index_cast %parallel_loop3A_512 : i32 to index
        %parallel_loop3A_523 = arith.constant 32 : index
        %parallel_loop3A_524 = tpu.vector_load %arg11[%parallel_loop3A_522, %parallel_loop3A_523] {strides = array<i32>} : memref<128x64xf32, #tpu.memory_space<vmem>>, vector<16xf32>,
        %parallel_loop3A_525 = arith.addf %parallel_loop3A_524, %gather3A_433 : vector<16xf32>
        tpu.vector_store_idx %arg16[%select_n3A_122, %rem3A_162, %parallel_loop3A_513], %parallel_loop3A_525 : memref<8x8x129xf32, #tpu.memory_space<vmem>>[vector<16xi32>, vector<16xi32>, vector<16xi32>], vector<16xf32>,
        %parallel_loop3A_526 = arith.index_cast %parallel_loop3A_512 : i32 to index
        %parallel_loop3A_527 = arith.constant 48 : index
        %parallel_loop3A_528 = tpu.vector_load %arg11[%parallel_loop3A_526, %parallel_loop3A_527] {strides = array<i32>} : memref<128x64xf32, #tpu.memory_space<vmem>>, vector<16xf32>,
        %parallel_loop3A_529 = arith.addf %parallel_loop3A_528, %gather3A_434 : vector<16xf32>
        tpu.vector_store_idx %arg16[%select_n3A_153, %rem3A_165, %parallel_loop3A_513], %parallel_loop3A_529 : memref<8x8x129xf32, #tpu.memory_space<vmem>>[vector<16xi32>, vector<16xi32>, vector<16xi32>], vector<16xf32>,
      } {sc.loop_unroll_factor = 8 : i64, sc.parallel_access}
      %dma_start3A_438 = arith.constant 0 : i32
      %dma_start3A_439 = arith.constant 0 : i32
      %dma_start3A_440 = arith.constant 0 : i32
      %dma_start3A_441 = tpu.memref_slice %arg16[%dma_start3A_438, %dma_start3A_439, %dma_start3A_440] : memref<8x8x129xf32, #tpu.memory_space<vmem>> -> memref<8x8x128xf32, #tpu.memory_space<vmem>>
      %dma_start3A_442 = arith.constant 0 : i32
      %dma_start3A_443 = arith.constant 0 : i32
      %dma_start3A_444 = arith.constant 0 : i32
      %dma_start3A_445 = tpu.memref_slice %arg5[%add3A_417, %dma_start3A_442, %add3A, %dma_start3A_443, %dma_start3A_444] : memref<200x8x32x8x128xf32, #tpu.memory_space<hbm>> -> memref<1x8x1x8x128xf32, #tpu.memory_space<hbm>>
      %dma_start3A_446 = tpu.memref_squeeze %dma_start3A_445 : memref<1x8x1x8x128xf32, #tpu.memory_space<hbm>> -> memref<8x8x128xf32, #tpu.memory_space<hbm>>
      %dma_start3A_447 = arith.constant 0 : i32
      %dma_start3A_448 = arith.constant 0 : i32
      %dma_start3A_449 = arith.constant 0 : i32
      %dma_start3A_450 = tpu.memref_slice %arg5[%add3A_417, %dma_start3A_447, %add3A, %dma_start3A_448, %dma_start3A_449] : memref<200x8x32x8x128xf32, #tpu.memory_space<hbm>> -> memref<1x8x1x8x128xf32, #tpu.memory_space<hbm>>
      %dma_start3A_451 = tpu.memref_squeeze %dma_start3A_450 : memref<1x8x1x8x128xf32, #tpu.memory_space<hbm>> -> memref<8x8x128xf32, #tpu.memory_space<hbm>>
      %dma_start3A_452 = arith.constant 0 : i32
      %dma_start3A_453 = arith.constant 0 : i32
      %dma_start3A_454 = arith.constant 0 : i32
      %dma_start3A_455 = tpu.memref_slice %arg16[%dma_start3A_452, %dma_start3A_453, %dma_start3A_454] : memref<8x8x129xf32, #tpu.memory_space<vmem>> -> memref<8x8x128xf32, #tpu.memory_space<vmem>>
      tpu.enqueue_dma source(%dma_start3A_455 : memref<8x8x128xf32, #tpu.memory_space<vmem>>) target(%dma_start3A_451 : memref<8x8x128xf32, #tpu.memory_space<hbm>>) target_semaphore(%arg26 : memref<!tpu.dma_semaphore, #tpu.memory_space<semaphore_mem>>)
      %add3A_456 = arith.constant 3 : i32
      %add3A_457 = arith.addi %add3A_417, %add3A_456 : i32
      %lt3A_458 = arith.constant 200 : i32
      %lt3A_459 = arith.cmpi slt, %add3A_457, %lt3A_458 : i32
      %convert_element_type3A_460 = arith.extui %lt3A_459 : i1 to i32
      %cond3A_461 = arith.constant 0 : i32
      %cond3A_462 = arith.cmpi ne, %convert_element_type3A_460, %cond3A_461 : i32
      scf.if %cond3A_462 {
        %add3A_512 = arith.constant 3 : i32
        %add3A_513 = arith.addi %add3A_417, %add3A_512 : i32
        %dma_start3A_514 = arith.constant 0 : i32
        %dma_start3A_515 = tpu.memref_slice %arg6[%add3A_513, %dma_start3A_514] : memref<200x128xi32, #tpu.memory_space<vmem>> -> memref<1x128xi32, #tpu.memory_space<vmem>>
        %dma_start3A_516 = tpu.memref_squeeze %dma_start3A_515 : memref<1x128xi32, #tpu.memory_space<vmem>> -> memref<128xi32, #tpu.memory_space<vmem>>
        %dma_start3A_517 = arith.constant 0 : i32
        %dma_start3A_518 = arith.constant 0 : i32
        %dma_start3A_519 = tpu.memref_slice %arg3[%dma_start3A_517, %dma_start3A_518] : memref<1000000x64xf32, #tpu.memory_space<hbm>> -> memref<1000000x64xf32, #tpu.memory_space<hbm>>
        tpu.enqueue_indirect_dma source(%dma_start3A_519 : memref<1000000x64xf32, #tpu.memory_space<hbm>>) target(%arg9 : memref<128x64xf32, #tpu.memory_space<vmem>>) offsets(%dma_start3A_516 : memref<128xi32, #tpu.memory_space<vmem>>) semaphore(%arg19 : memref<!tpu.dma_semaphore, #tpu.memory_space<semaphore_mem>>)
      } else {
      }
      %mul3A_463 = arith.constant 5 : i32
      %mul3A_464 = arith.muli %add3A_273, %mul3A_463 : i32
      %add3A_465 = arith.constant 4 : i32
      %add3A_466 = arith.addi %mul3A_464, %add3A_465 : i32
      %dma_wait3A_467 = arith.constant 0 : i32
      %dma_wait3A_468 = arith.constant 0 : i32
      %dma_wait3A_469 = tpu.memref_slice %arg6[%dma_wait3A_467, %dma_wait3A_468] : memref<200x128xi32, #tpu.memory_space<vmem>> -> memref<1x128xi32, #tpu.memory_space<vmem>>
      %dma_wait3A_470 = tpu.memref_squeeze %dma_wait3A_469 : memref<1x128xi32, #tpu.memory_space<vmem>> -> memref<128xi32, #tpu.memory_space<vmem>>
      %dma_wait3A_471 = arith.constant 0 : i32
      %dma_wait3A_472 = arith.constant 0 : i32
      %dma_wait3A_473 = tpu.memref_slice %arg3[%dma_wait3A_471, %dma_wait3A_472] : memref<1000000x64xf32, #tpu.memory_space<hbm>> -> memref<1000000x64xf32, #tpu.memory_space<hbm>>
      tpu.wait_indirect_dma semaphore(%arg22 : memref<!tpu.dma_semaphore, #tpu.memory_space<semaphore_mem>>) src(%dma_wait3A_473 : memref<1000000x64xf32, #tpu.memory_space<hbm>>) dst(%arg12 : memref<128x64xf32, #tpu.memory_space<vmem>>)
      %ge3A_474 = arith.constant 5 : i32
      %ge3A_475 = arith.cmpi sge, %add3A_466, %ge3A_474 : i32
      %convert_element_type3A_476 = arith.extui %ge3A_475 : i1 to i32
      %cond3A_477 = arith.constant 0 : i32
      %cond3A_478 = arith.cmpi ne, %convert_element_type3A_476, %cond3A_477 : i32
      scf.if %cond3A_478 {
        %dma_wait3A_512 = arith.constant 0 : i32
        %dma_wait3A_513 = arith.constant 0 : i32
        %dma_wait3A_514 = arith.constant 0 : i32
        %dma_wait3A_515 = arith.constant 0 : i32
        %dma_wait3A_516 = arith.constant 0 : i32
        %dma_wait3A_517 = tpu.memref_slice %arg17[%dma_wait3A_514, %dma_wait3A_515, %dma_wait3A_516] : memref<8x8x129xf32, #tpu.memory_space<vmem>> -> memref<8x8x128xf32, #tpu.memory_space<vmem>>
        %dma_wait3A_518 = arith.constant 0 : i32
        %dma_wait3A_519 = arith.constant 0 : i32
        %dma_wait3A_520 = arith.constant 0 : i32
        %dma_wait3A_521 = tpu.memref_slice %arg5[%dma_wait3A_512, %dma_wait3A_518, %dma_wait3A_513, %dma_wait3A_519, %dma_wait3A_520] : memref<200x8x32x8x128xf32, #tpu.memory_space<hbm>> -> memref<1x8x1x8x128xf32, #tpu.memory_space<hbm>>
        %dma_wait3A_522 = tpu.memref_squeeze %dma_wait3A_521 : memref<1x8x1x8x128xf32, #tpu.memory_space<hbm>> -> memref<8x8x128xf32, #tpu.memory_space<hbm>>
        %dma_wait3A_523 = arith.constant 0 : i32
        %dma_wait3A_524 = arith.constant 0 : i32
        %dma_wait3A_525 = arith.constant 0 : i32
        %dma_wait3A_526 = tpu.memref_slice %arg5[%dma_wait3A_512, %dma_wait3A_523, %dma_wait3A_513, %dma_wait3A_524, %dma_wait3A_525] : memref<200x8x32x8x128xf32, #tpu.memory_space<hbm>> -> memref<1x8x1x8x128xf32, #tpu.memory_space<hbm>>
        %dma_wait3A_527 = tpu.memref_squeeze %dma_wait3A_526 : memref<1x8x1x8x128xf32, #tpu.memory_space<hbm>> -> memref<8x8x128xf32, #tpu.memory_space<hbm>>
        %dma_wait3A_528 = arith.constant 0 : i32
        %dma_wait3A_529 = arith.constant 0 : i32
        %dma_wait3A_530 = arith.constant 0 : i32
        %dma_wait3A_531 = tpu.memref_slice %arg17[%dma_wait3A_528, %dma_wait3A_529, %dma_wait3A_530] : memref<8x8x129xf32, #tpu.memory_space<vmem>> -> memref<8x8x128xf32, #tpu.memory_space<vmem>>
        tpu.wait_dma2 semaphore(%arg27 : memref<!tpu.dma_semaphore, #tpu.memory_space<semaphore_mem>>) src(%dma_wait3A_531 : memref<8x8x128xf32, #tpu.memory_space<vmem>>) dst(%dma_wait3A_527 : memref<8x8x128xf32, #tpu.memory_space<hbm>>)
      } else {
      }
      %broadcast_in_dim3A_479 = vector.broadcast %add3A_466 : i32 to vector<16xi32>
      %gather3A_480 = tpu.vector_load_idx %arg7[%add3A_25, %broadcast_in_dim3A_479] : memref<64x256xf32, #tpu.memory_space<vmem>>[vector<16xi32>, vector<16xi32>], vector<16xf32>,
      %gather3A_481 = tpu.vector_load_idx %arg7[%add3A_29, %broadcast_in_dim3A_479] : memref<64x256xf32, #tpu.memory_space<vmem>>[vector<16xi32>, vector<16xi32>], vector<16xf32>,
      %gather3A_482 = tpu.vector_load_idx %arg7[%add3A_33, %broadcast_in_dim3A_479] : memref<64x256xf32, #tpu.memory_space<vmem>>[vector<16xi32>, vector<16xi32>], vector<16xf32>,
      %gather3A_483 = tpu.vector_load_idx %arg7[%add3A_37, %broadcast_in_dim3A_479] : memref<64x256xf32, #tpu.memory_space<vmem>>[vector<16xi32>, vector<16xi32>], vector<16xf32>,
      %parallel_loop3A_484 = arith.constant 0 : i32
      %parallel_loop3A_485 = arith.constant 128 : i32
      %parallel_loop3A_486 = arith.constant 1 : i32
      scf.for %parallel_loop3A_512 = %parallel_loop3A_484 to %parallel_loop3A_485 step %parallel_loop3A_486  : i32 {
        %parallel_loop3A_513 = vector.broadcast %parallel_loop3A_512 : i32 to vector<16xi32>
        %parallel_loop3A_514 = arith.index_cast %parallel_loop3A_512 : i32 to index
        %parallel_loop3A_515 = arith.constant 0 : index
        %parallel_loop3A_516 = tpu.vector_load %arg12[%parallel_loop3A_514, %parallel_loop3A_515] {strides = array<i32>} : memref<128x64xf32, #tpu.memory_space<vmem>>, vector<16xf32>,
        %parallel_loop3A_517 = arith.addf %parallel_loop3A_516, %gather3A_480 : vector<16xf32>
        tpu.vector_store_idx %arg17[%select_n3A, %rem3A_156, %parallel_loop3A_513], %parallel_loop3A_517 : memref<8x8x129xf32, #tpu.memory_space<vmem>>[vector<16xi32>, vector<16xi32>, vector<16xi32>], vector<16xf32>,
        %parallel_loop3A_518 = arith.index_cast %parallel_loop3A_512 : i32 to index
        %parallel_loop3A_519 = arith.constant 16 : index
        %parallel_loop3A_520 = tpu.vector_load %arg12[%parallel_loop3A_518, %parallel_loop3A_519] {strides = array<i32>} : memref<128x64xf32, #tpu.memory_space<vmem>>, vector<16xf32>,
        %parallel_loop3A_521 = arith.addf %parallel_loop3A_520, %gather3A_481 : vector<16xf32>
        tpu.vector_store_idx %arg17[%select_n3A_91, %rem3A_159, %parallel_loop3A_513], %parallel_loop3A_521 : memref<8x8x129xf32, #tpu.memory_space<vmem>>[vector<16xi32>, vector<16xi32>, vector<16xi32>], vector<16xf32>,
        %parallel_loop3A_522 = arith.index_cast %parallel_loop3A_512 : i32 to index
        %parallel_loop3A_523 = arith.constant 32 : index
        %parallel_loop3A_524 = tpu.vector_load %arg12[%parallel_loop3A_522, %parallel_loop3A_523] {strides = array<i32>} : memref<128x64xf32, #tpu.memory_space<vmem>>, vector<16xf32>,
        %parallel_loop3A_525 = arith.addf %parallel_loop3A_524, %gather3A_482 : vector<16xf32>
        tpu.vector_store_idx %arg17[%select_n3A_122, %rem3A_162, %parallel_loop3A_513], %parallel_loop3A_525 : memref<8x8x129xf32, #tpu.memory_space<vmem>>[vector<16xi32>, vector<16xi32>, vector<16xi32>], vector<16xf32>,
        %parallel_loop3A_526 = arith.index_cast %parallel_loop3A_512 : i32 to index
        %parallel_loop3A_527 = arith.constant 48 : index
        %parallel_loop3A_528 = tpu.vector_load %arg12[%parallel_loop3A_526, %parallel_loop3A_527] {strides = array<i32>} : memref<128x64xf32, #tpu.memory_space<vmem>>, vector<16xf32>,
        %parallel_loop3A_529 = arith.addf %parallel_loop3A_528, %gather3A_483 : vector<16xf32>
        tpu.vector_store_idx %arg17[%select_n3A_153, %rem3A_165, %parallel_loop3A_513], %parallel_loop3A_529 : memref<8x8x129xf32, #tpu.memory_space<vmem>>[vector<16xi32>, vector<16xi32>, vector<16xi32>], vector<16xf32>,
      } {sc.loop_unroll_factor = 8 : i64, sc.parallel_access}
      %dma_start3A_487 = arith.constant 0 : i32
      %dma_start3A_488 = arith.constant 0 : i32
      %dma_start3A_489 = arith.constant 0 : i32
      %dma_start3A_490 = tpu.memref_slice %arg17[%dma_start3A_487, %dma_start3A_488, %dma_start3A_489] : memref<8x8x129xf32, #tpu.memory_space<vmem>> -> memref<8x8x128xf32, #tpu.memory_space<vmem>>
      %dma_start3A_491 = arith.constant 0 : i32
      %dma_start3A_492 = arith.constant 0 : i32
      %dma_start3A_493 = arith.constant 0 : i32
      %dma_start3A_494 = tpu.memref_slice %arg5[%add3A_466, %dma_start3A_491, %add3A, %dma_start3A_492, %dma_start3A_493] : memref<200x8x32x8x128xf32, #tpu.memory_space<hbm>> -> memref<1x8x1x8x128xf32, #tpu.memory_space<hbm>>
      %dma_start3A_495 = tpu.memref_squeeze %dma_start3A_494 : memref<1x8x1x8x128xf32, #tpu.memory_space<hbm>> -> memref<8x8x128xf32, #tpu.memory_space<hbm>>
      %dma_start3A_496 = arith.constant 0 : i32
      %dma_start3A_497 = arith.constant 0 : i32
      %dma_start3A_498 = arith.constant 0 : i32
      %dma_start3A_499 = tpu.memref_slice %arg5[%add3A_466, %dma_start3A_496, %add3A, %dma_start3A_497, %dma_start3A_498] : memref<200x8x32x8x128xf32, #tpu.memory_space<hbm>> -> memref<1x8x1x8x128xf32, #tpu.memory_space<hbm>>
      %dma_start3A_500 = tpu.memref_squeeze %dma_start3A_499 : memref<1x8x1x8x128xf32, #tpu.memory_space<hbm>> -> memref<8x8x128xf32, #tpu.memory_space<hbm>>
      %dma_start3A_501 = arith.constant 0 : i32
      %dma_start3A_502 = arith.constant 0 : i32
      %dma_start3A_503 = arith.constant 0 : i32
      %dma_start3A_504 = tpu.memref_slice %arg17[%dma_start3A_501, %dma_start3A_502, %dma_start3A_503] : memref<8x8x129xf32, #tpu.memory_space<vmem>> -> memref<8x8x128xf32, #tpu.memory_space<vmem>>
      tpu.enqueue_dma source(%dma_start3A_504 : memref<8x8x128xf32, #tpu.memory_space<vmem>>) target(%dma_start3A_500 : memref<8x8x128xf32, #tpu.memory_space<hbm>>) target_semaphore(%arg27 : memref<!tpu.dma_semaphore, #tpu.memory_space<semaphore_mem>>)
      %add3A_505 = arith.constant 3 : i32
      %add3A_506 = arith.addi %add3A_466, %add3A_505 : i32
      %lt3A_507 = arith.constant 200 : i32
      %lt3A_508 = arith.cmpi slt, %add3A_506, %lt3A_507 : i32
      %convert_element_type3A_509 = arith.extui %lt3A_508 : i1 to i32
      %cond3A_510 = arith.constant 0 : i32
      %cond3A_511 = arith.cmpi ne, %convert_element_type3A_509, %cond3A_510 : i32
      scf.if %cond3A_511 {
        %add3A_512 = arith.constant 3 : i32
        %add3A_513 = arith.addi %add3A_466, %add3A_512 : i32
        %dma_start3A_514 = arith.constant 0 : i32
        %dma_start3A_515 = tpu.memref_slice %arg6[%add3A_513, %dma_start3A_514] : memref<200x128xi32, #tpu.memory_space<vmem>> -> memref<1x128xi32, #tpu.memory_space<vmem>>
        %dma_start3A_516 = tpu.memref_squeeze %dma_start3A_515 : memref<1x128xi32, #tpu.memory_space<vmem>> -> memref<128xi32, #tpu.memory_space<vmem>>
        %dma_start3A_517 = arith.constant 0 : i32
        %dma_start3A_518 = arith.constant 0 : i32
        %dma_start3A_519 = tpu.memref_slice %arg3[%dma_start3A_517, %dma_start3A_518] : memref<1000000x64xf32, #tpu.memory_space<hbm>> -> memref<1000000x64xf32, #tpu.memory_space<hbm>>
        tpu.enqueue_indirect_dma source(%dma_start3A_519 : memref<1000000x64xf32, #tpu.memory_space<hbm>>) target(%arg10 : memref<128x64xf32, #tpu.memory_space<vmem>>) offsets(%dma_start3A_516 : memref<128xi32, #tpu.memory_space<vmem>>) semaphore(%arg20 : memref<!tpu.dma_semaphore, #tpu.memory_space<semaphore_mem>>)
      } else {
      }
    }
    %scan3A_169 = arith.constant 40 : i32
    %dma_wait3A = arith.constant 0 : i32
    %dma_wait3A_170 = arith.constant 0 : i32
    %dma_wait3A_171 = arith.constant 0 : i32
    %dma_wait3A_172 = arith.constant 0 : i32
    %dma_wait3A_173 = arith.constant 0 : i32
    %dma_wait3A_174 = tpu.memref_slice %arg13[%dma_wait3A_171, %dma_wait3A_172, %dma_wait3A_173] : memref<8x8x129xf32, #tpu.memory_space<vmem>> -> memref<8x8x128xf32, #tpu.memory_space<vmem>>
    %dma_wait3A_175 = arith.constant 0 : i32
    %dma_wait3A_176 = arith.constant 0 : i32
    %dma_wait3A_177 = arith.constant 0 : i32
    %dma_wait3A_178 = tpu.memref_slice %arg5[%dma_wait3A, %dma_wait3A_175, %dma_wait3A_170, %dma_wait3A_176, %dma_wait3A_177] : memref<200x8x32x8x128xf32, #tpu.memory_space<hbm>> -> memref<1x8x1x8x128xf32, #tpu.memory_space<hbm>>
    %dma_wait3A_179 = tpu.memref_squeeze %dma_wait3A_178 : memref<1x8x1x8x128xf32, #tpu.memory_space<hbm>> -> memref<8x8x128xf32, #tpu.memory_space<hbm>>
    %dma_wait3A_180 = arith.constant 0 : i32
    %dma_wait3A_181 = arith.constant 0 : i32
    %dma_wait3A_182 = arith.constant 0 : i32
    %dma_wait3A_183 = tpu.memref_slice %arg5[%dma_wait3A, %dma_wait3A_180, %dma_wait3A_170, %dma_wait3A_181, %dma_wait3A_182] : memref<200x8x32x8x128xf32, #tpu.memory_space<hbm>> -> memref<1x8x1x8x128xf32, #tpu.memory_space<hbm>>
    %dma_wait3A_184 = tpu.memref_squeeze %dma_wait3A_183 : memref<1x8x1x8x128xf32, #tpu.memory_space<hbm>> -> memref<8x8x128xf32, #tpu.memory_space<hbm>>
    %dma_wait3A_185 = arith.constant 0 : i32
    %dma_wait3A_186 = arith.constant 0 : i32
    %dma_wait3A_187 = arith.constant 0 : i32
    %dma_wait3A_188 = tpu.memref_slice %arg13[%dma_wait3A_185, %dma_wait3A_186, %dma_wait3A_187] : memref<8x8x129xf32, #tpu.memory_space<vmem>> -> memref<8x8x128xf32, #tpu.memory_space<vmem>>
    tpu.wait_dma2 semaphore(%arg23 : memref<!tpu.dma_semaphore, #tpu.memory_space<semaphore_mem>>) src(%dma_wait3A_188 : memref<8x8x128xf32, #tpu.memory_space<vmem>>) dst(%dma_wait3A_184 : memref<8x8x128xf32, #tpu.memory_space<hbm>>)
    %dma_wait3A_189 = arith.constant 0 : i32
    %dma_wait3A_190 = arith.constant 0 : i32
    %dma_wait3A_191 = arith.constant 0 : i32
    %dma_wait3A_192 = arith.constant 0 : i32
    %dma_wait3A_193 = arith.constant 0 : i32
    %dma_wait3A_194 = tpu.memref_slice %arg14[%dma_wait3A_191, %dma_wait3A_192, %dma_wait3A_193] : memref<8x8x129xf32, #tpu.memory_space<vmem>> -> memref<8x8x128xf32, #tpu.memory_space<vmem>>
    %dma_wait3A_195 = arith.constant 0 : i32
    %dma_wait3A_196 = arith.constant 0 : i32
    %dma_wait3A_197 = arith.constant 0 : i32
    %dma_wait3A_198 = tpu.memref_slice %arg5[%dma_wait3A_189, %dma_wait3A_195, %dma_wait3A_190, %dma_wait3A_196, %dma_wait3A_197] : memref<200x8x32x8x128xf32, #tpu.memory_space<hbm>> -> memref<1x8x1x8x128xf32, #tpu.memory_space<hbm>>
    %dma_wait3A_199 = tpu.memref_squeeze %dma_wait3A_198 : memref<1x8x1x8x128xf32, #tpu.memory_space<hbm>> -> memref<8x8x128xf32, #tpu.memory_space<hbm>>
    %dma_wait3A_200 = arith.constant 0 : i32
    %dma_wait3A_201 = arith.constant 0 : i32
    %dma_wait3A_202 = arith.constant 0 : i32
    %dma_wait3A_203 = tpu.memref_slice %arg5[%dma_wait3A_189, %dma_wait3A_200, %dma_wait3A_190, %dma_wait3A_201, %dma_wait3A_202] : memref<200x8x32x8x128xf32, #tpu.memory_space<hbm>> -> memref<1x8x1x8x128xf32, #tpu.memory_space<hbm>>
    %dma_wait3A_204 = tpu.memref_squeeze %dma_wait3A_203 : memref<1x8x1x8x128xf32, #tpu.memory_space<hbm>> -> memref<8x8x128xf32, #tpu.memory_space<hbm>>
    %dma_wait3A_205 = arith.constant 0 : i32
    %dma_wait3A_206 = arith.constant 0 : i32
    %dma_wait3A_207 = arith.constant 0 : i32
    %dma_wait3A_208 = tpu.memref_slice %arg14[%dma_wait3A_205, %dma_wait3A_206, %dma_wait3A_207] : memref<8x8x129xf32, #tpu.memory_space<vmem>> -> memref<8x8x128xf32, #tpu.memory_space<vmem>>
    tpu.wait_dma2 semaphore(%arg24 : memref<!tpu.dma_semaphore, #tpu.memory_space<semaphore_mem>>) src(%dma_wait3A_208 : memref<8x8x128xf32, #tpu.memory_space<vmem>>) dst(%dma_wait3A_204 : memref<8x8x128xf32, #tpu.memory_space<hbm>>)
    %dma_wait3A_209 = arith.constant 0 : i32
    %dma_wait3A_210 = arith.constant 0 : i32
    %dma_wait3A_211 = arith.constant 0 : i32
    %dma_wait3A_212 = arith.constant 0 : i32
    %dma_wait3A_213 = arith.constant 0 : i32
    %dma_wait3A_214 = tpu.memref_slice %arg15[%dma_wait3A_211, %dma_wait3A_212, %dma_wait3A_213] : memref<8x8x129xf32, #tpu.memory_space<vmem>> -> memref<8x8x128xf32, #tpu.memory_space<vmem>>
    %dma_wait3A_215 = arith.constant 0 : i32
    %dma_wait3A_216 = arith.constant 0 : i32
    %dma_wait3A_217 = arith.constant 0 : i32
    %dma_wait3A_218 = tpu.memref_slice %arg5[%dma_wait3A_209, %dma_wait3A_215, %dma_wait3A_210, %dma_wait3A_216, %dma_wait3A_217] : memref<200x8x32x8x128xf32, #tpu.memory_space<hbm>> -> memref<1x8x1x8x128xf32, #tpu.memory_space<hbm>>
    %dma_wait3A_219 = tpu.memref_squeeze %dma_wait3A_218 : memref<1x8x1x8x128xf32, #tpu.memory_space<hbm>> -> memref<8x8x128xf32, #tpu.memory_space<hbm>>
    %dma_wait3A_220 = arith.constant 0 : i32
    %dma_wait3A_221 = arith.constant 0 : i32
    %dma_wait3A_222 = arith.constant 0 : i32
    %dma_wait3A_223 = tpu.memref_slice %arg5[%dma_wait3A_209, %dma_wait3A_220, %dma_wait3A_210, %dma_wait3A_221, %dma_wait3A_222] : memref<200x8x32x8x128xf32, #tpu.memory_space<hbm>> -> memref<1x8x1x8x128xf32, #tpu.memory_space<hbm>>
    %dma_wait3A_224 = tpu.memref_squeeze %dma_wait3A_223 : memref<1x8x1x8x128xf32, #tpu.memory_space<hbm>> -> memref<8x8x128xf32, #tpu.memory_space<hbm>>
    %dma_wait3A_225 = arith.constant 0 : i32
    %dma_wait3A_226 = arith.constant 0 : i32
    %dma_wait3A_227 = arith.constant 0 : i32
    %dma_wait3A_228 = tpu.memref_slice %arg15[%dma_wait3A_225, %dma_wait3A_226, %dma_wait3A_227] : memref<8x8x129xf32, #tpu.memory_space<vmem>> -> memref<8x8x128xf32, #tpu.memory_space<vmem>>
    tpu.wait_dma2 semaphore(%arg25 : memref<!tpu.dma_semaphore, #tpu.memory_space<semaphore_mem>>) src(%dma_wait3A_228 : memref<8x8x128xf32, #tpu.memory_space<vmem>>) dst(%dma_wait3A_224 : memref<8x8x128xf32, #tpu.memory_space<hbm>>)
    %dma_wait3A_229 = arith.constant 0 : i32
    %dma_wait3A_230 = arith.constant 0 : i32
    %dma_wait3A_231 = arith.constant 0 : i32
    %dma_wait3A_232 = arith.constant 0 : i32
    %dma_wait3A_233 = arith.constant 0 : i32
    %dma_wait3A_234 = tpu.memref_slice %arg16[%dma_wait3A_231, %dma_wait3A_232, %dma_wait3A_233] : memref<8x8x129xf32, #tpu.memory_space<vmem>> -> memref<8x8x128xf32, #tpu.memory_space<vmem>>
    %dma_wait3A_235 = arith.constant 0 : i32
    %dma_wait3A_236 = arith.constant 0 : i32
    %dma_wait3A_237 = arith.constant 0 : i32
    %dma_wait3A_238 = tpu.memref_slice %arg5[%dma_wait3A_229, %dma_wait3A_235, %dma_wait3A_230, %dma_wait3A_236, %dma_wait3A_237] : memref<200x8x32x8x128xf32, #tpu.memory_space<hbm>> -> memref<1x8x1x8x128xf32, #tpu.memory_space<hbm>>
    %dma_wait3A_239 = tpu.memref_squeeze %dma_wait3A_238 : memref<1x8x1x8x128xf32, #tpu.memory_space<hbm>> -> memref<8x8x128xf32, #tpu.memory_space<hbm>>
    %dma_wait3A_240 = arith.constant 0 : i32
    %dma_wait3A_241 = arith.constant 0 : i32
    %dma_wait3A_242 = arith.constant 0 : i32
    %dma_wait3A_243 = tpu.memref_slice %arg5[%dma_wait3A_229, %dma_wait3A_240, %dma_wait3A_230, %dma_wait3A_241, %dma_wait3A_242] : memref<200x8x32x8x128xf32, #tpu.memory_space<hbm>> -> memref<1x8x1x8x128xf32, #tpu.memory_space<hbm>>
    %dma_wait3A_244 = tpu.memref_squeeze %dma_wait3A_243 : memref<1x8x1x8x128xf32, #tpu.memory_space<hbm>> -> memref<8x8x128xf32, #tpu.memory_space<hbm>>
    %dma_wait3A_245 = arith.constant 0 : i32
    %dma_wait3A_246 = arith.constant 0 : i32
    %dma_wait3A_247 = arith.constant 0 : i32
    %dma_wait3A_248 = tpu.memref_slice %arg16[%dma_wait3A_245, %dma_wait3A_246, %dma_wait3A_247] : memref<8x8x129xf32, #tpu.memory_space<vmem>> -> memref<8x8x128xf32, #tpu.memory_space<vmem>>
    tpu.wait_dma2 semaphore(%arg26 : memref<!tpu.dma_semaphore, #tpu.memory_space<semaphore_mem>>) src(%dma_wait3A_248 : memref<8x8x128xf32, #tpu.memory_space<vmem>>) dst(%dma_wait3A_244 : memref<8x8x128xf32, #tpu.memory_space<hbm>>)
    %dma_wait3A_249 = arith.constant 0 : i32
    %dma_wait3A_250 = arith.constant 0 : i32
    %dma_wait3A_251 = arith.constant 0 : i32
    %dma_wait3A_252 = arith.constant 0 : i32
    %dma_wait3A_253 = arith.constant 0 : i32
    %dma_wait3A_254 = tpu.memref_slice %arg17[%dma_wait3A_251, %dma_wait3A_252, %dma_wait3A_253] : memref<8x8x129xf32, #tpu.memory_space<vmem>> -> memref<8x8x128xf32, #tpu.memory_space<vmem>>
    %dma_wait3A_255 = arith.constant 0 : i32
    %dma_wait3A_256 = arith.constant 0 : i32
    %dma_wait3A_257 = arith.constant 0 : i32
    %dma_wait3A_258 = tpu.memref_slice %arg5[%dma_wait3A_249, %dma_wait3A_255, %dma_wait3A_250, %dma_wait3A_256, %dma_wait3A_257] : memref<200x8x32x8x128xf32, #tpu.memory_space<hbm>> -> memref<1x8x1x8x128xf32, #tpu.memory_space<hbm>>
    %dma_wait3A_259 = tpu.memref_squeeze %dma_wait3A_258 : memref<1x8x1x8x128xf32, #tpu.memory_space<hbm>> -> memref<8x8x128xf32, #tpu.memory_space<hbm>>
    %dma_wait3A_260 = arith.constant 0 : i32
    %dma_wait3A_261 = arith.constant 0 : i32
    %dma_wait3A_262 = arith.constant 0 : i32
    %dma_wait3A_263 = tpu.memref_slice %arg5[%dma_wait3A_249, %dma_wait3A_260, %dma_wait3A_250, %dma_wait3A_261, %dma_wait3A_262] : memref<200x8x32x8x128xf32, #tpu.memory_space<hbm>> -> memref<1x8x1x8x128xf32, #tpu.memory_space<hbm>>
    %dma_wait3A_264 = tpu.memref_squeeze %dma_wait3A_263 : memref<1x8x1x8x128xf32, #tpu.memory_space<hbm>> -> memref<8x8x128xf32, #tpu.memory_space<hbm>>
    %dma_wait3A_265 = arith.constant 0 : i32
    %dma_wait3A_266 = arith.constant 0 : i32
    %dma_wait3A_267 = arith.constant 0 : i32
    %dma_wait3A_268 = tpu.memref_slice %arg17[%dma_wait3A_265, %dma_wait3A_266, %dma_wait3A_267] : memref<8x8x129xf32, #tpu.memory_space<vmem>> -> memref<8x8x128xf32, #tpu.memory_space<vmem>>
    tpu.wait_dma2 semaphore(%arg27 : memref<!tpu.dma_semaphore, #tpu.memory_space<semaphore_mem>>) src(%dma_wait3A_268 : memref<8x8x128xf32, #tpu.memory_space<vmem>>) dst(%dma_wait3A_264 : memref<8x8x128xf32, #tpu.memory_space<hbm>>)
    return
  }
}

</mosaic_0001>

<sc_bundles>
// kernel: kernel.3.cloned.1.call-start
scs
__scs_entry_jumppad:
0x0: {  	(pc) =	sbr.rel $0x88, $3  }
0x1: {  	(tag) =	ssettag $0x0;
	lr =	simm.s32 $0x1  }
0x2: {  	[smem:$0x3F9E] =	sst lr;
	_ =	strace $0xD0000000  }
0x3: {  	_ = 	snop  }
0x4: {  	_ = 	snop  }
0x5: {  	_ = 	snop  }
0x6: {  	_ = 	snop  }
0x7: {  	_ = 	snop  }
__scs_overlays_trampoline_lowered:
0x8: {  	[smem:$0x3FAD] =	sst s0  }
0x9: {  	[smem:$0x3FAE] =	sst s1  }
0xa: {  	[smem:$0x3FAF] =	sst s2  }
0xb: {  	[smem:$0x3FB0] =	sst s3  }
0xc: {  	[smem:$0x3FB1] =	sst s4  }
0xd: {  	[smem:$0x3FB2] =	sst s5  }
0xe: {  	[smem:$0x3FB3] =	sst s6  }
0xf: {  	[smem:$0x3FB4] =	sst s7  }
0x10: {  	[smem:$0x3FB5] =	sst s8  }
0x11: {  	[smem:$0x3FB6] =	sst s9;
	s0 =	simm.s32 @!p0 $0x0  }
0x12: {  	s1 =	sld [smem:$0x3F9C];
	s0 =	simm.s32 @p0 $0x1  }
0x13: {  	[smem:$0x3FB7] =	sst s0;
	s0 =	simm.s32 @!p1 $0x0  }
0x14: {  	s2 =	sld [smem:$0x3F9B];
	s0 =	simm.s32 @p1 $0x1  }
0x15: {  	[smem:$0x3FB8] =	sst s0;
	s0 =	simm.s32 @!p2 $0x0  }
0x16: {  	s3 =	sld [smem:$0x3FDB];
	s0 =	simm.s32 @p2 $0x1  }
0x17: {  	s4 =	simm.s32 $0x1BF5;
	[smem:$0x3FBA] =	sst s0  }
0x18: {  	s0 =	sld [smem:$0x3F9D];
	_ =	swait.ge [sflag:s4], $0x0  }
0x19: {  	s7 =	sld [smem:$0x3F9E]  }
0x1a: {  	s8 =	sadd.s32 $0xFFFFE003, lr  }
0x1b: {  	s9 =	sadd.s32 $0xFFFFFEF7, lr;
	s5 =	simm.s32 $0xFFFFFFFF;
	p2 =	slt.u32 s8, $0xFFFFF086  }
0x1c: {  	p1 =	slt.u32 s9, $0xF7A;
	s5 =	simm.s32 @!p2 $0x0  }
0x1d: {  	s5 =	simm.s32 @p1 $0x1;
	p0 =	seq.s32 s7, s2  }
0x1e: {  	s7 =	smul.u32 @!p0 $0xF7A, s2;
	p2 =	seq.s32 @!p0 s5, $0x0  }
0x1f: {  	s9 =	smul.u32 $0xF7A, s1;
	s8 =	simm.s32 @!p0 $0x1BF5;
	p2 =	por !p2, p0  }
0x20: {  	[sflag:s8] =	ssyncset.s32 @!p0 $0xFFFFF086;
	s6 =	sadd.s32 @!p0 s3, s7;
	s7 =	simm.s32 @!p0 $0x108  }
0x21: {  	s3 =	sadd.s32 s3, s9;
	s6 =	sadd.s32 @!p0 $0x88, s6;
	s7 =	simm.s32 @p2 $0x1082  }
0x22: {  	[simem:s7], [sflag:s8] =	dma.local @!p0 [hbm:s6], $0xF7A  }
0x23: {  	s9 =	sor.u32 $0xD0000000, s2;
	s6 =	simm.s32 $0x108;
	_ =	swait.ge @!p0 [sflag:s8], $0x0  }
0x24: {  	s3 =	sadd.s32 $0x88, s3;
	s6 =	simm.s32 @!p1 $0x1082;
	[sflag:s4] =	ssyncset.s32 $0xFFFFF086  }
0x25: {  	[simem:s6], [sflag:s4] =	dma.local [hbm:s3], $0xF7A  }
0x26: {  	[smem:$0x3F9E] =	sst s1;
	(tag) =	ssettag s2;
	_ =	strace s9  }
0x27: {  	s1 =	sld [smem:$0x3FAE]  }
0x28: {  	s2 =	sld [smem:$0x3FAF]  }
0x29: {  	s4 =	sld [smem:$0x3FB1]  }
0x2a: {  	p0 =	seq.s32 s5, $0x0;
	s5 =	sld [smem:$0x3FB2]  }
0x2b: {  	s6 =	sld [smem:$0x3FB3]  }
0x2c: {  	s7 =	sld [smem:$0x3FB4]  }
0x2d: {  	s3 =	simm.s32 $0x108;
	s8 =	sld [smem:$0x3FB5]  }
0x2e: {  	s3 =	simm.s32 @!p0 $0x1082;
	s9 =	sld [smem:$0x3FB6]  }
0x2f: {  	lr =	sadd.s32 s0, s3;
	s0 =	sld [smem:$0x3FAD]  }
0x30: {  	s3 =	sld [smem:$0x3FB0]  }
0x31: {  	[smem:$0x3FB9] =	sst s10  }
0x32: {  	s10 =	sld [smem:$0x3FB7];
	_ =	sdelay $0x3  }
0x33: {  	p0 =	seq.s32 s10, $0x1;
	s10 =	sld [smem:$0x3FB9];
	_ =	sdelay $0x3  }
0x34: {  	[smem:$0x3FB9] =	sst s10  }
0x35: {  	s10 =	sld [smem:$0x3FB8];
	_ =	sdelay $0x3  }
0x36: {  	p1 =	seq.s32 s10, $0x1;
	s10 =	sld [smem:$0x3FB9];
	_ =	sdelay $0x3  }
0x37: {  	[smem:$0x3FB9] =	sst s10  }
0x38: {  	s10 =	sld [smem:$0x3FBA]  }
0x39: {  	_ = 	snop;
	(pc) =	sbr.ind lr, $3  }
0x3a: {  	_ = 	snop  }
0x3b: {  	_ = 	snop  }
0x3c: {  	p2 =	seq.s32 s10, $0x1;
	s10 =	sld [smem:$0x3FB9]  }
0x3d: {  	_ =	shalt  }
0x3e: {  	_ =	shalt  }
0x3f: {  	_ =	shalt  }
0x40: {  	_ =	shalt  }
0x41: {  	_ =	shalt  }
0x42: {  	_ =	shalt  }
0x43: {  	_ =	shalt  }
0x44: {  	_ =	shalt  }
0x45: {  	_ =	shalt  }
0x46: {  	_ =	shalt  }
0x47: {  	_ =	shalt  }
0x48: {  	_ =	shalt  }
0x49: {  	_ =	shalt  }
0x4a: {  	_ =	shalt  }
0x4b: {  	_ =	shalt  }
0x4c: {  	_ =	shalt  }
0x4d: {  	_ =	shalt  }
0x4e: {  	_ =	shalt  }
0x4f: {  	_ =	shalt  }
0x50: {  	_ =	shalt  }
0x51: {  	_ =	shalt  }
0x52: {  	_ =	shalt  }
0x53: {  	_ =	shalt  }
0x54: {  	_ =	shalt  }
0x55: {  	_ =	shalt  }
0x56: {  	_ =	shalt  }
0x57: {  	_ =	shalt  }
0x58: {  	_ =	shalt  }
0x59: {  	_ =	shalt  }
0x5a: {  	_ =	shalt  }
0x5b: {  	_ =	shalt  }
0x5c: {  	_ =	shalt  }
0x5d: {  	_ =	shalt  }
0x5e: {  	_ =	shalt  }
0x5f: {  	_ =	shalt  }
0x60: {  	_ =	shalt  }
0x61: {  	_ =	shalt  }
0x62: {  	_ =	shalt  }
0x63: {  	_ =	shalt  }
0x64: {  	_ =	shalt  }
0x65: {  	_ =	shalt  }
0x66: {  	_ =	shalt  }
0x67: {  	_ =	shalt  }
0x68: {  	_ =	shalt  }
0x69: {  	_ =	shalt  }
0x6a: {  	_ =	shalt  }
0x6b: {  	_ =	shalt  }
0x6c: {  	_ =	shalt  }
0x6d: {  	_ =	shalt  }
0x6e: {  	_ =	shalt  }
0x6f: {  	_ =	shalt  }
0x70: {  	_ =	shalt  }
0x71: {  	_ =	shalt  }
0x72: {  	_ =	shalt  }
0x73: {  	_ =	shalt  }
0x74: {  	_ =	shalt  }
0x75: {  	_ =	shalt  }
0x76: {  	_ =	shalt  }
0x77: {  	_ =	shalt  }
0x78: {  	_ =	shalt  }
0x79: {  	_ =	shalt  }
0x7a: {  	_ =	shalt  }
0x7b: {  	_ =	shalt  }
0x7c: {  	_ =	shalt  }
0x7d: {  	_ =	shalt  }
0x7e: {  	_ =	shalt  }
0x7f: {  	_ =	shalt  }
0x80: {  	_ =	shalt  }
0x81: {  	_ =	shalt  }
0x82: {  	_ =	shalt  }
0x83: {  	_ =	shalt  }
0x84: {  	_ =	shalt  }
0x85: {  	_ =	shalt  }
0x86: {  	_ =	shalt  }
0x87: {  	_ =	shalt  }
.Lfunc_end0:
.L_simem_size_0:
called_computation_lowered:
.L_overlay_start_0:
0x88: {  	s2 =	sld [smem:$0x3FD9]  }
0x89: {  	s3 =	sld [smem:$0x3FFE];
	_ =	sdelay $0x1  }
0x8a: {  	s1 =	srdreg.scid  }
0x8b: {  	s0 =	sand.u32 $0x1, s1  }
0x8c: {  	s17 =	sshll.u32 s0, $0xA;
	s2 =	sadd.s32 s3, s2  }
0x8d: {  	s2 =	sadd.s32 s2, s17  }
0x8e: {  	[smem:$0x3FC5] =	sst s2  }
0x8f: {  	_ = 	snop  }
0x90: {  	s2 =	sld [smem:$0x3FD0];
	(tm) =	ssettm $0x1  }
0x91: {  	s18 =	sld [smem:$0x3FFB];
	_ =	sdelay $0x3  }
0x92: {  	_ =	strace s18  }
0x93: {  	s3 =	sld [smem:$0x3FFC];
	_ =	sdelay $0x3  }
0x94: {  	_ =	strace s3  }
0x95: {  	s3 =	sld [smem:$0x3FFD];
	_ =	sdelay $0x3  }
0x96: {  	_ =	strace s3  }
0x97: {  	_ =	strace $0x8FFFFFFF  }
0x98: {  	s19 =	sld [smem:$0x3FDB];
	_ =	sdelay $0x1  }
0x99: {  	s4 =	simm.s32 $_scs_section_size  }
0x9a: {  	s5 =	simm.s32 $_size__tile_overlayer_lowered;
	s6 =	simm.s32 $_tile_overlayer_lowered  }
0x9b: {  	s22 =	simm.s32 $0x1BFF;
	s21 =	sshll.u32 s6, $0x1;
	s3 =	sadd.s32 s4, s19  }
0x9c: {  	s7 =	simm.s32 $0x0;
	s20 =	sshll.u32 s5, $0x1;
	s5 =	sadd.s32 s21, s3  }
0x9d: {  	[timem:s7], [sflag:s22] =	dma.local [hbm:s5], s20  }
0x9e: {  	_ =	swait.ge [sflag:s22], s20  }
0x9f: {  	s4 =	ssub.s32 $0x0, s20;
	[sflag:s22] =	ssyncset.done $0x0  }
0xa0: {  	[sflag:s22] =	ssyncadd.s32 s4;
	_ =	sdelay $0x1  }
0xa1: {  	s23 =	simm.s32 $0x1B8B  }
0xa2: {  	_ =	swait.ge [sflag:s23], $0x1  }
0xa3: {  	[sflag:s23] =	ssyncset.done $0x0  }
0xa4: {  	s25 =	simm.s32 $0x1B8E;
	s24 =	sld [smem:$0x3FFE];
	[sflag:s23] =	ssyncadd.s32 $0xFFFFFFFF  }
0xa5: {  	s26 =	simm.s32 $execute0_lowered;
	[smem:$0x3FD2] =	sst s25  }
0xa6: {  	s5 =	sshll.u32 s26, $0x1;
	_ =	strace $0x80000046;
	[dreg:$0x1] =	wrdreg $0xFFFFFFFF  }
0xa7: {  	s28 =	simm.s32 $_size_execute0_lowered;
	s3 =	sadd.s32 s3, s5;
	[dreg:$0x0] =	wrdreg $0x0  }
0xa8: {  	s5 =	sshll.u32 s28, $0x1;
	[dreg:$0x2] =	wrdreg s3  }
0xa9: {  	[dreg:$0x3] =	wrdreg s5  }
0xaa: {  	[dreg:$0x4] =	wrdreg $0xC0  }
0xab: {  	_ =	task [dreg:s7], $0x5FFFF  }
0xac: {  	[dreg:$0x1] =	wrdreg $0xFFFFFFFF  }
0xad: {  	[dreg:$0x0] =	wrdreg $0x60  }
0xae: {  	[dreg:$0x2] =	wrdreg s24  }
0xaf: {  	[dreg:$0x3] =	wrdreg s2  }
0xb0: {  	[dreg:$0x4] =	wrdreg $0x9  }
0xb1: {  	_ =	task.clear_ibuf [dreg:s7], $0x5FFFF;
	_ =	strace $0x90000046  }
0xb2: {  	s29 =	simm.s32 $0x9;
	_ =	strace $0x80000048  }
0xb3: {  	_ =	swait.ge [sflag:s29], $0x1  }
0xb4: {  	[sflag:s29] =	ssyncadd.s32 $0xFFFFFFFF  }
0xb5: {  	_ =	strace $0x90000048  }
0xb6: {  	_ =	sfence  }
0xb7: {  	s30 =	sld [smem:$0x0];
	_ =	sdelay $0x2  }
0xb8: {  	s31 =	sshll.u32 s1, $0xD;
	s1 =	sshrl.u32 s1, $0x2  }
0xb9: {  	s3 =	sand.u32 $0x4000, s31;
	s1 =	sadd.s32 s1, s30  }
0xba: {  	s0 =	sor.u32 s3, s0;
	s1 =	sshll.u32 s1, $0x11  }
0xbb: {  	s0 =	sor.u32 s1, s0  }
0xbc: {  	s0 =	sadd.s32 $0x8F2B, s0  }
0xbd: {  	[sflag:s0] =	ssyncadd.remote.s32 $0x1  }
0xbe: {  	_ =	sfence.sel $0xFFFF  }
0xbf: {  	[dreg:$0x0] =	wrdreg $0xFFFFFFFF;
	(pc) =	sbr.abs _section_cstart, $3  }
0xc0: {  	[dreg:$0x1] =	wrdreg $0xFFFFFFFF  }
0xc1: {  	_ =	task.clear_ibuf [dreg:s7], $0x2FFFF;
	_ =	strace $0x9FFFFFFF  }
0xc2: {  	(tm) =	ssettm $0x7FFFFFFF  }
0xc3: {  	_ =	shalt  }
tec
execute0_lowered:
.L_overlay_start_1:
0x0: {  	(tag) =	ssettag $0x1  }
0x1: {  	v0 =	vlaneseq.u32  }
0x2: {  	v1 =	vmul.u32 $0x100, v0  }
0x3: {  	s3 =	stileid.u32  }
0x4: {  	s0 =	rddreg [dreg:$0x0];
	s4 =	sshll.u32 s3, $0x1;
	s3 =	simm.s32 $0x0;
	v2 =	vor.u32 $0x1000, v1  }
0x5: {  	v36 =	vmul.u32 $0x88, v0;
	[smem:$0x7FF] =	sst s3;
	v44 =	vor.u32 $0x2000, v1;
	[tilespmem:$0x1FDC0] =	vst v2  }
0x6: {  	s2 =	rddreg [dreg:$0x1];
	_ =	strace $0x80000047;
	[tilespmem:$0x1FDD0] =	vst v44  }
0x7: {  	v46 =	vadd.s32 $0x884, v36;
	[tilespmem:$0x1FDE0] =	vst v1  }
0x8: {  	v52 =	vadd.s32 $0x1985, v36;
	[tilespmem:$0x1FE00] =	vst v46  }
0x9: {  	v53 =	vor.u32 $0x6, v36;
	[tilespmem:$0x1FE10] =	vst v52  }
0xa: {  	v6 =	vadd.s32 $0x1107, v36;
	[tilespmem:$0x1FE20] =	vst v53  }
0xb: {  	[tilespmem:$0x1FE30] =	vst v6  }
0xc: {  	v9 =	vadd.s32 $0x1980, v36;
	[tilespmem:$0x1FE50] =	vst v36  }
0xd: {  	v32 =	vor.u32 $0x1, v36;
	[tilespmem:$0x1FE60] =	vst v9  }
0xe: {  	v60 =	vadd.s32 $0x881, v36;
	[tilespmem:$0x1FE70] =	vst v32  }
0xf: {  	v25 =	vadd.s32 $0x1101, v36;
	[tilespmem:$0x1FE80] =	vst v60  }
0x10: {  	v22 =	vadd.s32 $0x1981, v36;
	[tilespmem:$0x1FE90] =	vst v25  }
0x11: {  	v34 =	vor.u32 $0x2, v36;
	[tilespmem:$0x1FEA0] =	vst v22  }
0x12: {  	v30 =	vadd.s32 $0x882, v36;
	[tilespmem:$0x1FEB0] =	vst v34  }
0x13: {  	v27 =	vadd.s32 $0x880, v36;
	[tilespmem:$0x1FEC0] =	vst v30  }
0x14: {  	v29 =	vadd.s32 $0x1982, v36;
	[tilespmem:$0x1FED0] =	vst v27  }
0x15: {  	v35 =	vor.u32 $0x3, v36;
	[tilespmem:$0x1FEE0] =	vst v29  }
0x16: {  	v28 =	vadd.s32 $0x883, v36;
	[tilespmem:$0x1FEF0] =	vst v35  }
0x17: {  	v33 =	vadd.s32 $0x1103, v36;
	[tilespmem:$0x1FF00] =	vst v28  }
0x18: {  	v8 =	vadd.s32 $0x1983, v36;
	[tilespmem:$0x1FF10] =	vst v33  }
0x19: {  	v54 =	vor.u32 $0x4, v36;
	[tilespmem:$0x1FF20] =	vst v8  }
0x1a: {  	v47 =	vadd.s32 $0x1984, v36;
	[tilespmem:$0x1FF30] =	vst v54  }
0x1b: {  	v31 =	vor.u32 $0x5, v36;
	[tilespmem:$0x1FF40] =	vst v47  }
0x1c: {  	v51 =	vadd.s32 $0x885, v36;
	[tilespmem:$0x1FF50] =	vst v31  }
0x1d: {  	v50 =	vadd.s32 $0x1105, v36;
	[tilespmem:$0x1FF60] =	vst v51  }
0x1e: {  	s1 =	srdreg.scid;
	s9 =	simm.s32 $0x80;
	v55 =	vadd.s32 $0x886, v36;
	[tilespmem:$0x1FF70] =	vst v50  }
0x1f: {  	s14 =	simm.s32 $0x6400;
	s18 =	simm.s32 $0x1;
	s19 =	simm.s32 $0x14400;
	v61 =	vadd.s32 $0x1106, v36;
	[tilespmem:$0x1FF80] =	vst v55  }
0x20: {  	s21 =	simm.s32 $0x2;
	s22 =	simm.s32 $0x16600;
	s24 =	simm.s32 $0x3;
	v3 =	vadd.s32 $0x1986, v36;
	[tilespmem:$0x1FF90] =	vst v61  }
0x21: {  	s28 =	simm.s32 $0x9;
	s29 =	simm.s32 $0x1AA00;
	s1 =	sand.u32 $0x1, s1;
	v57 =	vor.u32 $0x7, v36;
	[tilespmem:$0x1FFA0] =	vst v3  }
0x22: {  	s30 =	simm.s32 $0x5;
	s5 =	sor.u32 s1, s4;
	s1 =	ssub.s32 $0x2, s1;
	v4 =	vadd.s32 $0x887, v36;
	[tilespmem:$0x1FFB0] =	vst v57  }
0x23: {  	s31 =	simm.s32 $0xA;
	s4 =	sshll.u32 s5, $0x4;
	s7 =	sshrl.u32 s1, $0x1;
	v7 =	vadd.s32 $0x1102, v36;
	[tilespmem:$0x1FFC0] =	vst v4  }
.Ltmp0:
0x24: {  	v26 =	vadd.s32 $0x1100, v36;
	s6 =	sadd.s32 s4, s0;
	s4 =	sadd.s32 $0xF42C00, s0;
	[tilespmem:$0x1FFD0] =	vst v7;
	(pc) =	sbr.rel .LBB2_1-.Ltmp0, $4  }
0x25: {  	s0 =	sadd.s32 $0x19800, s0;
	s25 =	ssub.s32 s1, s7;
	s7 =	sshll.u32 s5, $0xA;
	v1 =	vor.u32 $0x3000, v1;
	[tilespmem:$0x1FFF0] =	vst v26  }
0x26: {  	s1 =	simm.s32 $0x1CC00;
	[dreg:$0x3] =	wrdreg s0;
	s26 =	sadd.s32 $0x800, s6;
	v6 =	vadd.s32 $0x1987, v36;
	[tilespmem:$0x1FDF0] =	vst v1  }
0x27: {  	v45 =	vimm.s32 $0x0;
	vm0 =	vcmask $0x300;
	s5 =	simm.s32 $0x0;
	s0 =	smax.u32 s25, $0x1;
	v44 =	vadd.s32 $0x1104, v36;
	[dreg:$0x4] =	wrdreg s26;
	[tilespmem:$0x1FE40] =	vst v6  }
0x28: {  	v5 =	vsel vm0, $0x3, v45;
	s25 =	simm.s32 $0x18800;
	[dreg:$0x5] =	wrdreg s0;
	s26 =	simm.s32 $0x4;
	[tilespmem:$0x1FFE0] =	vst v44  }
.LBB2_32:
0x29: {  	s0 =	simm.s32 $0x6  }
0x2a: {  	_ =	swait.ge [sflag:s0], $0x2000  }
0x2b: {  	[sflag:s0] =	ssyncset.done $0x0  }
0x2c: {  	s17 =	simm.s32 $0x7;
	[sflag:s0] =	ssyncadd.s32 $0xFFFFE000  }
0x2d: {  	_ =	swait.ge [sflag:s17], $0x2000  }
0x2e: {  	[sflag:s17] =	ssyncset.done $0x0  }
0x2f: {  	s20 =	simm.s32 $0x8;
	[sflag:s17] =	ssyncadd.s32 $0xFFFFE000  }
0x30: {  	_ =	swait.ge [sflag:s20], $0x2000  }
0x31: {  	[sflag:s20] =	ssyncset.done $0x0  }
0x32: {  	[sflag:s20] =	ssyncadd.s32 $0xFFFFE000  }
0x33: {  	_ =	swait.ge [sflag:s28], $0x2000  }
0x34: {  	[sflag:s28] =	ssyncset.done $0x0  }
0x35: {  	[sflag:s28] =	ssyncadd.s32 $0xFFFFE000  }
0x36: {  	_ =	swait.ge [sflag:s31], $0x2000  }
0x37: {  	s5 =	rddreg [dreg:$0x6]  }
0x38: {  	s23 =	rddreg [dreg:$0x5];
	s5 =	sadd.s32 $0x1, s5  }
0x39: {  	p0 =	sne.s32 s5, s23  }
.Ltmp1:
0x3a: {  	_ = 	snop;
	(pc) =	sbr.rel @!p0 .LBB2_33-.Ltmp1, $3  }
0x3b: {  	_ =	sdelay $0x1  }
0x3c: {  	[sflag:s31] =	ssyncset.done $0x0  }
0x3d: {  	[sflag:s31] =	ssyncadd.s32 $0xFFFFE000  }
.LBB2_1:
0x3e: {  	[dreg:$0x6] =	wrdreg s5  }
0x3f: {  	s0 =	rddreg [dreg:$0x4];
	s13 =	simm.s32 $0x1000;
	s15 =	simm.s32 $0xB  }
0x40: {  	[tilespmem:s3], [sflag:$0xB] =	stream.strided.gather [hbm4b:s0+s9], $0x6400, s13, s9, $0x38;
	[tilespmem:$0x1EE00] =	vst v63  }
0x41: {  	_ =	swait.ge [sflag:s15], $0x6400  }
0x42: {  	s6 =	simm.s32 $0x100;
	[sflag:s15] =	ssyncset.done $0x0  }
0x43: {  	s8 =	simm.s32 $0x200;
	s16 =	rddreg [dreg:$0x3];
	[sflag:s15] =	ssyncadd.s32 $0xFFFF9C00  }
0x44: {  	[tilespmem:s14], [sflag:$0xB] =	stream.strided.gather [hbm4b:s16+s6], $0x4000, s8, s6, $0x38;
	[tilespmem:$0x1EE00] =	vst v63  }
0x45: {  	_ =	swait.ge [sflag:s15], $0x4000  }
0x46: {  	[sflag:s15] =	ssyncset.done $0x0  }
0x47: {  	s17 =	simm.s32 $0xA400;
	[sflag:s15] =	ssyncadd.s32 $0xFFFFC000  }
0x48: {  	[tilespmem:s17], [sflag:$0x1] =	stream.indirect.gather [hbm4b:s4+s9], $0x40, s3, s9, $0xb8;
	[tilespmem:$0x1EE00] =	vst v63  }
0x49: {  	s20 =	simm.s32 $0xC400  }
0x4a: {  	[tilespmem:s20], [sflag:$0x2] =	stream.indirect.gather [hbm4b:s4+s9], $0x40, s9, s9, $0xb8;
	[tilespmem:$0x1EE00] =	vst v63  }
0x4b: {  	s23 =	simm.s32 $0xE400;
	s5 =	simm.s32 $0x0  }
0x4c: {  	[tilespmem:s23], [sflag:$0x3] =	stream.indirect.gather [hbm4b:s4+s9], $0x40, s6, s9, $0xb8;
	[tilespmem:$0x1EE00] =	vst v63  }
.LBB2_2:
0x4d: {  	_ =	swait.ge [sflag:s18], $0x2000  }
0x4e: {  	p0 =	seq.s32 s5, $0x0;
	[sflag:s18] =	ssyncset.done $0x0  }
0x4f: {  	v1 =	vld [tilespmem:$0x1FDE0];
	s6 =	simm.s32 @!p0 $0x6;
	[sflag:s18] =	ssyncadd.s32 $0xFFFFE000  }
0x50: {  	v2 =	vld [tilespmem:$0x1FDC0];
	_ =	swait.ge @!p0 [sflag:s6], $0x2000  }
0x51: {  	s0 =	smul.u32 $0x5, s5;
	v3 =	vld [tilespmem:$0x1FDD0]  }
0x52: {  	v4 =	vld [tilespmem:$0x1FDF0]  }
0x53: {  	v0 =	vmov s0  }
0x54: {  	v0 =	vand.u32 $0x1FF, v0  }
0x55: {  	v2 =	vadd.s32 v2, v0  }
0x56: {  	v3 =	vadd.s32 v3, v0  }
0x57: {  	v1 =	vadd.s32 v1, v0;
	v0 =	vadd.s32 v4, v0  }
0x58: {  	[sflag:s6] =	ssyncset.done @!p0 $0x0  }
0x59: {  	s20 =	simm.s32 $0x1;
	[sflag:s6] =	ssyncadd.s32 @!p0 $0xFFFFE000  }
0x5a: {  	s17 =	simm.s32 $0x4;
	s11 =	simm.s32 $0x2;
	v7 =	vmov s20;
	v39 =	vld.idx.msk [tilespmem:v2+s14+$0x0], $0xffff  }
0x5b: {  	v7 =	vshrl.u32 v7, $0x3;
	v2 =	vmov s17;
	v38 =	vld.idx.msk [tilespmem:v3+s14+$0x0], $0xffff;
	v3 =	vmov s11  }
0x5c: {  	s8 =	simm.s32 $0x7;
	v2 =	vshrl.u32 v2, $0x3;
	v37 =	vld.idx.msk [tilespmem:v0+s14+$0x0], $0xffff;
	v0 =	vshrl.u32 v3, $0x3;
	v3 =	vshll.u32 v7, v5  }
0x5d: {  	s23 =	simm.s32 $0x3;
	v40 =	vld.idx.msk [tilespmem:v1+s14+$0x0], $0xffff;
	v1 =	vmov s8;
	s8 =	simm.s32 $0xA500;
	v2 =	vshll.u32 v2, v5;
	v3 =	vbroadcast v3, $0x0  }
0x5e: {  	v8 =	vld [tilespmem:s8+$0x0];
	v10 =	vshrl.u32 v1, $0x3;
	v21 =	vbroadcast v2, $0x0;
	v2 =	vmov s23  }
0x5f: {  	v9 =	vld [tilespmem:s8+$0xFFFFFF40];
	v1 =	vshrl.u32 v2, $0x3;
	v7 =	vshll.u32 v0, v5;
	v0 =	vadd.s32 v22, v3  }
0x60: {  	v2 =	vld [tilespmem:s8+$0xFFFFFF80];
	v11 =	vshll.u32 v1, v5;
	v41 =	vbroadcast v7, $0x0;
	v7 =	vadd.s32 v54, v21;
	[tilespmem:$0x1FD50] =	vst v0  }
0x61: {  	s16 =	simm.s32 $0x0;
	v58 =	vbroadcast v11, $0x0;
	v12 =	vadd.s32 v32, v3;
	v13 =	vld [tilespmem:s8+$0xFFFFFFC0]  }
0x62: {  	v4 =	vmov s16;
	v14 =	vadd.s32 v34, v41  }
0x63: {  	s10 =	simm.s32 $0x5;
	v4 =	vshrl.u32 v4, $0x3;
	v8 =	vadd.f32 v8, v40;
	v17 =	vadd.s32 v35, v58;
	v11 =	vld [tilespmem:s8+$0xFFFFFF00]  }
0x64: {  	v6 =	vmov s10;
	s10 =	simm.s32 $0x6;
	v19 =	vshll.u32 v4, v5;
	v4 =	vadd.f32 v9, v40;
	v15 =	vld [tilespmem:s8+$0xC0]  }
0x65: {  	v16 =	vmov s10;
	v6 =	vshrl.u32 v6, $0x3;
	v18 =	vld [tilespmem:s8+$0x80];
	v2 =	vadd.f32 v2, v40;
	[tilespmem:v7+s19+$0x0] =	vst.idx.msk $0xffff, v8  }
0x66: {  	v6 =	vshll.u32 v6, v5;
	v9 =	vshrl.u32 v16, $0x3;
	v16 =	vld [tilespmem:s8+$0x40];
	[tilespmem:v12+s19+$0x0] =	vst.idx.msk $0xffff, v4;
	v4 =	vadd.f32 v13, v40  }
0x67: {  	v9 =	vshll.u32 v9, v5;
	v8 =	vbroadcast v6, $0x0;
	[tilespmem:v14+s19+$0x0] =	vst.idx.msk $0xffff, v2;
	v6 =	vld [tilespmem:s8+$0xFFFFFF50]  }
0x68: {  	v55 =	vbroadcast v9, $0x0;
	v9 =	vld [tilespmem:s8+$0xFFFFFF90];
	[tilespmem:v17+s19+$0x0] =	vst.idx.msk $0xffff, v4  }
0x69: {  	v24 =	vld [tilespmem:$0x1FF70]  }
0x6a: {  	v13 =	vadd.s32 v60, v3;
	v3 =	vadd.s32 v25, v3;
	v25 =	vld [tilespmem:$0x1FE30]  }
0x6b: {  	v56 =	vbroadcast v19, $0x0;
	v7 =	vld [tilespmem:s8+$0x10]  }
0x6c: {  	v10 =	vshll.u32 v10, v5;
	v19 =	vadd.s32 v30, v41;
	v1 =	vadd.s32 v51, v8;
	v23 =	vld [tilespmem:$0x1FE20]  }
0x6d: {  	v12 =	vadd.f32 v15, v40;
	v15 =	vbroadcast v10, $0x0;
	v4 =	vld [tilespmem:$0x1FE00];
	[tilespmem:$0x1FD40] =	vst v1;
	v1 =	vadd.s32 v33, v58  }
0x6e: {  	v0 =	vmov v22;
	v17 =	vld [tilespmem:s8+$0xFFFFFFD0];
	[tilespmem:$0x1FD70] =	vst v1;
	v2 =	vadd.s32 v24, v8  }
0x6f: {  	v22 =	vld [tilespmem:$0x1FF80];
	v42 =	vadd.f32 v6, v39;
	v6 =	vadd.f32 v9, v39;
	[tilespmem:$0x1FD90] =	vst v2;
	v2 =	vadd.s32 v25, v15  }
0x70: {  	s12 =	simm.s32 $0x9;
	v29 =	vld [tilespmem:$0x1FFD0];
	[tilespmem:$0x1FD60] =	vst v2  }
0x71: {  	v53 =	vmov s12;
	s6 =	simm.s32 $0xA700;
	v9 =	vld [tilespmem:$0x1FFC0];
	v10 =	vadd.s32 v23, v55;
	v2 =	vadd.s32 v61, v55;
	[tilespmem:v19+s19+$0x0] =	vst.idx.msk $0xffff, v6  }
0x72: {  	v53 =	vshrl.u32 v53, $0x3;
	v49 =	vld [tilespmem:s6+$0xFFFFFF40];
	[tilespmem:$0x1FD80] =	vst v2;
	v2 =	vadd.s32 v26, v56  }
0x73: {  	v62 =	vshll.u32 v53, v5;
	v46 =	vadd.s32 v28, v58;
	v43 =	vadd.s32 v31, v8;
	[tilespmem:$0x1FDA0] =	vst v2  }
0x74: {  	v18 =	vadd.f32 v18, v40;
	v14 =	vadd.s32 v4, v21;
	v19 =	vadd.s32 v44, v21;
	v44 =	vld [tilespmem:s8+$0xFFFFFFA0]  }
0x75: {  	s13 =	simm.s32 $0xF;
	v11 =	vadd.f32 v11, v40;
	v16 =	vadd.f32 v16, v40;
	v61 =	vbroadcast v62, $0x0;
	v59 =	vld [tilespmem:s6+$0x80]  }
0x76: {  	v52 =	vmov s13;
	s16 =	simm.s32 $0xA;
	v20 =	vadd.s32 v57, v15;
	v7 =	vadd.f32 v7, v39;
	[tilespmem:v10+s19+$0x0] =	vst.idx.msk $0xffff, v18;
	v2 =	vld [tilespmem:s6+$0xFFFFFF80]  }
0x77: {  	s15 =	simm.s32 $0xC;
	v1 =	vadd.s32 v36, v56;
	v18 =	vmov s16;
	[tilespmem:v13+s19+$0x0] =	vst.idx.msk $0xffff, v42;
	v42 =	vadd.s32 v0, v61;
	v0 =	vld [tilespmem:s6+$0xFFFFFFC0]  }
0x78: {  	v17 =	vadd.f32 v17, v39;
	v10 =	vmov s15;
	[tilespmem:v43+s19+$0x0] =	vst.idx.msk $0xffff, v16;
	v18 =	vshrl.u32 v18, $0x3;
	v53 =	vld [tilespmem:s8+$0x90]  }
0x79: {  	v47 =	vadd.s32 v29, v41;
	[tilespmem:v14+s19+$0x0] =	vst.idx.msk $0xffff, v7;
	v10 =	vshrl.u32 v10, $0x3;
	v16 =	vshll.u32 v18, v5;
	v18 =	vld [tilespmem:s8+$0xFFFFFF60]  }
0x7a: {  	v45 =	vadd.s32 v22, v55;
	[tilespmem:v46+s19+$0x0] =	vst.idx.msk $0xffff, v17;
	v7 =	vld [tilespmem:s8+$0x50];
	v10 =	vshll.u32 v10, v5;
	v43 =	vbroadcast v16, $0x0  }
0x7b: {  	[tilespmem:v20+s19+$0x0] =	vst.idx.msk $0xffff, v12;
	v16 =	vshrl.u32 v52, $0x3;
	v52 =	vld [tilespmem:s6+$0x0];
	v14 =	vadd.f32 v44, v38;
	v44 =	vbroadcast v10, $0x0  }
0x7c: {  	[tilespmem:v1+s19+$0x0] =	vst.idx.msk $0xffff, v11;
	v10 =	vld [tilespmem:s6+$0xFFFFFF00]  }
0x7d: {  	s20 =	simm.s32 $0xB;
	v46 =	vadd.s32 v34, v43;
	v34 =	vld [tilespmem:s6+$0xC0];
	v20 =	vadd.f32 v53, v39;
	v12 =	vadd.s32 v54, v44  }
0x7e: {  	v63 =	vmov s20;
	[tilespmem:v47+s19+$0x0] =	vst.idx.msk $0xffff, v14;
	v14 =	vld [tilespmem:s6+$0x40];
	v18 =	vadd.f32 v18, v38  }
0x7f: {  	s23 =	simm.s32 $0xE;
	v62 =	vadd.s32 v32, v61;
	v47 =	vshrl.u32 v63, $0x3;
	v63 =	vld [tilespmem:s8+$0xD0];
	[tilespmem:v45+s19+$0x0] =	vst.idx.msk $0xffff, v20  }
0x80: {  	v1 =	vadd.f32 v2, v40;
	v20 =	vmov s23;
	v2 =	vld [tilespmem:s8+$0xFFFFFFB0];
	[tilespmem:v3+s19+$0x0] =	vst.idx.msk $0xffff, v18;
	v18 =	vadd.f32 v52, v40  }
0x81: {  	v48 =	vadd.s32 v9, v15;
	v3 =	vld [tilespmem:s8+$0x20];
	v20 =	vshrl.u32 v20, $0x3;
	v52 =	vadd.f32 v10, v40  }
0x82: {  	v10 =	vshll.u32 v20, v5;
	v20 =	vld [tilespmem:s8+$0xFFFFFF10];
	[tilespmem:v12+s19+$0x0] =	vst.idx.msk $0xffff, v18;
	v12 =	vadd.s32 v60, v61  }
0x83: {  	v49 =	vadd.f32 v49, v40;
	v45 =	vbroadcast v10, $0x0;
	v10 =	vld [tilespmem:s8+$0xFFFFFF70];
	[tilespmem:$0x1FDB0] =	vst v12  }
0x84: {  	[tilespmem:v46+s19+$0x0] =	vst.idx.msk $0xffff, v1;
	v1 =	vadd.f32 v63, v39  }
0x85: {  	[tilespmem:v62+s19+$0x0] =	vst.idx.msk $0xffff, v49  }
0x86: {  	[tilespmem:v48+s19+$0x0] =	vst.idx.msk $0xffff, v1  }
0x87: {  	v1 =	vadd.f32 v3, v38;
	v3 =	vld [tilespmem:$0x1FD40]  }
0x88: {  	s17 =	simm.s32 $0xD  }
0x89: {  	v13 =	vmov s17  }
0x8a: {  	v13 =	vshrl.u32 v13, $0x3  }
0x8b: {  	v11 =	vshll.u32 v13, v5;
	v13 =	vshll.u32 v47, v5  }
0x8c: {  	v47 =	vbroadcast v13, $0x0  }
0x8d: {  	v7 =	vadd.f32 v7, v39  }
0x8e: {  	s11 =	simm.s32 $0x8;
	v12 =	vadd.s32 v35, v47;
	v46 =	vbroadcast v11, $0x0  }
0x8f: {  	v50 =	vadd.s32 v27, v56;
	v6 =	vmov v51;
	v51 =	vmov s11;
	[tilespmem:v3+s19+$0x0] =	vst.idx.msk $0xffff, v7  }
0x90: {  	v17 =	vshrl.u32 v51, $0x3;
	v51 =	vadd.s32 v6, v46;
	v6 =	vld [tilespmem:$0x1FF40]  }
0x91: {  	v0 =	vadd.f32 v0, v40  }
0x92: {  	v3 =	vadd.f32 v20, v39;
	[tilespmem:v19+s19+$0x0] =	vst.idx.msk $0xffff, v1  }
0x93: {  	[tilespmem:v12+s19+$0x0] =	vst.idx.msk $0xffff, v0  }
0x94: {  	[tilespmem:v50+s19+$0x0] =	vst.idx.msk $0xffff, v3  }
0x95: {  	v20 =	vadd.s32 v6, v21;
	v6 =	vld [tilespmem:$0x1FD50];
	_ =	sdelay $0x5  }
0x96: {  	v1 =	vadd.f32 v10, v37;
	_ =	sdelay $0x1  }
0x97: {  	v0 =	vld [tilespmem:$0x1FE10];
	[tilespmem:v6+s19+$0x0] =	vst.idx.msk $0xffff, v1  }
0x98: {  	v6 =	vld [tilespmem:$0x1FD60]  }
0x99: {  	v54 =	vadd.s32 v4, v44;
	v4 =	vld [tilespmem:s8+$0xE0];
	_ =	sdelay $0x4  }
0x9a: {  	v4 =	vadd.f32 v4, v38;
	_ =	sdelay $0x1  }
0x9b: {  	[tilespmem:v6+s19+$0x0] =	vst.idx.msk $0xffff, v4  }
0x9c: {  	v16 =	vshll.u32 v16, v5;
	v4 =	vld [tilespmem:$0x1FD70]  }
0x9d: {  	v49 =	vbroadcast v16, $0x0;
	v16 =	vld [tilespmem:s8+$0xFFFFFFE0];
	_ =	sdelay $0x4  }
0x9e: {  	v1 =	vadd.f32 v2, v37;
	v2 =	vadd.f32 v16, v38;
	_ =	sdelay $0x1  }
0x9f: {  	v13 =	vld [tilespmem:s6+$0x10];
	[tilespmem:v4+s19+$0x0] =	vst.idx.msk $0xffff, v2  }
0xa0: {  	v2 =	vld [tilespmem:$0x1FF20];
	_ =	sdelay $0x4  }
0xa1: {  	v21 =	vadd.f32 v13, v39;
	v13 =	vadd.s32 v2, v58;
	v2 =	vld [tilespmem:$0x1FD80]  }
0xa2: {  	v11 =	vld [tilespmem:s8+$0xA0];
	_ =	sdelay $0x4  }
0xa3: {  	v11 =	vadd.f32 v11, v38;
	_ =	sdelay $0x1  }
0xa4: {  	[tilespmem:v2+s19+$0x0] =	vst.idx.msk $0xffff, v11  }
0xa5: {  	v17 =	vshll.u32 v17, v5;
	v53 =	vadd.f32 v34, v40;
	v34 =	vmovc v60;
	v60 =	vadd.s32 v9, v49;
	v9 =	vld [tilespmem:$0x1FD90]  }
0xa6: {  	v48 =	vbroadcast v17, $0x0;
	v17 =	vld [tilespmem:s8+$0x60];
	_ =	sdelay $0x1  }
0xa7: {  	v10 =	vld [tilespmem:s8+$0x30];
	_ =	sdelay $0x2  }
0xa8: {  	v18 =	vld [tilespmem:s6+$0xFFFFFF50];
	v17 =	vadd.f32 v17, v38  }
0xa9: {  	v3 =	vadd.f32 v14, v40;
	v14 =	vld [tilespmem:s6+$0xFFFFFF90]  }
0xaa: {  	v2 =	vadd.f32 v10, v37;
	v10 =	vld [tilespmem:$0x1FE40];
	[tilespmem:v9+s19+$0x0] =	vst.idx.msk $0xffff, v17  }
0xab: {  	v9 =	vld [tilespmem:$0x1FFA0];
	_ =	sdelay $0x1  }
0xac: {  	v11 =	vld [tilespmem:s8+$0xF0];
	_ =	sdelay $0x1  }
0xad: {  	v0 =	vadd.s32 v0, v8;
	v8 =	vadd.f32 v18, v39  }
0xae: {  	v18 =	vadd.f32 v14, v39;
	v14 =	vadd.s32 v9, v55;
	v9 =	vld [tilespmem:$0x1FE60];
	[tilespmem:v20+s19+$0x0] =	vst.idx.msk $0xffff, v2  }
0xaf: {  	v62 =	vadd.s32 v22, v45;
	v22 =	vld [tilespmem:$0x1FE90];
	[tilespmem:v54+s19+$0x0] =	vst.idx.msk $0xffff, v21  }
0xb0: {  	v21 =	vadd.f32 v11, v37;
	v11 =	vld [tilespmem:$0x1FDA0]  }
0xb1: {  	v6 =	vld [tilespmem:s8+$0xFFFFFF20];
	_ =	sdelay $0x4  }
0xb2: {  	v6 =	vadd.f32 v6, v38;
	_ =	sdelay $0x1  }
0xb3: {  	[tilespmem:v11+s19+$0x0] =	vst.idx.msk $0xffff, v6  }
0xb4: {  	v11 =	vld [tilespmem:$0x1FDB0];
	_ =	sdelay $0x5  }
0xb5: {  	v16 =	vld [tilespmem:s6+$0xFFFFFFD0];
	_ =	sdelay $0x1  }
0xb6: {  	[tilespmem:v11+s19+$0x0] =	vst.idx.msk $0xffff, v8  }
0xb7: {  	v63 =	vadd.s32 v23, v45;
	v57 =	vadd.s32 v57, v49;
	v7 =	vadd.s32 v30, v43;
	v11 =	vld [tilespmem:$0x1FF90]  }
0xb8: {  	v12 =	vadd.f32 v59, v40;
	v59 =	vadd.s32 v36, v48;
	v50 =	vadd.s32 v33, v47;
	v19 =	vld [tilespmem:s8+$0xFFFFFFF0]  }
0xb9: {  	v4 =	vadd.s32 v28, v47;
	v15 =	vadd.s32 v10, v15;
	v10 =	vadd.f32 v16, v39;
	v16 =	vld [tilespmem:s8+$0xB0]  }
0xba: {  	v58 =	vadd.s32 v27, v48;
	v20 =	vadd.s32 v31, v46;
	v54 =	vadd.s32 v24, v46;
	v6 =	vld [tilespmem:s8+$0x70]  }
0xbb: {  	v9 =	vadd.s32 v9, v56;
	v56 =	vadd.s32 v25, v49;
	v2 =	vadd.s32 v22, v61;
	v17 =	vld [tilespmem:s8+$0xFFFFFF30]  }
0xbc: {  	s10 =	simm.s32 $0x10;
	s11 =	simm.s32 $0xA900;
	v31 =	vmovc v29;
	v8 =	vadd.s32 v29, v43;
	v29 =	vmovc v34;
	v34 =	vmov v22;
	v36 =	vld [tilespmem:$0x1FEA0];
	v55 =	vadd.s32 v11, v45  }
.LBB2_3:
0xbd: {  	s13 =	smov.u32 s10;
	[tilespmem:v7+s19+$0x0] =	vst.idx.msk $0xffff, v18;
	v25 =	vld [tilespmem:$0x1FEE0]  }
0xbe: {  	v22 =	vld [tilespmem:s11+$0xFFFFFF40];
	[tilespmem:v63+s19+$0x0] =	vst.idx.msk $0xffff, v12;
	s17 =	sadd.s32 $0x2, s13  }
0xbf: {  	v24 =	vld [tilespmem:s6+$0xFFFFFFA0];
	[tilespmem:v15+s19+$0x0] =	vst.idx.msk $0xffff, v21;
	v21 =	vmov s17;
	v7 =	vadd.f32 v19, v37  }
0xc0: {  	[tilespmem:v20+s19+$0x0] =	vst.idx.msk $0xffff, v3;
	v12 =	vld [tilespmem:s11+$0x80];
	v3 =	vadd.f32 v16, v37;
	v16 =	vshrl.u32 v21, $0x3  }
0xc1: {  	s23 =	sadd.s32 $0x1, s13;
	[tilespmem:v13+s19+$0x0] =	vst.idx.msk $0xffff, v7;
	v13 =	vshll.u32 v16, v5;
	v16 =	vld [tilespmem:s6+$0x90]  }
0xc2: {  	s15 =	sadd.s32 $0x4, s13;
	v15 =	vmov s23;
	v25 =	vadd.s32 v25, v41;
	[tilespmem:v14+s19+$0x0] =	vst.idx.msk $0xffff, v3;
	v14 =	vld [tilespmem:s6+$0xFFFFFF60]  }
0xc3: {  	v18 =	vmov s15;
	v15 =	vshrl.u32 v15, $0x3;
	v7 =	vadd.f32 v6, v37;
	[tilespmem:v4+s19+$0x0] =	vst.idx.msk $0xffff, v10;
	v4 =	vld [tilespmem:$0x1FF30]  }
0xc4: {  	v11 =	vld [tilespmem:$0x1FFE0];
	v6 =	vshll.u32 v15, v5;
	v3 =	vshrl.u32 v18, $0x3  }
0xc5: {  	v20 =	vld [tilespmem:s6+$0x50];
	v6 =	vbroadcast v6, $0x0;
	[tilespmem:v0+s19+$0x0] =	vst.idx.msk $0xffff, v7;
	v0 =	vshll.u32 v3, v5  }
0xc6: {  	v61 =	vadd.s32 v26, v48;
	v17 =	vadd.f32 v17, v37;
	v18 =	vld [tilespmem:s11+$0x0];
	v0 =	vbroadcast v0, $0x0  }
0xc7: {  	s12 =	sadd.s32 $0x7, s10;
	v30 =	vmov v26;
	v26 =	vld [tilespmem:s11+$0xFFFFFF80];
	v7 =	vadd.f32 v24, v38;
	[tilespmem:v25+s19+$0x0] =	vst.idx.msk $0xffff, v1;
	v1 =	vadd.s32 v32, v6  }
0xc8: {  	v23 =	vmov s12;
	v21 =	vld [tilespmem:$0x1FEB0];
	[tilespmem:v9+s19+$0x0] =	vst.idx.msk $0xffff, v17;
	v14 =	vadd.f32 v14, v38;
	v4 =	vadd.s32 v4, v0  }
0xc9: {  	s16 =	sadd.s32 $0x5, s13;
	v15 =	vshrl.u32 v23, $0x3;
	v9 =	vld [tilespmem:s11+$0xFFFFFF00];
	[tilespmem:v8+s19+$0x0] =	vst.idx.msk $0xffff, v7  }
0xca: {  	v19 =	vmov s16;
	v10 =	vshll.u32 v15, v5;
	v15 =	vld [tilespmem:s6+$0x20];
	v7 =	vadd.f32 v22, v40;
	[tilespmem:v2+s19+$0x0] =	vst.idx.msk $0xffff, v14  }
0xcb: {  	v19 =	vshrl.u32 v19, $0x3;
	v18 =	vadd.f32 v18, v40;
	v25 =	vld [tilespmem:s6+$0xFFFFFF70]  }
0xcc: {  	s8 =	sadd.s32 $0x6, s13;
	v19 =	vshll.u32 v19, v5;
	[tilespmem:v1+s19+$0x0] =	vst.idx.msk $0xffff, v7;
	v1 =	vld [tilespmem:$0x1FF40]  }
0xcd: {  	v22 =	vmov s8;
	[tilespmem:v4+s19+$0x0] =	vst.idx.msk $0xffff, v18;
	v4 =	vbroadcast v19, $0x0;
	v19 =	vld [tilespmem:$0x1FE20]  }
0xce: {  	v24 =	vld [tilespmem:s11+$0xC0];
	v16 =	vadd.f32 v16, v39;
	v22 =	vshrl.u32 v22, $0x3  }
0xcf: {  	v41 =	vmov v43;
	v43 =	vbroadcast v13, $0x0;
	[tilespmem:v57+s19+$0x0] =	vst.idx.msk $0xffff, v53;
	v3 =	vld [tilespmem:s11+$0x40];
	v22 =	vshll.u32 v22, v5  }
0xd0: {  	[tilespmem:v62+s19+$0x0] =	vst.idx.msk $0xffff, v16;
	v16 =	vld [tilespmem:s6+$0xD0];
	v22 =	vbroadcast v22, $0x0  }
0xd1: {  	v63 =	vmov s13;
	v21 =	vadd.s32 v21, v43;
	v27 =	vadd.s32 v1, v44;
	v1 =	vld [tilespmem:$0x1FFB0]  }
0xd2: {  	s13 =	sadd.s32 $0x3, s13;
	v17 =	vshrl.u32 v63, $0x3;
	v63 =	vadd.s32 v19, v22;
	v19 =	vld [tilespmem:$0x1FE00]  }
0xd3: {  	v23 =	vmov s13;
	[tilespmem:v59+s19+$0x0] =	vst.idx.msk $0xffff, v52;
	v8 =	vld [tilespmem:s11+$0xFFFFFFC0]  }
0xd4: {  	v11 =	vadd.s32 v11, v44;
	v23 =	vshrl.u32 v23, $0x3;
	v14 =	vadd.f32 v26, v40;
	v26 =	vld [tilespmem:s6+$0xFFFFFF10]  }
0xd5: {  	v23 =	vshll.u32 v23, v5;
	v10 =	vbroadcast v10, $0x0;
	v2 =	vld [tilespmem:s6+$0xFFFFFFB0]  }
0xd6: {  	v9 =	vadd.f32 v9, v40;
	[tilespmem:v21+s19+$0x0] =	vst.idx.msk $0xffff, v14;
	v18 =	vld [tilespmem:s6+$0xA0];
	v16 =	vadd.f32 v16, v39  }
0xd7: {  	v44 =	vmovc v0;
	v57 =	vadd.s32 v1, v10;
	v1 =	vadd.f32 v15, v38;
	v21 =	vadd.s32 v19, v0;
	v0 =	vld [tilespmem:$0x1FEC0]  }
0xd8: {  	v20 =	vadd.f32 v20, v39;
	v52 =	vmov v9;
	v9 =	vbroadcast v23, $0x0;
	v23 =	vld [tilespmem:s6+$0xFFFFFFE0];
	[tilespmem:v60+s19+$0x0] =	vst.idx.msk $0xffff, v16  }
0xd9: {  	v14 =	vld [tilespmem:s11+$0x10];
	[tilespmem:v11+s19+$0x0] =	vst.idx.msk $0xffff, v1;
	v1 =	vadd.f32 v26, v39  }
0xda: {  	[tilespmem:v51+s19+$0x0] =	vst.idx.msk $0xffff, v20;
	v20 =	vld [tilespmem:s6+$0xE0];
	v15 =	vadd.s32 v35, v9  }
0xdb: {  	v19 =	vld [tilespmem:$0x1FF60];
	[tilespmem:v58+s19+$0x0] =	vst.idx.msk $0xffff, v1;
	v1 =	vadd.f32 v2, v37;
	v2 =	vadd.f32 v18, v38  }
0xdc: {  	v7 =	vadd.s32 v0, v43;
	v0 =	vld [tilespmem:$0x1FE10]  }
0xdd: {  	v8 =	vadd.f32 v8, v40;
	[tilespmem:v55+s19+$0x0] =	vst.idx.msk $0xffff, v2;
	v2 =	vld [tilespmem:$0x1FE40];
	_ =	sdelay $0x1  }
0xde: {  	[tilespmem:v15+s19+$0x0] =	vst.idx.msk $0xffff, v8  }
0xdf: {  	v18 =	vadd.f32 v20, v38;
	v15 =	vadd.f32 v23, v38;
	v20 =	vld [tilespmem:s11+$0xFFFFFFD0]  }
0xe0: {  	v19 =	vadd.s32 v19, v4;
	v0 =	vadd.s32 v0, v46;
	v46 =	vmov v4;
	v4 =	vld [tilespmem:$0x1FE50]  }
0xe1: {  	[tilespmem:v50+s19+$0x0] =	vst.idx.msk $0xffff, v15;
	v15 =	vadd.s32 v2, v49;
	v2 =	vld [tilespmem:$0x1FFC0]  }
0xe2: {  	v17 =	vshll.u32 v17, v5  }
0xe3: {  	v17 =	vbroadcast v17, $0x0  }
0xe4: {  	v62 =	vld [tilespmem:s11+$0xFFFFFF50]  }
0xe5: {  	v26 =	vadd.f32 v14, v39;
	v14 =	vld [tilespmem:s11+$0xFFFFFF90];
	v49 =	vmovc v10;
	v59 =	vadd.s32 v4, v17;
	v4 =	vadd.f32 v25, v37  }
0xe6: {  	v60 =	vadd.s32 v2, v49;
	v2 =	vld [tilespmem:$0x1FFA0]  }
0xe7: {  	[tilespmem:v42+s19+$0x0] =	vst.idx.msk $0xffff, v4;
	v4 =	vld [tilespmem:$0x1FF80];
	_ =	sdelay $0x3  }
0xe8: {  	[tilespmem:v56+s19+$0x0] =	vst.idx.msk $0xffff, v18;
	v18 =	vadd.f32 v14, v39;
	v14 =	vadd.s32 v2, v45;
	v2 =	vld [tilespmem:$0x1FE60]  }
0xe9: {  	v23 =	vadd.f32 v62, v39;
	v62 =	vadd.s32 v4, v22;
	v4 =	vld [tilespmem:$0x1FF20];
	_ =	sdelay $0x3  }
0xea: {  	v13 =	vadd.s32 v36, v6;
	v16 =	vadd.s32 v33, v9  }
0xeb: {  	v42 =	vmovc v13;
	v13 =	vadd.s32 v4, v47;
	v47 =	vmov v9;
	v9 =	vadd.s32 v2, v48;
	v2 =	vld [tilespmem:$0x1FF50]  }
0xec: {  	v8 =	vld [tilespmem:s6+$0xFFFFFF20]  }
0xed: {  	v51 =	vmov v19;
	v19 =	vld [tilespmem:s6+$0x30]  }
0xee: {  	v11 =	vld [tilespmem:s6+$0x60]  }
0xef: {  	v53 =	vadd.f32 v24, v40;
	v24 =	vadd.s32 v29, v6  }
0xf0: {  	v10 =	vadd.f32 v20, v39;
	v20 =	vadd.s32 v2, v46;
	v2 =	vadd.s32 v34, v6;
	v6 =	vld [tilespmem:$0x1FF70]  }
0xf1: {  	v8 =	vadd.f32 v8, v38  }
0xf2: {  	v56 =	vld [tilespmem:s6+$0xF0];
	v25 =	vadd.f32 v19, v37  }
0xf3: {  	v11 =	vadd.f32 v11, v38;
	[tilespmem:v61+s19+$0x0] =	vst.idx.msk $0xffff, v8;
	v61 =	vld [tilespmem:$0x1FF90]  }
0xf4: {  	[tilespmem:v27+s19+$0x0] =	vst.idx.msk $0xffff, v25;
	v27 =	vld [tilespmem:$0x1FED0]  }
0xf5: {  	p1 =	slt.u32 s10, $0x78;
	[tilespmem:v54+s19+$0x0] =	vst.idx.msk $0xffff, v11;
	v54 =	vadd.s32 v6, v46;
	v6 =	vld [tilespmem:$0x1FE30]  }
.Ltmp2:
0xf6: {  	_ = 	snop;
	(pc) =	sbr.rel @p1 .LBB2_3-.Ltmp2, $4  }
0xf7: {  	v12 =	vadd.f32 v12, v40;
	v50 =	vmov v16;
	v16 =	vld [tilespmem:s6+$0xB0]  }
0xf8: {  	v3 =	vadd.f32 v3, v40;
	v8 =	vadd.s32 v31, v43;
	v19 =	vld [tilespmem:s6+$0xFFFFFFF0];
	[tilespmem:v21+s19+$0x0] =	vst.idx.msk $0xffff, v26;
	v45 =	vmov v22  }
0xf9: {  	v21 =	vadd.f32 v56, v37;
	[tilespmem:v24+s19+$0x0] =	vst.idx.msk $0xffff, v23;
	v55 =	vadd.s32 v61, v45;
	v48 =	vmov v17;
	v17 =	vld [tilespmem:s6+$0xFFFFFF30]  }
0xfa: {  	s10 =	sadd.s32 $0x8, s10;
	v26 =	vmovc v30;
	v4 =	vadd.s32 v28, v47;
	v58 =	vadd.s32 v27, v48;
	v56 =	vadd.s32 v6, v49;
	v6 =	vld [tilespmem:s6+$0x70];
	s6 =	smov.u32 s11;
	s11 =	sadd.s32 $0x200, s11  }
0xfb: {  	_ =	sdelay $0x3  }
0xfc: {  	[tilespmem:v63+s19+$0x0] =	vst.idx.msk $0xffff, v12  }
0xfd: {  	[tilespmem:v7+s19+$0x0] =	vst.idx.msk $0xffff, v18  }
0xfe: {  	[tilespmem:v57+s19+$0x0] =	vst.idx.msk $0xffff, v53  }
0xff: {  	[tilespmem:v15+s19+$0x0] =	vst.idx.msk $0xffff, v21  }
0x100: {  	v15 =	vld [tilespmem:$0x1FEE0];
	_ =	sdelay $0x1  }
0x101: {  	v11 =	vld [tilespmem:s6+$0xD0]  }
0x102: {  	[tilespmem:v20+s19+$0x0] =	vst.idx.msk $0xffff, v3  }
0x103: {  	[tilespmem:v59+s19+$0x0] =	vst.idx.msk $0xffff, v52;
	v7 =	vadd.f32 v19, v37  }
0x104: {  	v3 =	vadd.f32 v16, v37;
	[tilespmem:v4+s19+$0x0] =	vst.idx.msk $0xffff, v10;
	v22 =	vadd.s32 v15, v41  }
0x105: {  	[tilespmem:v13+s19+$0x0] =	vst.idx.msk $0xffff, v7;
	v7 =	vld [tilespmem:s6+$0x90];
	v6 =	vadd.f32 v6, v37  }
0x106: {  	[tilespmem:v14+s19+$0x0] =	vst.idx.msk $0xffff, v3;
	v3 =	vadd.f32 v11, v39  }
0x107: {  	v23 =	vld [tilespmem:s6+$0x50];
	[tilespmem:v0+s19+$0x0] =	vst.idx.msk $0xffff, v6  }
0x108: {  	v30 =	vld [tilespmem:s6+$0xFFFFFF10];
	[tilespmem:v60+s19+$0x0] =	vst.idx.msk $0xffff, v3  }
0x109: {  	v6 =	vld [tilespmem:s6+$0xFFFFFF60];
	[tilespmem:v22+s19+$0x0] =	vst.idx.msk $0xffff, v1  }
0x10a: {  	v7 =	vadd.f32 v7, v39;
	v53 =	vld [tilespmem:$0x1FFE0]  }
0x10b: {  	v4 =	vld [tilespmem:s6+$0xE0]  }
0x10c: {  	v3 =	vadd.f32 v23, v39;
	[tilespmem:v62+s19+$0x0] =	vst.idx.msk $0xffff, v7;
	v7 =	vld [tilespmem:s6+$0xFFFFFFE0]  }
0x10d: {  	v31 =	vld [tilespmem:s6+$0x20];
	v33 =	vadd.f32 v17, v37  }
0x10e: {  	v0 =	vadd.f32 v30, v39;
	[tilespmem:v51+s19+$0x0] =	vst.idx.msk $0xffff, v3  }
0x10f: {  	[tilespmem:v9+s19+$0x0] =	vst.idx.msk $0xffff, v33;
	v3 =	vadd.f32 v6, v38;
	v32 =	vadd.s32 v53, v44  }
0x110: {  	[tilespmem:v58+s19+$0x0] =	vst.idx.msk $0xffff, v0;
	v36 =	vadd.f32 v4, v38  }
0x111: {  	[tilespmem:v2+s19+$0x0] =	vst.idx.msk $0xffff, v3;
	v39 =	vadd.f32 v7, v38  }
0x112: {  	v1 =	vadd.f32 v31, v38;
	v34 =	vld [tilespmem:s6+$0xA0];
	[tilespmem:v56+s19+$0x0] =	vst.idx.msk $0xffff, v36  }
0x113: {  	v6 =	vld [tilespmem:s6+$0x60];
	[tilespmem:v50+s19+$0x0] =	vst.idx.msk $0xffff, v39  }
0x114: {  	v35 =	vld [tilespmem:s6+$0xFFFFFFA0];
	[tilespmem:v32+s19+$0x0] =	vst.idx.msk $0xffff, v1  }
0x115: {  	v51 =	vld [tilespmem:$0x1FF40]  }
0x116: {  	v0 =	vld [tilespmem:s6+$0xFFFFFF20]  }
0x117: {  	v3 =	vld [tilespmem:s6+$0xFFFFFF70];
	v40 =	vadd.f32 v34, v38  }
0x118: {  	v4 =	vadd.s32 v26, v48;
	v41 =	vadd.f32 v6, v38;
	v7 =	vld [tilespmem:s6+$0x30]  }
0x119: {  	v6 =	vadd.f32 v35, v38;
	v50 =	vld [tilespmem:s6+$0xF0];
	[tilespmem:v55+s19+$0x0] =	vst.idx.msk $0xffff, v40  }
0x11a: {  	v10 =	vld [tilespmem:$0x1FE40];
	[tilespmem:v54+s19+$0x0] =	vst.idx.msk $0xffff, v41;
	v9 =	vadd.s32 v51, v44  }
0x11b: {  	v0 =	vadd.f32 v0, v38;
	v52 =	vld [tilespmem:s6+$0xFFFFFFF0];
	[tilespmem:v8+s19+$0x0] =	vst.idx.msk $0xffff, v6  }
0x11c: {  	v3 =	vadd.f32 v3, v37;
	v6 =	vld [tilespmem:$0x1FF20]  }
0x11d: {  	v59 =	vld [tilespmem:$0x1FFA0];
	[tilespmem:v4+s19+$0x0] =	vst.idx.msk $0xffff, v0;
	v7 =	vadd.f32 v7, v37  }
0x11e: {  	v0 =	vld [tilespmem:$0x1FE10];
	[tilespmem:v42+s19+$0x0] =	vst.idx.msk $0xffff, v3  }
0x11f: {  	v56 =	vld [tilespmem:s6+$0xB0];
	[tilespmem:v9+s19+$0x0] =	vst.idx.msk $0xffff, v7  }
0x120: {  	v10 =	vadd.s32 v10, v49;
	v9 =	vld [tilespmem:$0x1FE60]  }
0x121: {  	v57 =	vld [tilespmem:s6+$0x70];
	v6 =	vadd.s32 v6, v47  }
0x122: {  	v58 =	vld [tilespmem:s6+$0xFFFFFFB0];
	v13 =	vadd.s32 v59, v45  }
0x123: {  	v1 =	vadd.f32 v50, v37;
	v3 =	vld [tilespmem:s6+$0xFFFFFF30];
	v0 =	vadd.s32 v0, v46  }
0x124: {  	v4 =	vadd.f32 v52, v37;
	v7 =	vadd.s32 v15, v43  }
0x125: {  	v60 =	vadd.f32 v56, v37;
	[tilespmem:v10+s19+$0x0] =	vst.idx.msk $0xffff, v1;
	v9 =	vadd.s32 v9, v48  }
0x126: {  	s15 =	smul.u32 $0x140000, s5;
	v62 =	vadd.f32 v57, v37;
	[tilespmem:v6+s19+$0x0] =	vst.idx.msk $0xffff, v4  }
0x127: {  	v4 =	vadd.f32 v58, v37;
	[tilespmem:v13+s19+$0x0] =	vst.idx.msk $0xffff, v60  }
0x128: {  	s6 =	sor.u32 s7, s15;
	v63 =	vadd.f32 v3, v37;
	[tilespmem:v0+s19+$0x0] =	vst.idx.msk $0xffff, v62  }
0x129: {  	s6 =	sshrl.u32 s6, $0x3;
	[tilespmem:v7+s19+$0x0] =	vst.idx.msk $0xffff, v4  }
0x12a: {  	s16 =	simm.s32 $0x14400;
	s8 =	sadd.s32 s2, s6;
	[tilespmem:v9+s19+$0x0] =	vst.idx.msk $0xffff, v63  }
0x12b: {  	[hbm4b:s8+s3] =	stream.linear.scatter [tilespmem:s16], [sflag:$0x6], $0x80, $0x38;
	[tilespmem:$0x1EE00] =	vst v63  }
0x12c: {  	s17 =	simm.s32 $0x14488;
	s10 =	sadd.s32 $0x10, s8  }
0x12d: {  	[hbm4b:s10+s3] =	stream.linear.scatter [tilespmem:s17], [sflag:$0x6], $0x80, $0x38;
	[tilespmem:$0x1EE00] =	vst v63  }
0x12e: {  	s20 =	simm.s32 $0x14510;
	s11 =	simm.s32 $0x14598;
	s23 =	sadd.s32 $0x20, s8  }
0x12f: {  	[hbm4b:s23+s3] =	stream.linear.scatter [tilespmem:s20], [sflag:$0x6], $0x80, $0x38;
	[tilespmem:$0x1EE00] =	vst v63  }
0x130: {  	s13 =	simm.s32 $0x14620;
	s6 =	simm.s32 $0x440;
	s12 =	sadd.s32 $0x30, s8  }
0x131: {  	[hbm4b:s12+s3] =	stream.linear.scatter [tilespmem:s11], [sflag:$0x6], $0x80, $0x38;
	[tilespmem:$0x1EE00] =	vst v63  }
0x132: {  	s15 =	sadd.s32 $0x40, s8;
	s16 =	simm.s32 $0x146A8;
	s17 =	sadd.s32 $0x50, s8  }
0x133: {  	[hbm4b:s15+s3] =	stream.linear.scatter [tilespmem:s13], [sflag:$0x6], $0x80, $0x38;
	[tilespmem:$0x1EE00] =	vst v63  }
0x134: {  	s10 =	simm.s32 $0x2200;
	s20 =	simm.s32 $0x14730;
	s23 =	sadd.s32 $0x60, s8  }
0x135: {  	[hbm4b:s17+s3] =	stream.linear.scatter [tilespmem:s16], [sflag:$0x6], $0x80, $0x38;
	[tilespmem:$0x1EE00] =	vst v63  }
0x136: {  	s11 =	simm.s32 $0x147B8;
	s12 =	sadd.s32 $0x70, s8;
	s8 =	sadd.s32 $0x1000, s8  }
0x137: {  	[hbm4b:s23+s3] =	stream.linear.scatter [tilespmem:s20], [sflag:$0x6], $0x80, $0x38;
	[tilespmem:$0x1EE00] =	vst v63  }
.LBB2_5:
0x138: {  	[hbm4b:s12+s3] =	stream.linear.scatter [tilespmem:s11], [sflag:$0x6], $0x80, $0x38;
	[tilespmem:$0x1EE00] =	vst v63  }
0x139: {  	s11 =	smov.u32 s6;
	s6 =	smov.u32 s10  }
0x13a: {  	s13 =	sadd.s32 $0x1100, s10;
	s6 =	sshra.s32 s6, $0x2;
	s12 =	sadd.s32 $0x14400, s11  }
0x13b: {  	[hbm4b:s8+s3] =	stream.linear.scatter [tilespmem:s12], [sflag:$0x6], $0x80, $0x38;
	[tilespmem:$0x1EE00] =	vst v63  }
0x13c: {  	p1 =	sne.s32 s10, $0x7700;
	s10 =	sadd.s32 $0x14488, s11;
	s12 =	sadd.s32 $0x10, s8  }
0x13d: {  	[hbm4b:s12+s3] =	stream.linear.scatter [tilespmem:s10], [sflag:$0x6], $0x80, $0x38;
	[tilespmem:$0x1EE00] =	vst v63  }
0x13e: {  	s10 =	sadd.s32 $0x14510, s11;
	s12 =	sadd.s32 $0x20, s8  }
0x13f: {  	[hbm4b:s12+s3] =	stream.linear.scatter [tilespmem:s10], [sflag:$0x6], $0x80, $0x38;
	[tilespmem:$0x1EE00] =	vst v63  }
0x140: {  	s10 =	sadd.s32 $0x14598, s11;
	s12 =	sadd.s32 $0x30, s8  }
0x141: {  	[hbm4b:s12+s3] =	stream.linear.scatter [tilespmem:s10], [sflag:$0x6], $0x80, $0x38;
	[tilespmem:$0x1EE00] =	vst v63  }
0x142: {  	s10 =	sadd.s32 $0x14620, s11;
	s12 =	sadd.s32 $0x40, s8  }
0x143: {  	[hbm4b:s12+s3] =	stream.linear.scatter [tilespmem:s10], [sflag:$0x6], $0x80, $0x38;
	[tilespmem:$0x1EE00] =	vst v63  }
.Ltmp3:
0x144: {  	s10 =	sadd.s32 $0x146A8, s11;
	s12 =	sadd.s32 $0x50, s8;
	(pc) =	sbr.rel @p1 .LBB2_5-.Ltmp3, $4  }
0x145: {  	[hbm4b:s12+s3] =	stream.linear.scatter [tilespmem:s10], [sflag:$0x6], $0x80, $0x38;
	[tilespmem:$0x1EE00] =	vst v63  }
0x146: {  	s10 =	sadd.s32 $0x14730, s11;
	s12 =	sadd.s32 $0x60, s8;
	s11 =	sadd.s32 $0x147B8, s11  }
0x147: {  	[hbm4b:s12+s3] =	stream.linear.scatter [tilespmem:s10], [sflag:$0x6], $0x80, $0x38;
	[tilespmem:$0x1EE00] =	vst v63  }
0x148: {  	s12 =	sadd.s32 $0x70, s8;
	s8 =	sadd.s32 $0x1000, s8;
	s10 =	smov.u32 s13  }
0x149: {  	[hbm4b:s12+s3] =	stream.linear.scatter [tilespmem:s11], [sflag:$0x6], $0x80, $0x38;
	[tilespmem:$0x1EE00] =	vst v63  }
0x14a: {  	s10 =	sadd.s32 $0x14400, s6  }
0x14b: {  	[hbm4b:s8+s3] =	stream.linear.scatter [tilespmem:s10], [sflag:$0x6], $0x80, $0x38;
	[tilespmem:$0x1EE00] =	vst v63  }
0x14c: {  	s13 =	sadd.s32 $0x14488, s6;
	s15 =	sadd.s32 $0x10, s8  }
0x14d: {  	[hbm4b:s15+s3] =	stream.linear.scatter [tilespmem:s13], [sflag:$0x6], $0x80, $0x38;
	[tilespmem:$0x1EE00] =	vst v63  }
0x14e: {  	s16 =	sadd.s32 $0x14510, s6;
	s17 =	sadd.s32 $0x20, s8  }
0x14f: {  	[hbm4b:s17+s3] =	stream.linear.scatter [tilespmem:s16], [sflag:$0x6], $0x80, $0x38;
	[tilespmem:$0x1EE00] =	vst v63  }
0x150: {  	s20 =	sadd.s32 $0x14598, s6;
	s23 =	sadd.s32 $0x30, s8  }
0x151: {  	[hbm4b:s23+s3] =	stream.linear.scatter [tilespmem:s20], [sflag:$0x6], $0x80, $0x38;
	[tilespmem:$0x1EE00] =	vst v63  }
0x152: {  	s12 =	sadd.s32 $0x14620, s6;
	s13 =	sadd.s32 $0x40, s8  }
0x153: {  	[hbm4b:s13+s3] =	stream.linear.scatter [tilespmem:s12], [sflag:$0x6], $0x80, $0x38;
	[tilespmem:$0x1EE00] =	vst v63  }
0x154: {  	s10 =	sadd.s32 $0x70, s8;
	s15 =	sadd.s32 $0x146A8, s6;
	s16 =	sadd.s32 $0x50, s8  }
0x155: {  	[hbm4b:s16+s3] =	stream.linear.scatter [tilespmem:s15], [sflag:$0x6], $0x80, $0x38;
	[tilespmem:$0x1EE00] =	vst v63  }
0x156: {  	s17 =	sadd.s32 $0x14730, s6;
	s20 =	sadd.s32 $0x60, s8;
	s8 =	sadd.s32 $0x3, s0  }
0x157: {  	[hbm4b:s20+s3] =	stream.linear.scatter [tilespmem:s17], [sflag:$0x6], $0x80, $0x38;
	[tilespmem:$0x1EE00] =	vst v63  }
0x158: {  	s23 =	sadd.s32 $0x147B8, s6;
	s11 =	sshll.u32 s8, $0x7  }
0x159: {  	[hbm4b:s10+s3] =	stream.linear.scatter [tilespmem:s23], [sflag:$0x6], $0x80, $0x38;
	[tilespmem:$0x1EE00] =	vst v63  }
0x15a: {  	s12 =	sand.u32 $0x3FFFFF80, s11;
	s13 =	simm.s32 $0x10400  }
0x15b: {  	[tilespmem:s13], [sflag:$0x4] =	stream.indirect.gather [hbm4b:s4+s9], $0x40, s12, s9, $0xb8;
	[tilespmem:$0x1EE00] =	vst v63  }
0x15c: {  	_ =	swait.ge [sflag:s21], $0x2000  }
0x15d: {  	[sflag:s21] =	ssyncset.done $0x0  }
0x15e: {  	s10 =	simm.s32 @!p0 $0x7;
	v1 =	vld [tilespmem:$0x1FDE0];
	[sflag:s21] =	ssyncadd.s32 $0xFFFFE000  }
0x15f: {  	v2 =	vld [tilespmem:$0x1FDC0];
	_ =	swait.ge @!p0 [sflag:s10], $0x2000  }
0x160: {  	v3 =	vld [tilespmem:$0x1FDD0]  }
0x161: {  	s6 =	sadd.s32 $0x1, s0;
	v4 =	vld [tilespmem:$0x1FDF0]  }
0x162: {  	v0 =	vmov s6  }
0x163: {  	v0 =	vand.u32 $0x3FF, v0  }
0x164: {  	v35 =	vld [tilespmem:$0x1FF30];
	v2 =	vadd.s32 v2, v0  }
0x165: {  	v32 =	vld [tilespmem:$0x1FE70];
	v3 =	vadd.s32 v3, v0  }
0x166: {  	v51 =	vld [tilespmem:$0x1FEA0];
	v1 =	vadd.s32 v1, v0;
	v0 =	vadd.s32 v4, v0  }
0x167: {  	s23 =	simm.s32 $0x1;
	[sflag:s10] =	ssyncset.done @!p0 $0x0;
	v52 =	vld [tilespmem:$0x1FEB0]  }
0x168: {  	v7 =	vmov s23;
	v57 =	vld [tilespmem:$0x1FEF0];
	[sflag:s10] =	ssyncadd.s32 @!p0 $0xFFFFE000  }
0x169: {  	s15 =	simm.s32 $0x0;
	s17 =	simm.s32 $0x4;
	s13 =	simm.s32 $0x2;
	v7 =	vshrl.u32 v7, $0x3;
	v39 =	vld.idx.msk [tilespmem:v2+s14+$0x0], $0xffff  }
0x16a: {  	v4 =	vmov s15;
	v2 =	vmov s17;
	v38 =	vld.idx.msk [tilespmem:v3+s14+$0x0], $0xffff;
	v3 =	vmov s13  }
0x16b: {  	s16 =	simm.s32 $0x7;
	v2 =	vshrl.u32 v2, $0x3;
	v37 =	vld.idx.msk [tilespmem:v0+s14+$0x0], $0xffff;
	v0 =	vshrl.u32 v3, $0x3;
	v3 =	vshll.u32 v7, v5  }
0x16c: {  	s15 =	simm.s32 $0x3;
	v40 =	vld.idx.msk [tilespmem:v1+s14+$0x0], $0xffff;
	v1 =	vmov s16;
	v2 =	vshll.u32 v2, v5;
	s13 =	simm.s32 $0xC500;
	v3 =	vbroadcast v3, $0x0  }
0x16d: {  	v10 =	vshrl.u32 v1, $0x3;
	v25 =	vbroadcast v2, $0x0;
	v2 =	vmov s15;
	v8 =	vld [tilespmem:s13+$0x0]  }
0x16e: {  	v9 =	vld [tilespmem:s13+$0xFFFFFF40];
	v1 =	vshrl.u32 v2, $0x3;
	v7 =	vshll.u32 v0, v5;
	v0 =	vadd.s32 v51, v3  }
0x16f: {  	v2 =	vld [tilespmem:s13+$0xFFFFFF80];
	v11 =	vshll.u32 v1, v5;
	v41 =	vbroadcast v7, $0x0;
	v7 =	vadd.s32 v35, v25;
	[tilespmem:$0x1FCF0] =	vst v0  }
0x170: {  	v58 =	vbroadcast v11, $0x0;
	v12 =	vadd.s32 v32, v3;
	v13 =	vld [tilespmem:s13+$0xFFFFFFC0]  }
0x171: {  	v14 =	vadd.s32 v52, v41  }
0x172: {  	v4 =	vshrl.u32 v4, $0x3;
	v17 =	vadd.s32 v57, v58;
	v8 =	vadd.f32 v8, v40  }
0x173: {  	v19 =	vshll.u32 v4, v5;
	v4 =	vadd.f32 v9, v40  }
0x174: {  	v2 =	vadd.f32 v2, v40;
	[tilespmem:v7+s22+$0x0] =	vst.idx.msk $0xffff, v8  }
0x175: {  	v11 =	vld [tilespmem:s13+$0xFFFFFF00];
	[tilespmem:v12+s22+$0x0] =	vst.idx.msk $0xffff, v4;
	v4 =	vadd.f32 v13, v40  }
0x176: {  	v15 =	vld [tilespmem:s13+$0xC0];
	[tilespmem:v14+s22+$0x0] =	vst.idx.msk $0xffff, v2  }
0x177: {  	s20 =	simm.s32 $0x5;
	v34 =	vld [tilespmem:$0x1FE80];
	[tilespmem:v17+s22+$0x0] =	vst.idx.msk $0xffff, v4  }
0x178: {  	v6 =	vmov s20;
	s16 =	simm.s32 $0x6;
	v33 =	vld [tilespmem:$0x1FF60]  }
0x179: {  	v6 =	vshrl.u32 v6, $0x3;
	v16 =	vmov s16;
	v18 =	vld [tilespmem:s13+$0x80]  }
0x17a: {  	v6 =	vshll.u32 v6, v5;
	v9 =	vshrl.u32 v16, $0x3;
	v16 =	vld [tilespmem:s13+$0x40]  }
0x17b: {  	v8 =	vbroadcast v6, $0x0;
	v7 =	vld [tilespmem:s13+$0x10]  }
0x17c: {  	v9 =	vshll.u32 v9, v5;
	v6 =	vld [tilespmem:s13+$0xFFFFFF50]  }
0x17d: {  	v55 =	vbroadcast v9, $0x0;
	v9 =	vld [tilespmem:s13+$0xFFFFFF90];
	v0 =	vadd.s32 v33, v8  }
0x17e: {  	[tilespmem:$0x1FCE0] =	vst v0;
	v0 =	vld [tilespmem:$0x1FF10];
	_ =	sdelay $0x2  }
0x17f: {  	v36 =	vld [tilespmem:$0x1FF70]  }
0x180: {  	v63 =	vld [tilespmem:$0x1FE20]  }
0x181: {  	v17 =	vld [tilespmem:s13+$0xFFFFFFD0];
	v1 =	vadd.s32 v0, v58  }
0x182: {  	[tilespmem:$0x1FD10] =	vst v1;
	v1 =	vld [tilespmem:$0x1FEC0]  }
0x183: {  	v31 =	vld [tilespmem:$0x1FE00]  }
0x184: {  	v29 =	vld [tilespmem:$0x1FFB0];
	v36 =	vadd.s32 v36, v8  }
0x185: {  	[tilespmem:$0x1FD20] =	vst v36;
	v36 =	vld [tilespmem:$0x1FE30]  }
0x186: {  	v4 =	vld [tilespmem:$0x1FE50]  }
0x187: {  	v56 =	vbroadcast v19, $0x0;
	v10 =	vshll.u32 v10, v5;
	v62 =	vld [tilespmem:$0x1FF80];
	v19 =	vadd.s32 v1, v41  }
0x188: {  	v2 =	vbroadcast v10, $0x0;
	v28 =	vld [tilespmem:$0x1FF50]  }
0x189: {  	v11 =	vadd.f32 v11, v40;
	v54 =	vld [tilespmem:$0x1FF00];
	v10 =	vadd.s32 v63, v55  }
0x18a: {  	v30 =	vld [tilespmem:$0x1FE90];
	v22 =	vadd.f32 v6, v39;
	v6 =	vadd.f32 v9, v39;
	v42 =	vadd.s32 v36, v2  }
0x18b: {  	v60 =	vadd.s32 v27, v56;
	s15 =	simm.s32 $0x9;
	v12 =	vadd.f32 v15, v40;
	v18 =	vadd.f32 v18, v40;
	v50 =	vld [tilespmem:$0x1FFD0];
	[tilespmem:$0x1FD00] =	vst v42  }
0x18c: {  	s10 =	simm.s32 $0xC700;
	v43 =	vmov s15;
	v13 =	vadd.s32 v34, v3;
	v9 =	vld [tilespmem:$0x1FFC0];
	[tilespmem:v19+s22+$0x0] =	vst.idx.msk $0xffff, v6;
	v19 =	vadd.s32 v26, v56  }
0x18d: {  	v16 =	vadd.f32 v16, v40;
	v7 =	vadd.f32 v7, v39;
	v27 =	vadd.s32 v28, v8;
	v46 =	vld [tilespmem:s10+$0xFFFFFF40];
	[tilespmem:$0x1FD30] =	vst v19  }
0x18e: {  	v43 =	vshrl.u32 v43, $0x3;
	v14 =	vadd.s32 v31, v25;
	v20 =	vadd.s32 v29, v2;
	[tilespmem:v10+s22+$0x0] =	vst.idx.msk $0xffff, v18  }
0x18f: {  	v21 =	vadd.s32 v4, v56;
	v23 =	vadd.s32 v62, v55;
	v24 =	vadd.s32 v54, v58;
	v49 =	vld [tilespmem:s13+$0x90]  }
0x190: {  	s23 =	simm.s32 $0xC;
	s16 =	simm.s32 $0xA;
	v45 =	vadd.s32 v50, v41;
	v17 =	vadd.f32 v17, v39;
	v19 =	vadd.s32 v53, v25  }
0x191: {  	v53 =	vld [tilespmem:s13+$0xFFFFFFA0];
	v10 =	vmov s23;
	v18 =	vmov s16;
	[tilespmem:v13+s22+$0x0] =	vst.idx.msk $0xffff, v22;
	v22 =	vshll.u32 v43, v5  }
0x192: {  	s20 =	simm.s32 $0xF;
	[tilespmem:v27+s22+$0x0] =	vst.idx.msk $0xffff, v16;
	v18 =	vshrl.u32 v18, $0x3;
	v22 =	vbroadcast v22, $0x0;
	v10 =	vshrl.u32 v10, $0x3  }
0x193: {  	v44 =	vmov s20;
	[tilespmem:v14+s22+$0x0] =	vst.idx.msk $0xffff, v7;
	v16 =	vshll.u32 v18, v5;
	v18 =	vld [tilespmem:s13+$0xFFFFFF60];
	v10 =	vshll.u32 v10, v5  }
0x194: {  	v48 =	vld [tilespmem:s10+$0xFFFFFF80];
	[tilespmem:v20+s22+$0x0] =	vst.idx.msk $0xffff, v12;
	v43 =	vbroadcast v16, $0x0;
	v27 =	vadd.s32 v32, v22;
	v20 =	vadd.f32 v49, v39  }
0x195: {  	v3 =	vadd.s32 v30, v3;
	v50 =	vld [tilespmem:s10+$0x0];
	[tilespmem:v24+s22+$0x0] =	vst.idx.msk $0xffff, v17;
	v16 =	vshrl.u32 v44, $0x3;
	v44 =	vbroadcast v10, $0x0  }
0x196: {  	v14 =	vadd.f32 v53, v38;
	v24 =	vadd.s32 v52, v43;
	[tilespmem:v23+s22+$0x0] =	vst.idx.msk $0xffff, v20;
	v23 =	vld [tilespmem:s13+$0xD0]  }
0x197: {  	[tilespmem:v21+s22+$0x0] =	vst.idx.msk $0xffff, v11;
	v12 =	vadd.s32 v35, v44;
	v49 =	vadd.f32 v46, v40  }
0x198: {  	v15 =	vadd.s32 v9, v2;
	[tilespmem:v45+s22+$0x0] =	vst.idx.msk $0xffff, v14;
	v18 =	vadd.f32 v18, v38  }
0x199: {  	v11 =	vadd.f32 v48, v40;
	[tilespmem:v27+s22+$0x0] =	vst.idx.msk $0xffff, v49  }
0x19a: {  	[tilespmem:v3+s22+$0x0] =	vst.idx.msk $0xffff, v18;
	v18 =	vadd.f32 v50, v40  }
0x19b: {  	v10 =	vld [tilespmem:s10+$0xFFFFFF00];
	[tilespmem:v24+s22+$0x0] =	vst.idx.msk $0xffff, v11;
	v11 =	vadd.f32 v23, v39  }
0x19c: {  	[tilespmem:v12+s22+$0x0] =	vst.idx.msk $0xffff, v18  }
0x19d: {  	s20 =	simm.s32 $0xB;
	s23 =	simm.s32 $0xE;
	[tilespmem:v15+s22+$0x0] =	vst.idx.msk $0xffff, v11  }
0x19e: {  	s17 =	simm.s32 $0x8;
	v6 =	vadd.s32 v61, v55;
	v61 =	vmov s20;
	v20 =	vmov s23;
	v15 =	vld [tilespmem:$0x1FCE0]  }
0x19f: {  	v47 =	vmov s17;
	v7 =	vld [tilespmem:s13+$0x50];
	v45 =	vshrl.u32 v61, $0x3;
	v20 =	vshrl.u32 v20, $0x3  }
0x1a0: {  	v52 =	vadd.f32 v10, v40;
	v3 =	vld [tilespmem:s13+$0x20];
	v10 =	vshll.u32 v20, v5;
	v20 =	vshll.u32 v45, v5  }
0x1a1: {  	v17 =	vshrl.u32 v47, $0x3;
	v32 =	vld [tilespmem:s10+$0xFFFFFFC0];
	v47 =	vbroadcast v20, $0x0  }
0x1a2: {  	v21 =	vld [tilespmem:s13+$0xFFFFFF10]  }
0x1a3: {  	v12 =	vadd.s32 v57, v47  }
0x1a4: {  	v7 =	vadd.f32 v7, v39  }
0x1a5: {  	v16 =	vshll.u32 v16, v5;
	v3 =	vadd.f32 v3, v38  }
0x1a6: {  	v49 =	vbroadcast v16, $0x0;
	v16 =	vadd.f32 v32, v40;
	[tilespmem:v15+s22+$0x0] =	vst.idx.msk $0xffff, v7  }
0x1a7: {  	v7 =	vadd.f32 v21, v39;
	v23 =	vld [tilespmem:$0x1FF40];
	[tilespmem:v19+s22+$0x0] =	vst.idx.msk $0xffff, v3  }
0x1a8: {  	[tilespmem:v12+s22+$0x0] =	vst.idx.msk $0xffff, v16  }
0x1a9: {  	[tilespmem:v60+s22+$0x0] =	vst.idx.msk $0xffff, v7  }
0x1aa: {  	v7 =	vadd.s32 v1, v43;
	v1 =	vld [tilespmem:$0x1FCF0]  }
0x1ab: {  	v45 =	vbroadcast v10, $0x0;
	v10 =	vld [tilespmem:s13+$0xFFFFFF70];
	_ =	sdelay $0x2  }
0x1ac: {  	v59 =	vld [tilespmem:s10+$0x80];
	_ =	sdelay $0x1  }
0x1ad: {  	v17 =	vshll.u32 v17, v5;
	v10 =	vadd.f32 v10, v37  }
0x1ae: {  	v48 =	vbroadcast v17, $0x0  }
0x1af: {  	v50 =	vadd.s32 v0, v47;
	v0 =	vld [tilespmem:$0x1FE10];
	[tilespmem:v1+s22+$0x0] =	vst.idx.msk $0xffff, v10  }
0x1b0: {  	v12 =	vadd.f32 v59, v40;
	v59 =	vadd.s32 v4, v48;
	v4 =	vld [tilespmem:$0x1FD00]  }
0x1b1: {  	v15 =	vld [tilespmem:s13+$0xE0];
	_ =	sdelay $0x2  }
0x1b2: {  	s17 =	simm.s32 $0xD  }
0x1b3: {  	v13 =	vmov s17  }
0x1b4: {  	v13 =	vshrl.u32 v13, $0x3;
	v15 =	vadd.f32 v15, v38  }
0x1b5: {  	v13 =	vshll.u32 v13, v5  }
0x1b6: {  	v46 =	vbroadcast v13, $0x0;
	v13 =	vld [tilespmem:s13+$0xA0];
	[tilespmem:v4+s22+$0x0] =	vst.idx.msk $0xffff, v15  }
0x1b7: {  	v4 =	vld [tilespmem:$0x1FD10]  }
0x1b8: {  	v20 =	vld [tilespmem:s13+$0xFFFFFFE0]  }
0x1b9: {  	v18 =	vld [tilespmem:s10+$0x10];
	_ =	sdelay $0x3  }
0x1ba: {  	v17 =	vadd.f32 v20, v38  }
0x1bb: {  	v0 =	vadd.s32 v0, v8;
	v8 =	vadd.f32 v18, v39;
	v18 =	vadd.f32 v13, v38  }
0x1bc: {  	[tilespmem:v4+s22+$0x0] =	vst.idx.msk $0xffff, v17  }
0x1bd: {  	v4 =	vld [tilespmem:$0x1FF20];
	[tilespmem:v6+s22+$0x0] =	vst.idx.msk $0xffff, v18  }
0x1be: {  	v6 =	vld [tilespmem:$0x1FE40];
	_ =	sdelay $0x4  }
0x1bf: {  	v15 =	vadd.s32 v6, v2;
	v2 =	vld [tilespmem:$0x1FD20]  }
0x1c0: {  	v16 =	vld [tilespmem:s13+$0x60];
	_ =	sdelay $0x1  }
0x1c1: {  	v14 =	vld [tilespmem:s10+$0x40];
	_ =	sdelay $0x2  }
0x1c2: {  	v16 =	vadd.f32 v16, v38;
	_ =	sdelay $0x1  }
0x1c3: {  	v3 =	vadd.f32 v14, v40;
	v14 =	vld [tilespmem:s13+$0x30];
	[tilespmem:v2+s22+$0x0] =	vst.idx.msk $0xffff, v16  }
0x1c4: {  	v2 =	vld [tilespmem:$0x1FFA0];
	_ =	sdelay $0x3  }
0x1c5: {  	v26 =	vld [tilespmem:s10+$0xC0];
	v21 =	vadd.s32 v23, v25  }
0x1c6: {  	v11 =	vadd.s32 v31, v44;
	v20 =	vadd.f32 v14, v37;
	v14 =	vadd.s32 v2, v55;
	v2 =	vld [tilespmem:$0x1FE60];
	_ =	sdelay $0x3  }
0x1c7: {  	v53 =	vadd.f32 v26, v40;
	v26 =	vadd.s32 v34, v22;
	[tilespmem:v21+s22+$0x0] =	vst.idx.msk $0xffff, v20  }
0x1c8: {  	v34 =	vmov v9;
	v60 =	vadd.s32 v9, v49;
	v9 =	vadd.s32 v2, v56;
	v2 =	vld [tilespmem:$0x1FED0];
	[tilespmem:v11+s22+$0x0] =	vst.idx.msk $0xffff, v8  }
0x1c9: {  	v6 =	vld [tilespmem:$0x1FF70];
	_ =	sdelay $0x3  }
0x1ca: {  	v57 =	vadd.s32 v29, v49;
	v29 =	vmov v54;
	v19 =	vld [tilespmem:s10+$0xFFFFFF50]  }
0x1cb: {  	v13 =	vadd.s32 v4, v58;
	v4 =	vadd.s32 v54, v47;
	v31 =	vmovc v6;
	v54 =	vadd.s32 v6, v46;
	v6 =	vld [tilespmem:$0x1FD30]  }
0x1cc: {  	v24 =	vld [tilespmem:s13+$0xFFFFFF20];
	_ =	sdelay $0x3  }
0x1cd: {  	v23 =	vadd.f32 v19, v39;
	v19 =	vld [tilespmem:s10+$0xFFFFFFD0]  }
0x1ce: {  	v24 =	vadd.f32 v24, v38;
	v10 =	vld [tilespmem:s10+$0xFFFFFF90]  }
0x1cf: {  	v35 =	vld [tilespmem:s13+$0xFFFFFFB0];
	[tilespmem:v26+s22+$0x0] =	vst.idx.msk $0xffff, v23  }
0x1d0: {  	v17 =	vld [tilespmem:s13+$0xF0];
	[tilespmem:v6+s22+$0x0] =	vst.idx.msk $0xffff, v24  }
0x1d1: {  	v8 =	vld [tilespmem:$0x1FFD0]  }
0x1d2: {  	v11 =	vld [tilespmem:$0x1FF90]  }
0x1d3: {  	v18 =	vadd.f32 v10, v39;
	v10 =	vadd.f32 v19, v39;
	v19 =	vld [tilespmem:s13+$0xFFFFFFF0]  }
0x1d4: {  	v42 =	vadd.s32 v51, v22;
	v51 =	vadd.s32 v33, v46;
	v63 =	vadd.s32 v63, v45;
	v16 =	vld [tilespmem:s13+$0xB0]  }
0x1d5: {  	v32 =	vmovc v62;
	v62 =	vadd.s32 v62, v45;
	v1 =	vadd.f32 v35, v37;
	v20 =	vadd.s32 v28, v46;
	v6 =	vld [tilespmem:s13+$0x70]  }
0x1d6: {  	v35 =	vmovc v36;
	v21 =	vadd.f32 v17, v37;
	v56 =	vadd.s32 v36, v49;
	v58 =	vadd.s32 v2, v48;
	v17 =	vld [tilespmem:s13+$0xFFFFFF30]  }
0x1d7: {  	s11 =	simm.s32 $0x10;
	s12 =	simm.s32 $0xC900;
	v2 =	vadd.s32 v30, v22;
	v33 =	vld [tilespmem:$0x1FEE0];
	v36 =	vmovc v8;
	v8 =	vadd.s32 v8, v43;
	v55 =	vadd.s32 v11, v45  }
.LBB2_7:
0x1d8: {  	[tilespmem:v7+s22+$0x0] =	vst.idx.msk $0xffff, v18  }
0x1d9: {  	[tilespmem:v63+s22+$0x0] =	vst.idx.msk $0xffff, v12  }
0x1da: {  	s16 =	smov.u32 s11;
	[tilespmem:v15+s22+$0x0] =	vst.idx.msk $0xffff, v21;
	v7 =	vadd.f32 v19, v37  }
0x1db: {  	v22 =	vld [tilespmem:s12+$0xFFFFFF40];
	s23 =	sadd.s32 $0x2, s16;
	[tilespmem:v20+s22+$0x0] =	vst.idx.msk $0xffff, v3  }
0x1dc: {  	s17 =	sadd.s32 $0x4, s16;
	v12 =	vld [tilespmem:s12+$0x80];
	v21 =	vmov s23;
	v3 =	vadd.f32 v16, v37;
	[tilespmem:v13+s22+$0x0] =	vst.idx.msk $0xffff, v7  }
0x1dd: {  	v18 =	vmov s17;
	v16 =	vshrl.u32 v21, $0x3;
	v7 =	vadd.f32 v6, v37;
	[tilespmem:v4+s22+$0x0] =	vst.idx.msk $0xffff, v10;
	v4 =	vld [tilespmem:$0x1FF30]  }
0x1de: {  	v26 =	vadd.s32 v33, v41;
	v13 =	vshll.u32 v16, v5;
	v16 =	vld [tilespmem:s10+$0x90];
	[tilespmem:v14+s22+$0x0] =	vst.idx.msk $0xffff, v3;
	v3 =	vshrl.u32 v18, $0x3  }
0x1df: {  	v20 =	vld [tilespmem:s10+$0x50];
	[tilespmem:v0+s22+$0x0] =	vst.idx.msk $0xffff, v7;
	v0 =	vshll.u32 v3, v5  }
0x1e0: {  	v18 =	vld [tilespmem:s12+$0x0];
	v0 =	vbroadcast v0, $0x0  }
0x1e1: {  	s15 =	sadd.s32 $0x7, s11;
	v25 =	vld [tilespmem:s10+$0xFFFFFFA0]  }
0x1e2: {  	s20 =	sadd.s32 $0x5, s16;
	v24 =	vmov s15;
	s15 =	sadd.s32 $0x1, s16;
	v27 =	vld [tilespmem:s12+$0xFFFFFF80];
	v4 =	vadd.s32 v4, v0  }
0x1e3: {  	v15 =	vmov s15;
	v19 =	vmov s20;
	[tilespmem:v26+s22+$0x0] =	vst.idx.msk $0xffff, v1;
	v1 =	vld [tilespmem:$0x1FE70]  }
0x1e4: {  	v15 =	vshrl.u32 v15, $0x3;
	v19 =	vshrl.u32 v19, $0x3;
	v14 =	vld [tilespmem:s10+$0xFFFFFF60]  }
0x1e5: {  	v6 =	vshll.u32 v15, v5;
	v15 =	vshrl.u32 v24, $0x3;
	v24 =	vld [tilespmem:s12+$0xC0];
	v18 =	vadd.f32 v18, v40  }
0x1e6: {  	v19 =	vshll.u32 v19, v5;
	v10 =	vshll.u32 v15, v5;
	v15 =	vld [tilespmem:s10+$0x20]  }
0x1e7: {  	[tilespmem:v4+s22+$0x0] =	vst.idx.msk $0xffff, v18;
	v4 =	vbroadcast v19, $0x0;
	v19 =	vld [tilespmem:$0x1FE80];
	_ =	sdelay $0x1  }
0x1e8: {  	v11 =	vld [tilespmem:$0x1FFF0];
	v6 =	vbroadcast v6, $0x0;
	v7 =	vadd.f32 v25, v38  }
0x1e9: {  	s13 =	sadd.s32 $0x6, s16;
	[tilespmem:v57+s22+$0x0] =	vst.idx.msk $0xffff, v53  }
0x1ea: {  	v21 =	vld [tilespmem:$0x1FEB0];
	v1 =	vadd.s32 v1, v6;
	[tilespmem:v8+s22+$0x0] =	vst.idx.msk $0xffff, v7;
	v7 =	vadd.f32 v22, v40;
	v22 =	vmov s13  }
0x1eb: {  	v14 =	vadd.f32 v14, v38;
	v53 =	vadd.f32 v24, v40;
	v24 =	vadd.s32 v19, v6;
	v19 =	vld [tilespmem:$0x1FE20]  }
0x1ec: {  	v22 =	vshrl.u32 v22, $0x3  }
0x1ed: {  	v61 =	vadd.s32 v11, v48;
	v11 =	vld [tilespmem:$0x1FFE0];
	v22 =	vshll.u32 v22, v5;
	[tilespmem:v2+s22+$0x0] =	vst.idx.msk $0xffff, v14  }
0x1ee: {  	v41 =	vmovc v43;
	v17 =	vadd.f32 v17, v37;
	v43 =	vbroadcast v13, $0x0;
	v22 =	vbroadcast v22, $0x0;
	v25 =	vld [tilespmem:s10+$0xFFFFFF70]  }
0x1ef: {  	[tilespmem:v1+s22+$0x0] =	vst.idx.msk $0xffff, v7;
	v1 =	vld [tilespmem:$0x1FF40]  }
0x1f0: {  	[tilespmem:v9+s22+$0x0] =	vst.idx.msk $0xffff, v17;
	v21 =	vadd.s32 v21, v43;
	v63 =	vadd.s32 v19, v22;
	v19 =	vld [tilespmem:$0x1FE00]  }
0x1f1: {  	v9 =	vld [tilespmem:s12+$0xFFFFFF00];
	_ =	sdelay $0x1  }
0x1f2: {  	v23 =	vmov s16;
	v2 =	vld [tilespmem:s10+$0xFFFFFFB0];
	v14 =	vadd.f32 v27, v40  }
0x1f3: {  	s16 =	sadd.s32 $0x3, s16;
	v17 =	vshrl.u32 v23, $0x3;
	v27 =	vadd.s32 v1, v44;
	v1 =	vld [tilespmem:$0x1FFB0]  }
0x1f4: {  	v23 =	vmov s16;
	v11 =	vadd.s32 v11, v44;
	[tilespmem:v21+s22+$0x0] =	vst.idx.msk $0xffff, v14;
	v44 =	vmovc v0;
	v21 =	vadd.s32 v19, v0;
	v0 =	vld [tilespmem:$0x1FEF0]  }
0x1f5: {  	v23 =	vshrl.u32 v23, $0x3;
	v16 =	vadd.f32 v16, v39;
	v9 =	vadd.f32 v9, v40  }
0x1f6: {  	v13 =	vld [tilespmem:$0x1FEA0];
	[tilespmem:v59+s22+$0x0] =	vst.idx.msk $0xffff, v52;
	v23 =	vshll.u32 v23, v5  }
0x1f7: {  	v10 =	vbroadcast v10, $0x0;
	[tilespmem:v62+s22+$0x0] =	vst.idx.msk $0xffff, v16;
	v16 =	vld [tilespmem:s10+$0xD0];
	v52 =	vmov v9;
	v9 =	vbroadcast v23, $0x0  }
0x1f8: {  	v26 =	vld [tilespmem:s10+$0xFFFFFF10]  }
0x1f9: {  	v57 =	vadd.s32 v1, v10;
	v1 =	vadd.f32 v15, v38;
	v15 =	vadd.s32 v0, v9;
	v0 =	vld [tilespmem:$0x1FF10]  }
0x1fa: {  	v3 =	vld [tilespmem:s12+$0x40]  }
0x1fb: {  	v8 =	vld [tilespmem:s12+$0xFFFFFFC0]  }
0x1fc: {  	v23 =	vld [tilespmem:s10+$0xFFFFFFE0];
	v16 =	vadd.f32 v16, v39  }
0x1fd: {  	v62 =	vld [tilespmem:s12+$0xFFFFFF50]  }
0x1fe: {  	[tilespmem:v60+s22+$0x0] =	vst.idx.msk $0xffff, v16;
	v16 =	vadd.s32 v0, v9;
	v0 =	vld [tilespmem:$0x1FEC0]  }
0x1ff: {  	v20 =	vadd.f32 v20, v39;
	v18 =	vld [tilespmem:s10+$0xA0]  }
0x200: {  	v14 =	vld [tilespmem:s12+$0x10]  }
0x201: {  	[tilespmem:v51+s22+$0x0] =	vst.idx.msk $0xffff, v20;
	v20 =	vld [tilespmem:s10+$0xE0]  }
0x202: {  	[tilespmem:v11+s22+$0x0] =	vst.idx.msk $0xffff, v1;
	v1 =	vadd.f32 v26, v39;
	v19 =	vld [tilespmem:$0x1FF60]  }
0x203: {  	v7 =	vadd.s32 v0, v43;
	v0 =	vld [tilespmem:$0x1FE10]  }
0x204: {  	v11 =	vld [tilespmem:s10+$0x60];
	[tilespmem:v58+s22+$0x0] =	vst.idx.msk $0xffff, v1;
	v1 =	vadd.f32 v2, v37;
	v2 =	vadd.f32 v18, v38  }
0x205: {  	v8 =	vadd.f32 v8, v40;
	v26 =	vadd.f32 v14, v39;
	v14 =	vld [tilespmem:s12+$0xFFFFFF90]  }
0x206: {  	[tilespmem:v55+s22+$0x0] =	vst.idx.msk $0xffff, v2;
	v2 =	vld [tilespmem:$0x1FE40]  }
0x207: {  	[tilespmem:v15+s22+$0x0] =	vst.idx.msk $0xffff, v8;
	v8 =	vld [tilespmem:s10+$0xFFFFFF20]  }
0x208: {  	v19 =	vadd.s32 v19, v4;
	v0 =	vadd.s32 v0, v46;
	v46 =	vmov v4;
	v4 =	vld [tilespmem:$0x1FE50]  }
0x209: {  	v51 =	vmov v19;
	v19 =	vld [tilespmem:s10+$0x30];
	v15 =	vadd.f32 v23, v38  }
0x20a: {  	v17 =	vshll.u32 v17, v5;
	v18 =	vadd.f32 v20, v38;
	v20 =	vld [tilespmem:s12+$0xFFFFFFD0]  }
0x20b: {  	v17 =	vbroadcast v17, $0x0;
	[tilespmem:v50+s22+$0x0] =	vst.idx.msk $0xffff, v15;
	v15 =	vadd.s32 v2, v49;
	v2 =	vld [tilespmem:$0x1FFA0]  }
0x20c: {  	v12 =	vadd.f32 v12, v40;
	[tilespmem:v56+s22+$0x0] =	vst.idx.msk $0xffff, v18;
	v8 =	vadd.f32 v8, v38  }
0x20d: {  	v13 =	vadd.s32 v13, v6;
	v56 =	vld [tilespmem:s10+$0xF0];
	v59 =	vadd.s32 v4, v17;
	v4 =	vadd.f32 v25, v37  }
0x20e: {  	v3 =	vadd.f32 v3, v40;
	v11 =	vadd.f32 v11, v38;
	[tilespmem:v61+s22+$0x0] =	vst.idx.msk $0xffff, v8;
	v61 =	vld [tilespmem:$0x1FF90]  }
0x20f: {  	v18 =	vadd.f32 v14, v39;
	v25 =	vadd.f32 v19, v37;
	[tilespmem:v42+s22+$0x0] =	vst.idx.msk $0xffff, v4;
	v4 =	vld [tilespmem:$0x1FF20]  }
0x210: {  	[tilespmem:v54+s22+$0x0] =	vst.idx.msk $0xffff, v11;
	v23 =	vadd.f32 v62, v39;
	v49 =	vmov v10;
	v14 =	vadd.s32 v2, v45;
	v2 =	vld [tilespmem:$0x1FE60]  }
0x211: {  	p1 =	slt.u32 s11, $0x78;
	v62 =	vadd.s32 v32, v22;
	v60 =	vadd.s32 v34, v49;
	[tilespmem:v27+s22+$0x0] =	vst.idx.msk $0xffff, v25;
	v27 =	vld [tilespmem:$0x1FED0]  }
.Ltmp4:
0x212: {  	v10 =	vadd.f32 v20, v39;
	v45 =	vmovc v22;
	v8 =	vadd.s32 v36, v43;
	v20 =	vadd.s32 v28, v46;
	(pc) =	sbr.rel @p1 .LBB2_7-.Ltmp4, $4  }
0x213: {  	v50 =	vmov v16;
	v16 =	vld [tilespmem:s10+$0xB0];
	v54 =	vadd.s32 v31, v46;
	v55 =	vadd.s32 v61, v45;
	[tilespmem:v21+s22+$0x0] =	vst.idx.msk $0xffff, v26  }
0x214: {  	v19 =	vld [tilespmem:s10+$0xFFFFFFF0];
	v42 =	vmovc v13;
	v21 =	vadd.f32 v56, v37;
	v56 =	vadd.s32 v35, v49;
	v13 =	vadd.s32 v4, v47  }
0x215: {  	v47 =	vmovc v9;
	v9 =	vadd.s32 v2, v48;
	v48 =	vmov v17;
	v2 =	vadd.s32 v30, v6;
	v6 =	vld [tilespmem:s10+$0x70]  }
0x216: {  	s11 =	sadd.s32 $0x8, s11;
	[tilespmem:v24+s22+$0x0] =	vst.idx.msk $0xffff, v23;
	v17 =	vld [tilespmem:s10+$0xFFFFFF30];
	s10 =	smov.u32 s12;
	s12 =	sadd.s32 $0x200, s12;
	v4 =	vadd.s32 v29, v47;
	v58 =	vadd.s32 v27, v48  }
0x217: {  	_ =	sdelay $0x3  }
0x218: {  	[tilespmem:v63+s22+$0x0] =	vst.idx.msk $0xffff, v12  }
0x219: {  	[tilespmem:v7+s22+$0x0] =	vst.idx.msk $0xffff, v18  }
0x21a: {  	[tilespmem:v57+s22+$0x0] =	vst.idx.msk $0xffff, v53  }
0x21b: {  	[tilespmem:v15+s22+$0x0] =	vst.idx.msk $0xffff, v21  }
0x21c: {  	[tilespmem:v20+s22+$0x0] =	vst.idx.msk $0xffff, v3;
	v11 =	vld [tilespmem:s10+$0xD0]  }
0x21d: {  	v21 =	vadd.s32 v33, v41;
	[tilespmem:v59+s22+$0x0] =	vst.idx.msk $0xffff, v52;
	v3 =	vadd.f32 v16, v37  }
0x21e: {  	[tilespmem:v4+s22+$0x0] =	vst.idx.msk $0xffff, v10;
	v7 =	vadd.f32 v19, v37  }
0x21f: {  	v6 =	vadd.f32 v6, v37;
	[tilespmem:v14+s22+$0x0] =	vst.idx.msk $0xffff, v3  }
0x220: {  	[tilespmem:v13+s22+$0x0] =	vst.idx.msk $0xffff, v7  }
0x221: {  	[tilespmem:v0+s22+$0x0] =	vst.idx.msk $0xffff, v6;
	v3 =	vadd.f32 v11, v39  }
0x222: {  	v7 =	vld [tilespmem:s10+$0x90];
	[tilespmem:v21+s22+$0x0] =	vst.idx.msk $0xffff, v1  }
0x223: {  	v22 =	vld [tilespmem:s10+$0x50];
	[tilespmem:v60+s22+$0x0] =	vst.idx.msk $0xffff, v3  }
0x224: {  	v52 =	vld [tilespmem:$0x1FFE0]  }
0x225: {  	v23 =	vld [tilespmem:s10+$0xFFFFFF10]  }
0x226: {  	v6 =	vld [tilespmem:s10+$0xFFFFFF60]  }
0x227: {  	v30 =	vld [tilespmem:s10+$0x20];
	v7 =	vadd.f32 v7, v39  }
0x228: {  	v32 =	vadd.f32 v17, v37;
	v4 =	vld [tilespmem:s10+$0xE0]  }
0x229: {  	v3 =	vadd.f32 v22, v39;
	[tilespmem:v62+s22+$0x0] =	vst.idx.msk $0xffff, v7;
	v7 =	vld [tilespmem:s10+$0xFFFFFFE0];
	v31 =	vadd.s32 v52, v44  }
0x22a: {  	v0 =	vadd.f32 v23, v39;
	[tilespmem:v9+s22+$0x0] =	vst.idx.msk $0xffff, v32  }
0x22b: {  	[tilespmem:v51+s22+$0x0] =	vst.idx.msk $0xffff, v3;
	v3 =	vadd.f32 v6, v38  }
0x22c: {  	v1 =	vadd.f32 v30, v38;
	[tilespmem:v58+s22+$0x0] =	vst.idx.msk $0xffff, v0  }
0x22d: {  	v6 =	vld [tilespmem:s10+$0x60];
	[tilespmem:v2+s22+$0x0] =	vst.idx.msk $0xffff, v3;
	v36 =	vadd.f32 v4, v38  }
0x22e: {  	v34 =	vld [tilespmem:s10+$0xA0];
	v39 =	vadd.f32 v7, v38;
	[tilespmem:v31+s22+$0x0] =	vst.idx.msk $0xffff, v1  }
0x22f: {  	v63 =	vld [tilespmem:$0x1FFF0];
	[tilespmem:v56+s22+$0x0] =	vst.idx.msk $0xffff, v36  }
0x230: {  	v35 =	vld [tilespmem:s10+$0xFFFFFFA0];
	[tilespmem:v50+s22+$0x0] =	vst.idx.msk $0xffff, v39  }
0x231: {  	v51 =	vld [tilespmem:$0x1FF40]  }
0x232: {  	v0 =	vld [tilespmem:s10+$0xFFFFFF20]  }
0x233: {  	v3 =	vld [tilespmem:s10+$0xFFFFFF70];
	v40 =	vadd.f32 v34, v38  }
0x234: {  	v41 =	vadd.f32 v6, v38;
	v7 =	vld [tilespmem:s10+$0x30];
	v4 =	vadd.s32 v63, v48  }
0x235: {  	v6 =	vadd.f32 v35, v38;
	v50 =	vld [tilespmem:s10+$0xF0];
	[tilespmem:v55+s22+$0x0] =	vst.idx.msk $0xffff, v40  }
0x236: {  	v10 =	vld [tilespmem:$0x1FE40];
	[tilespmem:v54+s22+$0x0] =	vst.idx.msk $0xffff, v41;
	v9 =	vadd.s32 v51, v44  }
0x237: {  	v0 =	vadd.f32 v0, v38;
	v53 =	vld [tilespmem:s10+$0xFFFFFFF0];
	[tilespmem:v8+s22+$0x0] =	vst.idx.msk $0xffff, v6  }
0x238: {  	v3 =	vadd.f32 v3, v37;
	v6 =	vld [tilespmem:$0x1FF20]  }
0x239: {  	v58 =	vld [tilespmem:$0x1FFA0];
	v7 =	vadd.f32 v7, v37;
	[tilespmem:v4+s22+$0x0] =	vst.idx.msk $0xffff, v0  }
0x23a: {  	v0 =	vld [tilespmem:$0x1FE10];
	[tilespmem:v42+s22+$0x0] =	vst.idx.msk $0xffff, v3  }
0x23b: {  	v55 =	vld [tilespmem:s10+$0xB0];
	[tilespmem:v9+s22+$0x0] =	vst.idx.msk $0xffff, v7  }
0x23c: {  	v10 =	vadd.s32 v10, v49;
	v9 =	vld [tilespmem:$0x1FE60]  }
0x23d: {  	v57 =	vld [tilespmem:s10+$0xFFFFFFB0];
	v6 =	vadd.s32 v6, v47  }
0x23e: {  	v56 =	vld [tilespmem:s10+$0x70];
	v13 =	vadd.s32 v58, v45  }
0x23f: {  	v1 =	vadd.f32 v50, v37;
	v3 =	vld [tilespmem:s10+$0xFFFFFF30];
	v7 =	vadd.s32 v33, v43  }
0x240: {  	v4 =	vadd.f32 v53, v37;
	v0 =	vadd.s32 v0, v46  }
0x241: {  	v59 =	vadd.f32 v55, v37;
	[tilespmem:v10+s22+$0x0] =	vst.idx.msk $0xffff, v1;
	v9 =	vadd.s32 v9, v48  }
0x242: {  	[tilespmem:v6+s22+$0x0] =	vst.idx.msk $0xffff, v4;
	v4 =	vadd.f32 v57, v37  }
0x243: {  	s6 =	sshll.u32 s6, $0x12;
	v60 =	vadd.f32 v56, v37;
	[tilespmem:v13+s22+$0x0] =	vst.idx.msk $0xffff, v59  }
0x244: {  	s6 =	sor.u32 s7, s6;
	v62 =	vadd.f32 v3, v37;
	[tilespmem:v7+s22+$0x0] =	vst.idx.msk $0xffff, v4  }
0x245: {  	s6 =	sshrl.u32 s6, $0x3;
	[tilespmem:v0+s22+$0x0] =	vst.idx.msk $0xffff, v60  }
0x246: {  	s16 =	simm.s32 $0x16600;
	s10 =	sadd.s32 s2, s6;
	[tilespmem:v9+s22+$0x0] =	vst.idx.msk $0xffff, v62  }
0x247: {  	[hbm4b:s10+s3] =	stream.linear.scatter [tilespmem:s16], [sflag:$0x7], $0x80, $0x38;
	[tilespmem:$0x1EE00] =	vst v63  }
0x248: {  	s17 =	simm.s32 $0x16688;
	s11 =	sadd.s32 $0x10, s10  }
0x249: {  	[hbm4b:s11+s3] =	stream.linear.scatter [tilespmem:s17], [sflag:$0x7], $0x80, $0x38;
	[tilespmem:$0x1EE00] =	vst v63  }
0x24a: {  	s20 =	simm.s32 $0x16710;
	s13 =	simm.s32 $0x16820;
	s23 =	sadd.s32 $0x20, s10  }
0x24b: {  	[hbm4b:s23+s3] =	stream.linear.scatter [tilespmem:s20], [sflag:$0x7], $0x80, $0x38;
	[tilespmem:$0x1EE00] =	vst v63  }
0x24c: {  	s6 =	simm.s32 $0x440;
	s12 =	sadd.s32 $0x30, s10;
	s11 =	simm.s32 $0x16798  }
0x24d: {  	[hbm4b:s12+s3] =	stream.linear.scatter [tilespmem:s11], [sflag:$0x7], $0x80, $0x38;
	[tilespmem:$0x1EE00] =	vst v63  }
0x24e: {  	s15 =	sadd.s32 $0x40, s10;
	s16 =	simm.s32 $0x168A8;
	s17 =	sadd.s32 $0x50, s10  }
0x24f: {  	[hbm4b:s15+s3] =	stream.linear.scatter [tilespmem:s13], [sflag:$0x7], $0x80, $0x38;
	[tilespmem:$0x1EE00] =	vst v63  }
0x250: {  	s20 =	simm.s32 $0x16930;
	s23 =	sadd.s32 $0x60, s10;
	s11 =	simm.s32 $0x2200  }
0x251: {  	[hbm4b:s17+s3] =	stream.linear.scatter [tilespmem:s16], [sflag:$0x7], $0x80, $0x38;
	[tilespmem:$0x1EE00] =	vst v63  }
0x252: {  	s12 =	simm.s32 $0x169B8;
	s13 =	sadd.s32 $0x70, s10;
	s10 =	sadd.s32 $0x1000, s10  }
0x253: {  	[hbm4b:s23+s3] =	stream.linear.scatter [tilespmem:s20], [sflag:$0x7], $0x80, $0x38;
	[tilespmem:$0x1EE00] =	vst v63  }
.LBB2_9:
0x254: {  	[hbm4b:s13+s3] =	stream.linear.scatter [tilespmem:s12], [sflag:$0x7], $0x80, $0x38;
	[tilespmem:$0x1EE00] =	vst v63  }
0x255: {  	s12 =	smov.u32 s6;
	s6 =	smov.u32 s11  }
0x256: {  	s15 =	sadd.s32 $0x1100, s11;
	s6 =	sshra.s32 s6, $0x2;
	s13 =	sadd.s32 $0x16600, s12  }
0x257: {  	[hbm4b:s10+s3] =	stream.linear.scatter [tilespmem:s13], [sflag:$0x7], $0x80, $0x38;
	[tilespmem:$0x1EE00] =	vst v63  }
0x258: {  	p1 =	sne.s32 s11, $0x7700;
	s11 =	sadd.s32 $0x16688, s12;
	s13 =	sadd.s32 $0x10, s10  }
0x259: {  	[hbm4b:s13+s3] =	stream.linear.scatter [tilespmem:s11], [sflag:$0x7], $0x80, $0x38;
	[tilespmem:$0x1EE00] =	vst v63  }
0x25a: {  	s11 =	sadd.s32 $0x16710, s12;
	s13 =	sadd.s32 $0x20, s10  }
0x25b: {  	[hbm4b:s13+s3] =	stream.linear.scatter [tilespmem:s11], [sflag:$0x7], $0x80, $0x38;
	[tilespmem:$0x1EE00] =	vst v63  }
0x25c: {  	s11 =	sadd.s32 $0x16798, s12;
	s13 =	sadd.s32 $0x30, s10  }
0x25d: {  	[hbm4b:s13+s3] =	stream.linear.scatter [tilespmem:s11], [sflag:$0x7], $0x80, $0x38;
	[tilespmem:$0x1EE00] =	vst v63  }
0x25e: {  	s11 =	sadd.s32 $0x16820, s12;
	s13 =	sadd.s32 $0x40, s10  }
0x25f: {  	[hbm4b:s13+s3] =	stream.linear.scatter [tilespmem:s11], [sflag:$0x7], $0x80, $0x38;
	[tilespmem:$0x1EE00] =	vst v63  }
.Ltmp5:
0x260: {  	s11 =	sadd.s32 $0x168A8, s12;
	s13 =	sadd.s32 $0x50, s10;
	(pc) =	sbr.rel @p1 .LBB2_9-.Ltmp5, $4  }
0x261: {  	[hbm4b:s13+s3] =	stream.linear.scatter [tilespmem:s11], [sflag:$0x7], $0x80, $0x38;
	[tilespmem:$0x1EE00] =	vst v63  }
0x262: {  	s11 =	sadd.s32 $0x16930, s12;
	s13 =	sadd.s32 $0x60, s10;
	s12 =	sadd.s32 $0x169B8, s12  }
0x263: {  	[hbm4b:s13+s3] =	stream.linear.scatter [tilespmem:s11], [sflag:$0x7], $0x80, $0x38;
	[tilespmem:$0x1EE00] =	vst v63  }
0x264: {  	s13 =	sadd.s32 $0x70, s10;
	s10 =	sadd.s32 $0x1000, s10;
	s11 =	smov.u32 s15  }
0x265: {  	[hbm4b:s13+s3] =	stream.linear.scatter [tilespmem:s12], [sflag:$0x7], $0x80, $0x38;
	[tilespmem:$0x1EE00] =	vst v63  }
0x266: {  	s11 =	sadd.s32 $0x16600, s6  }
0x267: {  	[hbm4b:s10+s3] =	stream.linear.scatter [tilespmem:s11], [sflag:$0x7], $0x80, $0x38;
	[tilespmem:$0x1EE00] =	vst v63  }
0x268: {  	s20 =	sadd.s32 $0x16688, s6;
	s23 =	sadd.s32 $0x10, s10  }
0x269: {  	[hbm4b:s23+s3] =	stream.linear.scatter [tilespmem:s20], [sflag:$0x7], $0x80, $0x38;
	[tilespmem:$0x1EE00] =	vst v63  }
0x26a: {  	s13 =	sadd.s32 $0x16710, s6;
	s15 =	sadd.s32 $0x20, s10  }
0x26b: {  	[hbm4b:s15+s3] =	stream.linear.scatter [tilespmem:s13], [sflag:$0x7], $0x80, $0x38;
	[tilespmem:$0x1EE00] =	vst v63  }
0x26c: {  	s16 =	sadd.s32 $0x16798, s6;
	s17 =	sadd.s32 $0x30, s10  }
0x26d: {  	[hbm4b:s17+s3] =	stream.linear.scatter [tilespmem:s16], [sflag:$0x7], $0x80, $0x38;
	[tilespmem:$0x1EE00] =	vst v63  }
0x26e: {  	s20 =	sadd.s32 $0x16820, s6;
	s23 =	sadd.s32 $0x40, s10  }
0x26f: {  	[hbm4b:s23+s3] =	stream.linear.scatter [tilespmem:s20], [sflag:$0x7], $0x80, $0x38;
	[tilespmem:$0x1EE00] =	vst v63  }
0x270: {  	s13 =	sadd.s32 $0x168A8, s6;
	s15 =	sadd.s32 $0x50, s10;
	s16 =	sadd.s32 $0x16930, s6  }
0x271: {  	[hbm4b:s15+s3] =	stream.linear.scatter [tilespmem:s13], [sflag:$0x7], $0x80, $0x38;
	[tilespmem:$0x1EE00] =	vst v63  }
0x272: {  	s17 =	sadd.s32 $0x60, s10;
	s20 =	sadd.s32 $0x169B8, s6;
	s6 =	sadd.s32 $0x4, s0  }
0x273: {  	[hbm4b:s17+s3] =	stream.linear.scatter [tilespmem:s16], [sflag:$0x7], $0x80, $0x38;
	[tilespmem:$0x1EE00] =	vst v63  }
0x274: {  	s23 =	sadd.s32 $0x70, s10;
	s11 =	sshll.u32 s6, $0x7  }
0x275: {  	[hbm4b:s23+s3] =	stream.linear.scatter [tilespmem:s20], [sflag:$0x7], $0x80, $0x38;
	[tilespmem:$0x1EE00] =	vst v63  }
0x276: {  	s12 =	simm.s32 $0x12400;
	s10 =	sand.u32 $0x3FFFFF80, s11  }
0x277: {  	[tilespmem:s12], [sflag:$0x5] =	stream.indirect.gather [hbm4b:s4+s9], $0x40, s10, s9, $0xb8;
	[tilespmem:$0x1EE00] =	vst v63  }
0x278: {  	_ =	swait.ge [sflag:s24], $0x2000  }
0x279: {  	[sflag:s24] =	ssyncset.done $0x0  }
0x27a: {  	s10 =	simm.s32 @!p0 $0x8;
	v1 =	vld [tilespmem:$0x1FDE0];
	[sflag:s24] =	ssyncadd.s32 $0xFFFFE000  }
0x27b: {  	v2 =	vld [tilespmem:$0x1FDC0];
	_ =	swait.ge @!p0 [sflag:s10], $0x2000  }
0x27c: {  	v3 =	vld [tilespmem:$0x1FDD0]  }
0x27d: {  	s0 =	sadd.s32 $0x2, s0;
	v4 =	vld [tilespmem:$0x1FDF0]  }
0x27e: {  	v0 =	vmov s0  }
0x27f: {  	v0 =	vand.u32 $0x3FF, v0  }
0x280: {  	v28 =	vld [tilespmem:$0x1FF30];
	v2 =	vadd.s32 v2, v0  }
0x281: {  	v30 =	vld [tilespmem:$0x1FE70];
	v3 =	vadd.s32 v3, v0  }
0x282: {  	v31 =	vld [tilespmem:$0x1FEA0];
	v1 =	vadd.s32 v1, v0;
	v0 =	vadd.s32 v4, v0  }
0x283: {  	s20 =	simm.s32 $0x1;
	[sflag:s10] =	ssyncset.done @!p0 $0x0;
	v32 =	vld [tilespmem:$0x1FEB0]  }
0x284: {  	v7 =	vmov s20;
	v51 =	vld [tilespmem:$0x1FEF0];
	[sflag:s10] =	ssyncadd.s32 @!p0 $0xFFFFE000  }
0x285: {  	s13 =	simm.s32 $0x0;
	s16 =	simm.s32 $0x4;
	s23 =	simm.s32 $0x2;
	v7 =	vshrl.u32 v7, $0x3;
	v39 =	vld.idx.msk [tilespmem:v2+s14+$0x0], $0xffff  }
0x286: {  	v4 =	vmov s13;
	v2 =	vmov s16;
	v38 =	vld.idx.msk [tilespmem:v3+s14+$0x0], $0xffff;
	v3 =	vmov s23  }
0x287: {  	s15 =	simm.s32 $0x7;
	v2 =	vshrl.u32 v2, $0x3;
	v37 =	vld.idx.msk [tilespmem:v0+s14+$0x0], $0xffff;
	v0 =	vshrl.u32 v3, $0x3;
	v3 =	vshll.u32 v7, v5  }
0x288: {  	s13 =	simm.s32 $0xE500;
	v40 =	vld.idx.msk [tilespmem:v1+s14+$0x0], $0xffff;
	v1 =	vmov s15;
	s15 =	simm.s32 $0x3;
	v2 =	vshll.u32 v2, v5;
	v3 =	vbroadcast v3, $0x0  }
0x289: {  	v8 =	vld [tilespmem:s13+$0x0];
	v10 =	vshrl.u32 v1, $0x3;
	v26 =	vbroadcast v2, $0x0;
	v2 =	vmov s15  }
0x28a: {  	v9 =	vld [tilespmem:s13+$0xFFFFFF40];
	v1 =	vshrl.u32 v2, $0x3;
	v7 =	vshll.u32 v0, v5;
	v0 =	vadd.s32 v31, v3  }
0x28b: {  	v2 =	vld [tilespmem:s13+$0xFFFFFF80];
	v11 =	vshll.u32 v1, v5;
	v41 =	vbroadcast v7, $0x0;
	v7 =	vadd.s32 v28, v26;
	[tilespmem:$0x1FC80] =	vst v0  }
0x28c: {  	s17 =	simm.s32 $0x5;
	v60 =	vbroadcast v11, $0x0;
	v12 =	vadd.s32 v30, v3;
	v13 =	vld [tilespmem:s13+$0xFFFFFFC0]  }
0x28d: {  	v6 =	vmov s17;
	v14 =	vadd.s32 v32, v41;
	v11 =	vld [tilespmem:s13+$0xFFFFFF00]  }
0x28e: {  	v4 =	vshrl.u32 v4, $0x3;
	s16 =	simm.s32 $0x6;
	v8 =	vadd.f32 v8, v40;
	v17 =	vadd.s32 v51, v60;
	v15 =	vld [tilespmem:s13+$0xC0]  }
0x28f: {  	v19 =	vshll.u32 v4, v5;
	v16 =	vmov s16;
	v4 =	vadd.f32 v9, v40;
	v18 =	vld [tilespmem:s13+$0x80]  }
0x290: {  	v6 =	vshrl.u32 v6, $0x3;
	v9 =	vshrl.u32 v16, $0x3;
	v16 =	vld [tilespmem:s13+$0x40];
	v2 =	vadd.f32 v2, v40;
	[tilespmem:v7+s25+$0x0] =	vst.idx.msk $0xffff, v8  }
0x291: {  	v6 =	vshll.u32 v6, v5;
	v7 =	vld [tilespmem:s13+$0x10];
	[tilespmem:v12+s25+$0x0] =	vst.idx.msk $0xffff, v4;
	v4 =	vadd.f32 v13, v40  }
0x292: {  	v8 =	vbroadcast v6, $0x0;
	[tilespmem:v14+s25+$0x0] =	vst.idx.msk $0xffff, v2;
	v6 =	vld [tilespmem:s13+$0xFFFFFF50]  }
0x293: {  	v36 =	vld [tilespmem:$0x1FE80];
	[tilespmem:v17+s25+$0x0] =	vst.idx.msk $0xffff, v4  }
0x294: {  	v9 =	vshll.u32 v9, v5;
	v1 =	vld [tilespmem:$0x1FF10]  }
0x295: {  	v55 =	vbroadcast v9, $0x0;
	v9 =	vld [tilespmem:s13+$0xFFFFFF90]  }
0x296: {  	v34 =	vld [tilespmem:$0x1FE90]  }
0x297: {  	v53 =	vld [tilespmem:$0x1FF70]  }
0x298: {  	v57 =	vld [tilespmem:$0x1FE20]  }
0x299: {  	v17 =	vld [tilespmem:s13+$0xFFFFFFD0];
	v2 =	vadd.s32 v1, v60  }
0x29a: {  	[tilespmem:$0x1FCA0] =	vst v2;
	v2 =	vld [tilespmem:$0x1FEC0]  }
0x29b: {  	v35 =	vld [tilespmem:$0x1FE00]  }
0x29c: {  	v29 =	vld [tilespmem:$0x1FF60];
	v13 =	vadd.s32 v36, v3;
	v3 =	vadd.s32 v34, v3;
	v34 =	vadd.s32 v53, v8  }
0x29d: {  	[tilespmem:$0x1FCB0] =	vst v34;
	v34 =	vld [tilespmem:$0x1FE30]  }
0x29e: {  	v0 =	vld [tilespmem:$0x1FFB0]  }
0x29f: {  	v56 =	vbroadcast v19, $0x0;
	v10 =	vshll.u32 v10, v5;
	v4 =	vld [tilespmem:$0x1FE50];
	v19 =	vadd.s32 v2, v41  }
0x2a0: {  	v25 =	vbroadcast v10, $0x0;
	v58 =	vld [tilespmem:$0x1FF00]  }
0x2a1: {  	v62 =	vadd.s32 v27, v56;
	v27 =	vld [tilespmem:$0x1FF50]  }
0x2a2: {  	s17 =	simm.s32 $0x8;
	s20 =	simm.s32 $0xF;
	v59 =	vld [tilespmem:$0x1FFD0];
	v22 =	vadd.f32 v6, v39;
	v6 =	vadd.f32 v9, v39;
	v42 =	vadd.s32 v34, v25  }
0x2a3: {  	v47 =	vmov s17;
	v44 =	vmov s20;
	s15 =	simm.s32 $0x9;
	v11 =	vadd.f32 v11, v40;
	v54 =	vld [tilespmem:$0x1FF80];
	[tilespmem:$0x1FC90] =	vst v42  }
0x2a4: {  	s10 =	simm.s32 $0xE700;
	v43 =	vmov s15;
	v9 =	vld [tilespmem:$0x1FFC0];
	v10 =	vadd.s32 v57, v55;
	[tilespmem:v19+s25+$0x0] =	vst.idx.msk $0xffff, v6;
	v19 =	vadd.s32 v63, v56  }
0x2a5: {  	v43 =	vshrl.u32 v43, $0x3;
	v12 =	vadd.f32 v15, v40;
	v16 =	vadd.f32 v16, v40;
	v46 =	vld [tilespmem:s10+$0xFFFFFF40];
	[tilespmem:$0x1FCC0] =	vst v19  }
0x2a6: {  	v18 =	vadd.f32 v18, v40;
	v27 =	vadd.s32 v27, v8;
	v6 =	vadd.s32 v61, v55;
	v61 =	vld [tilespmem:s13+$0xFFFFFFA0]  }
0x2a7: {  	v7 =	vadd.f32 v7, v39;
	v24 =	vadd.s32 v58, v60;
	v45 =	vadd.s32 v59, v41;
	v59 =	vld [tilespmem:s10+$0x80]  }
0x2a8: {  	s16 =	simm.s32 $0xA;
	v14 =	vadd.s32 v35, v26;
	v33 =	vadd.s32 v29, v8;
	v20 =	vadd.s32 v0, v25;
	v48 =	vld [tilespmem:s10+$0xFFFFFF80]  }
0x2a9: {  	s23 =	simm.s32 $0xC;
	v21 =	vadd.s32 v4, v56;
	v23 =	vadd.s32 v54, v55;
	[tilespmem:v10+s25+$0x0] =	vst.idx.msk $0xffff, v18;
	v18 =	vmov s16;
	v50 =	vld [tilespmem:s10+$0x0]  }
0x2aa: {  	v17 =	vadd.f32 v17, v39;
	v10 =	vmov s23;
	[tilespmem:v13+s25+$0x0] =	vst.idx.msk $0xffff, v22;
	v18 =	vshrl.u32 v18, $0x3;
	v49 =	vld [tilespmem:s13+$0x90]  }
0x2ab: {  	v15 =	vadd.s32 v9, v25;
	[tilespmem:v27+s25+$0x0] =	vst.idx.msk $0xffff, v16;
	v10 =	vshrl.u32 v10, $0x3;
	v16 =	vshll.u32 v18, v5;
	v18 =	vld [tilespmem:s13+$0xFFFFFF60]  }
0x2ac: {  	v22 =	vshll.u32 v43, v5;
	[tilespmem:v24+s25+$0x0] =	vst.idx.msk $0xffff, v17;
	v17 =	vshrl.u32 v47, $0x3;
	v47 =	vld [tilespmem:s10+$0xC0];
	v10 =	vshll.u32 v10, v5  }
0x2ad: {  	[tilespmem:v14+s25+$0x0] =	vst.idx.msk $0xffff, v7;
	v7 =	vld [tilespmem:s13+$0x50];
	v43 =	vbroadcast v16, $0x0;
	v16 =	vshrl.u32 v44, $0x3;
	v44 =	vbroadcast v10, $0x0  }
0x2ae: {  	v19 =	vadd.s32 v52, v26;
	[tilespmem:v21+s25+$0x0] =	vst.idx.msk $0xffff, v11;
	v22 =	vbroadcast v22, $0x0;
	v10 =	vld [tilespmem:s10+$0xFFFFFF00];
	v14 =	vadd.f32 v61, v38  }
0x2af: {  	s20 =	simm.s32 $0xB;
	[tilespmem:v20+s25+$0x0] =	vst.idx.msk $0xffff, v12;
	v21 =	vld [tilespmem:s13+$0xFFFFFF10];
	v12 =	vadd.s32 v28, v44;
	v20 =	vadd.f32 v49, v39  }
0x2b0: {  	v63 =	vmov s20;
	s23 =	simm.s32 $0xE;
	v27 =	vadd.s32 v30, v22;
	[tilespmem:v45+s25+$0x0] =	vst.idx.msk $0xffff, v14;
	v14 =	vld [tilespmem:s10+$0x40];
	v18 =	vadd.f32 v18, v38  }
0x2b1: {  	v24 =	vadd.s32 v32, v43;
	v11 =	vadd.f32 v48, v40;
	[tilespmem:v23+s25+$0x0] =	vst.idx.msk $0xffff, v20;
	v20 =	vmov s23;
	v23 =	vld [tilespmem:s13+$0xD0]  }
0x2b2: {  	v53 =	vadd.f32 v47, v40;
	v32 =	vld [tilespmem:s13+$0xFFFFFFB0];
	[tilespmem:v3+s25+$0x0] =	vst.idx.msk $0xffff, v18;
	v18 =	vadd.f32 v50, v40;
	v20 =	vshrl.u32 v20, $0x3  }
0x2b3: {  	v45 =	vshrl.u32 v63, $0x3;
	v52 =	vadd.f32 v10, v40;
	v3 =	vld [tilespmem:s13+$0x20];
	v10 =	vshll.u32 v20, v5  }
0x2b4: {  	v50 =	vld [tilespmem:s10+$0xFFFFFFC0];
	v20 =	vshll.u32 v45, v5;
	[tilespmem:v12+s25+$0x0] =	vst.idx.msk $0xffff, v18;
	v12 =	vadd.s32 v36, v22  }
0x2b5: {  	v49 =	vadd.f32 v46, v40;
	v45 =	vbroadcast v10, $0x0;
	v47 =	vbroadcast v20, $0x0;
	v10 =	vld [tilespmem:s13+$0xFFFFFF70];
	[tilespmem:$0x1FCD0] =	vst v12  }
0x2b6: {  	v7 =	vadd.f32 v7, v39;
	[tilespmem:v24+s25+$0x0] =	vst.idx.msk $0xffff, v11  }
0x2b7: {  	v11 =	vadd.f32 v23, v39;
	[tilespmem:v27+s25+$0x0] =	vst.idx.msk $0xffff, v49;
	v12 =	vadd.s32 v51, v47  }
0x2b8: {  	[tilespmem:v33+s25+$0x0] =	vst.idx.msk $0xffff, v7;
	v3 =	vadd.f32 v3, v38  }
0x2b9: {  	v16 =	vshll.u32 v16, v5;
	v7 =	vadd.f32 v21, v39;
	[tilespmem:v15+s25+$0x0] =	vst.idx.msk $0xffff, v11  }
0x2ba: {  	v49 =	vbroadcast v16, $0x0;
	v16 =	vadd.f32 v50, v40;
	v23 =	vld [tilespmem:$0x1FF40];
	[tilespmem:v19+s25+$0x0] =	vst.idx.msk $0xffff, v3  }
0x2bb: {  	[tilespmem:v62+s25+$0x0] =	vst.idx.msk $0xffff, v7  }
0x2bc: {  	[tilespmem:v12+s25+$0x0] =	vst.idx.msk $0xffff, v16  }
0x2bd: {  	v50 =	vadd.s32 v1, v47;
	v1 =	vld [tilespmem:$0x1FC80];
	_ =	sdelay $0x5  }
0x2be: {  	v10 =	vadd.f32 v10, v37;
	_ =	sdelay $0x1  }
0x2bf: {  	v63 =	vadd.s32 v57, v45;
	v57 =	vadd.s32 v0, v49;
	v0 =	vld [tilespmem:$0x1FE10];
	[tilespmem:v1+s25+$0x0] =	vst.idx.msk $0xffff, v10  }
0x2c0: {  	v7 =	vadd.s32 v2, v43;
	v2 =	vld [tilespmem:$0x1FC90]  }
0x2c1: {  	v15 =	vld [tilespmem:s13+$0xE0];
	_ =	sdelay $0x4  }
0x2c2: {  	v15 =	vadd.f32 v15, v38;
	_ =	sdelay $0x1  }
0x2c3: {  	[tilespmem:v2+s25+$0x0] =	vst.idx.msk $0xffff, v15  }
0x2c4: {  	v2 =	vld [tilespmem:$0x1FCA0]  }
0x2c5: {  	s17 =	simm.s32 $0xD;
	v20 =	vld [tilespmem:s13+$0xFFFFFFE0]  }
0x2c6: {  	v13 =	vmov s17  }
0x2c7: {  	v13 =	vshrl.u32 v13, $0x3  }
0x2c8: {  	v13 =	vshll.u32 v13, v5  }
0x2c9: {  	v17 =	vshll.u32 v17, v5;
	v46 =	vbroadcast v13, $0x0;
	v13 =	vld [tilespmem:s13+$0xA0]  }
0x2ca: {  	v48 =	vbroadcast v17, $0x0;
	v18 =	vld [tilespmem:s10+$0x10];
	v17 =	vadd.f32 v20, v38;
	_ =	sdelay $0x1  }
0x2cb: {  	[tilespmem:v2+s25+$0x0] =	vst.idx.msk $0xffff, v17  }
0x2cc: {  	v2 =	vld [tilespmem:$0x1FF20];
	_ =	sdelay $0x1  }
0x2cd: {  	v0 =	vadd.s32 v0, v8;
	v8 =	vadd.f32 v18, v39;
	v18 =	vadd.f32 v13, v38;
	_ =	sdelay $0x1  }
0x2ce: {  	[tilespmem:v6+s25+$0x0] =	vst.idx.msk $0xffff, v18  }
0x2cf: {  	v13 =	vadd.s32 v2, v60;
	v2 =	vld [tilespmem:$0x1FE40];
	_ =	sdelay $0x4  }
0x2d0: {  	v15 =	vadd.s32 v2, v25;
	v2 =	vld [tilespmem:$0x1FCB0]  }
0x2d1: {  	v16 =	vld [tilespmem:s13+$0x60];
	_ =	sdelay $0x4  }
0x2d2: {  	v16 =	vadd.f32 v16, v38;
	_ =	sdelay $0x1  }
0x2d3: {  	v3 =	vadd.f32 v14, v40;
	v14 =	vld [tilespmem:s13+$0x30];
	[tilespmem:v2+s25+$0x0] =	vst.idx.msk $0xffff, v16  }
0x2d4: {  	v2 =	vld [tilespmem:$0x1FFA0];
	_ =	sdelay $0x3  }
0x2d5: {  	v21 =	vadd.s32 v23, v26  }
0x2d6: {  	v20 =	vadd.f32 v14, v37;
	v14 =	vadd.s32 v2, v55;
	v2 =	vld [tilespmem:$0x1FE60];
	_ =	sdelay $0x3  }
0x2d7: {  	[tilespmem:v21+s25+$0x0] =	vst.idx.msk $0xffff, v20  }
0x2d8: {  	v36 =	vmov v9;
	v60 =	vadd.s32 v9, v49;
	v9 =	vadd.s32 v2, v56;
	v2 =	vld [tilespmem:$0x1FED0];
	_ =	sdelay $0x3  }
0x2d9: {  	v51 =	vadd.s32 v29, v46;
	v11 =	vadd.s32 v35, v44;
	v12 =	vadd.f32 v59, v40  }
0x2da: {  	v29 =	vmovc v58;
	v59 =	vadd.s32 v4, v48;
	v4 =	vadd.s32 v58, v47;
	v58 =	vadd.s32 v2, v48;
	v2 =	vld [tilespmem:$0x1FF50];
	_ =	sdelay $0x4  }
0x2db: {  	v28 =	vmov v2;
	v20 =	vadd.s32 v2, v46;
	v2 =	vld [tilespmem:$0x1FE90];
	[tilespmem:v11+s25+$0x0] =	vst.idx.msk $0xffff, v8  }
0x2dc: {  	v6 =	vld [tilespmem:$0x1FF70];
	_ =	sdelay $0x3  }
0x2dd: {  	v42 =	vadd.s32 v31, v22  }
0x2de: {  	v33 =	vmovc v54;
	v62 =	vadd.s32 v54, v45;
	v31 =	vmov v6;
	v54 =	vadd.s32 v6, v46;
	v6 =	vld [tilespmem:$0x1FCC0]  }
0x2df: {  	v24 =	vld [tilespmem:s13+$0xFFFFFF20];
	_ =	sdelay $0x4  }
0x2e0: {  	v24 =	vadd.f32 v24, v38;
	_ =	sdelay $0x1  }
0x2e1: {  	v19 =	vld [tilespmem:s10+$0xFFFFFF50];
	[tilespmem:v6+s25+$0x0] =	vst.idx.msk $0xffff, v24  }
0x2e2: {  	v8 =	vld [tilespmem:$0x1FCD0];
	_ =	sdelay $0x4  }
0x2e3: {  	v23 =	vadd.f32 v19, v39;
	v19 =	vld [tilespmem:s10+$0xFFFFFFD0]  }
0x2e4: {  	v10 =	vld [tilespmem:s10+$0xFFFFFF90];
	_ =	sdelay $0x1  }
0x2e5: {  	v17 =	vld [tilespmem:s13+$0xF0];
	[tilespmem:v8+s25+$0x0] =	vst.idx.msk $0xffff, v23  }
0x2e6: {  	v8 =	vld [tilespmem:$0x1FFD0]  }
0x2e7: {  	v11 =	vld [tilespmem:$0x1FF90]  }
0x2e8: {  	v18 =	vadd.f32 v10, v39;
	v10 =	vadd.f32 v19, v39;
	v19 =	vld [tilespmem:s13+$0xFFFFFFF0]  }
0x2e9: {  	v16 =	vld [tilespmem:s13+$0xB0]  }
0x2ea: {  	v30 =	vmov v34;
	v6 =	vld [tilespmem:s13+$0x70]  }
0x2eb: {  	v1 =	vadd.f32 v32, v37;
	v21 =	vadd.f32 v17, v37;
	v56 =	vadd.s32 v34, v49;
	v32 =	vmovc v2;
	v17 =	vld [tilespmem:s13+$0xFFFFFF30]  }
0x2ec: {  	s11 =	simm.s32 $0x10;
	s12 =	simm.s32 $0xE900;
	v2 =	vadd.s32 v2, v22;
	v34 =	vld [tilespmem:$0x1FEE0];
	v35 =	vmovc v8;
	v8 =	vadd.s32 v8, v43;
	v55 =	vadd.s32 v11, v45  }
.LBB2_11:
0x2ed: {  	[tilespmem:v7+s25+$0x0] =	vst.idx.msk $0xffff, v18  }
0x2ee: {  	[tilespmem:v63+s25+$0x0] =	vst.idx.msk $0xffff, v12  }
0x2ef: {  	s16 =	smov.u32 s11;
	[tilespmem:v15+s25+$0x0] =	vst.idx.msk $0xffff, v21;
	v7 =	vadd.f32 v19, v37  }
0x2f0: {  	v22 =	vld [tilespmem:s12+$0xFFFFFF40];
	s23 =	sadd.s32 $0x2, s16;
	[tilespmem:v20+s25+$0x0] =	vst.idx.msk $0xffff, v3  }
0x2f1: {  	s17 =	sadd.s32 $0x4, s16;
	v12 =	vld [tilespmem:s12+$0x80];
	v21 =	vmov s23;
	v3 =	vadd.f32 v16, v37;
	[tilespmem:v13+s25+$0x0] =	vst.idx.msk $0xffff, v7  }
0x2f2: {  	v18 =	vmov s17;
	v16 =	vshrl.u32 v21, $0x3;
	v7 =	vadd.f32 v6, v37;
	[tilespmem:v4+s25+$0x0] =	vst.idx.msk $0xffff, v10;
	v4 =	vld [tilespmem:$0x1FF30]  }
0x2f3: {  	v26 =	vadd.s32 v34, v41;
	v13 =	vshll.u32 v16, v5;
	v16 =	vld [tilespmem:s10+$0x90];
	[tilespmem:v14+s25+$0x0] =	vst.idx.msk $0xffff, v3;
	v3 =	vshrl.u32 v18, $0x3  }
0x2f4: {  	v20 =	vld [tilespmem:s10+$0x50];
	[tilespmem:v0+s25+$0x0] =	vst.idx.msk $0xffff, v7;
	v0 =	vshll.u32 v3, v5  }
0x2f5: {  	v18 =	vld [tilespmem:s12+$0x0];
	v0 =	vbroadcast v0, $0x0  }
0x2f6: {  	s15 =	sadd.s32 $0x7, s11;
	v25 =	vld [tilespmem:s10+$0xFFFFFFA0]  }
0x2f7: {  	s20 =	sadd.s32 $0x5, s16;
	v24 =	vmov s15;
	s15 =	sadd.s32 $0x1, s16;
	v27 =	vld [tilespmem:s12+$0xFFFFFF80];
	v4 =	vadd.s32 v4, v0  }
0x2f8: {  	v15 =	vmov s15;
	v19 =	vmov s20;
	[tilespmem:v26+s25+$0x0] =	vst.idx.msk $0xffff, v1;
	v1 =	vld [tilespmem:$0x1FE70]  }
0x2f9: {  	v15 =	vshrl.u32 v15, $0x3;
	v19 =	vshrl.u32 v19, $0x3;
	v14 =	vld [tilespmem:s10+$0xFFFFFF60]  }
0x2fa: {  	v6 =	vshll.u32 v15, v5;
	v15 =	vshrl.u32 v24, $0x3;
	v24 =	vld [tilespmem:s12+$0xC0];
	v18 =	vadd.f32 v18, v40  }
0x2fb: {  	v19 =	vshll.u32 v19, v5;
	v10 =	vshll.u32 v15, v5;
	v15 =	vld [tilespmem:s10+$0x20]  }
0x2fc: {  	[tilespmem:v4+s25+$0x0] =	vst.idx.msk $0xffff, v18;
	v4 =	vbroadcast v19, $0x0;
	v19 =	vld [tilespmem:$0x1FE80];
	_ =	sdelay $0x1  }
0x2fd: {  	v11 =	vld [tilespmem:$0x1FFF0];
	v6 =	vbroadcast v6, $0x0;
	v7 =	vadd.f32 v25, v38  }
0x2fe: {  	s13 =	sadd.s32 $0x6, s16;
	[tilespmem:v57+s25+$0x0] =	vst.idx.msk $0xffff, v53  }
0x2ff: {  	v21 =	vld [tilespmem:$0x1FEB0];
	v1 =	vadd.s32 v1, v6;
	[tilespmem:v8+s25+$0x0] =	vst.idx.msk $0xffff, v7;
	v7 =	vadd.f32 v22, v40;
	v22 =	vmov s13  }
0x300: {  	v14 =	vadd.f32 v14, v38;
	v53 =	vadd.f32 v24, v40;
	v24 =	vadd.s32 v19, v6;
	v19 =	vld [tilespmem:$0x1FE20]  }
0x301: {  	v22 =	vshrl.u32 v22, $0x3  }
0x302: {  	v61 =	vadd.s32 v11, v48;
	v11 =	vld [tilespmem:$0x1FFE0];
	v22 =	vshll.u32 v22, v5;
	[tilespmem:v2+s25+$0x0] =	vst.idx.msk $0xffff, v14  }
0x303: {  	v41 =	vmovc v43;
	v17 =	vadd.f32 v17, v37;
	v43 =	vbroadcast v13, $0x0;
	v22 =	vbroadcast v22, $0x0;
	v25 =	vld [tilespmem:s10+$0xFFFFFF70]  }
0x304: {  	[tilespmem:v1+s25+$0x0] =	vst.idx.msk $0xffff, v7;
	v1 =	vld [tilespmem:$0x1FF40]  }
0x305: {  	[tilespmem:v9+s25+$0x0] =	vst.idx.msk $0xffff, v17;
	v21 =	vadd.s32 v21, v43;
	v63 =	vadd.s32 v19, v22;
	v19 =	vld [tilespmem:$0x1FE00]  }
0x306: {  	v9 =	vld [tilespmem:s12+$0xFFFFFF00];
	_ =	sdelay $0x1  }
0x307: {  	v23 =	vmov s16;
	v2 =	vld [tilespmem:s10+$0xFFFFFFB0];
	v14 =	vadd.f32 v27, v40  }
0x308: {  	s16 =	sadd.s32 $0x3, s16;
	v17 =	vshrl.u32 v23, $0x3;
	v27 =	vadd.s32 v1, v44;
	v1 =	vld [tilespmem:$0x1FFB0]  }
0x309: {  	v23 =	vmov s16;
	v11 =	vadd.s32 v11, v44;
	[tilespmem:v21+s25+$0x0] =	vst.idx.msk $0xffff, v14;
	v44 =	vmovc v0;
	v21 =	vadd.s32 v19, v0;
	v0 =	vld [tilespmem:$0x1FEF0]  }
0x30a: {  	v23 =	vshrl.u32 v23, $0x3;
	v16 =	vadd.f32 v16, v39;
	v9 =	vadd.f32 v9, v40  }
0x30b: {  	v13 =	vld [tilespmem:$0x1FEA0];
	[tilespmem:v59+s25+$0x0] =	vst.idx.msk $0xffff, v52;
	v23 =	vshll.u32 v23, v5  }
0x30c: {  	v10 =	vbroadcast v10, $0x0;
	[tilespmem:v62+s25+$0x0] =	vst.idx.msk $0xffff, v16;
	v16 =	vld [tilespmem:s10+$0xD0];
	v52 =	vmov v9;
	v9 =	vbroadcast v23, $0x0  }
0x30d: {  	v26 =	vld [tilespmem:s10+$0xFFFFFF10]  }
0x30e: {  	v57 =	vadd.s32 v1, v10;
	v1 =	vadd.f32 v15, v38;
	v15 =	vadd.s32 v0, v9;
	v0 =	vld [tilespmem:$0x1FF10]  }
0x30f: {  	v3 =	vld [tilespmem:s12+$0x40]  }
0x310: {  	v8 =	vld [tilespmem:s12+$0xFFFFFFC0]  }
0x311: {  	v23 =	vld [tilespmem:s10+$0xFFFFFFE0];
	v16 =	vadd.f32 v16, v39  }
0x312: {  	v62 =	vld [tilespmem:s12+$0xFFFFFF50]  }
0x313: {  	[tilespmem:v60+s25+$0x0] =	vst.idx.msk $0xffff, v16;
	v16 =	vadd.s32 v0, v9;
	v0 =	vld [tilespmem:$0x1FEC0]  }
0x314: {  	v20 =	vadd.f32 v20, v39;
	v18 =	vld [tilespmem:s10+$0xA0]  }
0x315: {  	v14 =	vld [tilespmem:s12+$0x10]  }
0x316: {  	[tilespmem:v51+s25+$0x0] =	vst.idx.msk $0xffff, v20;
	v20 =	vld [tilespmem:s10+$0xE0]  }
0x317: {  	[tilespmem:v11+s25+$0x0] =	vst.idx.msk $0xffff, v1;
	v1 =	vadd.f32 v26, v39;
	v19 =	vld [tilespmem:$0x1FF60]  }
0x318: {  	v7 =	vadd.s32 v0, v43;
	v0 =	vld [tilespmem:$0x1FE10]  }
0x319: {  	v11 =	vld [tilespmem:s10+$0x60];
	[tilespmem:v58+s25+$0x0] =	vst.idx.msk $0xffff, v1;
	v1 =	vadd.f32 v2, v37;
	v2 =	vadd.f32 v18, v38  }
0x31a: {  	v8 =	vadd.f32 v8, v40;
	v26 =	vadd.f32 v14, v39;
	v14 =	vld [tilespmem:s12+$0xFFFFFF90]  }
0x31b: {  	[tilespmem:v55+s25+$0x0] =	vst.idx.msk $0xffff, v2;
	v2 =	vld [tilespmem:$0x1FE40]  }
0x31c: {  	[tilespmem:v15+s25+$0x0] =	vst.idx.msk $0xffff, v8;
	v8 =	vld [tilespmem:s10+$0xFFFFFF20]  }
0x31d: {  	v19 =	vadd.s32 v19, v4;
	v0 =	vadd.s32 v0, v46;
	v46 =	vmov v4;
	v4 =	vld [tilespmem:$0x1FE50]  }
0x31e: {  	v51 =	vmov v19;
	v19 =	vld [tilespmem:s10+$0x30];
	v15 =	vadd.f32 v23, v38  }
0x31f: {  	v17 =	vshll.u32 v17, v5;
	v18 =	vadd.f32 v20, v38;
	v20 =	vld [tilespmem:s12+$0xFFFFFFD0]  }
0x320: {  	v17 =	vbroadcast v17, $0x0;
	[tilespmem:v50+s25+$0x0] =	vst.idx.msk $0xffff, v15;
	v15 =	vadd.s32 v2, v49;
	v2 =	vld [tilespmem:$0x1FFA0]  }
0x321: {  	v12 =	vadd.f32 v12, v40;
	[tilespmem:v56+s25+$0x0] =	vst.idx.msk $0xffff, v18;
	v8 =	vadd.f32 v8, v38  }
0x322: {  	v13 =	vadd.s32 v13, v6;
	v56 =	vld [tilespmem:s10+$0xF0];
	v59 =	vadd.s32 v4, v17;
	v4 =	vadd.f32 v25, v37  }
0x323: {  	v3 =	vadd.f32 v3, v40;
	v11 =	vadd.f32 v11, v38;
	[tilespmem:v61+s25+$0x0] =	vst.idx.msk $0xffff, v8;
	v61 =	vld [tilespmem:$0x1FF90]  }
0x324: {  	v18 =	vadd.f32 v14, v39;
	v25 =	vadd.f32 v19, v37;
	[tilespmem:v42+s25+$0x0] =	vst.idx.msk $0xffff, v4;
	v4 =	vld [tilespmem:$0x1FF20]  }
0x325: {  	[tilespmem:v54+s25+$0x0] =	vst.idx.msk $0xffff, v11;
	v23 =	vadd.f32 v62, v39;
	v49 =	vmov v10;
	v14 =	vadd.s32 v2, v45;
	v2 =	vld [tilespmem:$0x1FE60]  }
0x326: {  	p1 =	slt.u32 s11, $0x78;
	v62 =	vadd.s32 v33, v22;
	v60 =	vadd.s32 v36, v49;
	[tilespmem:v27+s25+$0x0] =	vst.idx.msk $0xffff, v25;
	v27 =	vld [tilespmem:$0x1FED0]  }
.Ltmp6:
0x327: {  	v10 =	vadd.f32 v20, v39;
	v45 =	vmovc v22;
	v8 =	vadd.s32 v35, v43;
	v20 =	vadd.s32 v28, v46;
	(pc) =	sbr.rel @p1 .LBB2_11-.Ltmp6, $4  }
0x328: {  	v50 =	vmov v16;
	v16 =	vld [tilespmem:s10+$0xB0];
	v54 =	vadd.s32 v31, v46;
	v55 =	vadd.s32 v61, v45;
	[tilespmem:v21+s25+$0x0] =	vst.idx.msk $0xffff, v26  }
0x329: {  	v19 =	vld [tilespmem:s10+$0xFFFFFFF0];
	v42 =	vmovc v13;
	v21 =	vadd.f32 v56, v37;
	v56 =	vadd.s32 v30, v49;
	v13 =	vadd.s32 v4, v47  }
0x32a: {  	v47 =	vmovc v9;
	v9 =	vadd.s32 v2, v48;
	v48 =	vmov v17;
	v2 =	vadd.s32 v32, v6;
	v6 =	vld [tilespmem:s10+$0x70]  }
0x32b: {  	s11 =	sadd.s32 $0x8, s11;
	[tilespmem:v24+s25+$0x0] =	vst.idx.msk $0xffff, v23;
	v17 =	vld [tilespmem:s10+$0xFFFFFF30];
	s10 =	smov.u32 s12;
	s12 =	sadd.s32 $0x200, s12;
	v4 =	vadd.s32 v29, v47;
	v58 =	vadd.s32 v27, v48  }
0x32c: {  	_ =	sdelay $0x3  }
0x32d: {  	[tilespmem:v63+s25+$0x0] =	vst.idx.msk $0xffff, v12  }
0x32e: {  	[tilespmem:v7+s25+$0x0] =	vst.idx.msk $0xffff, v18  }
0x32f: {  	[tilespmem:v57+s25+$0x0] =	vst.idx.msk $0xffff, v53  }
0x330: {  	[tilespmem:v15+s25+$0x0] =	vst.idx.msk $0xffff, v21  }
0x331: {  	[tilespmem:v20+s25+$0x0] =	vst.idx.msk $0xffff, v3;
	v11 =	vld [tilespmem:s10+$0xD0]  }
0x332: {  	v21 =	vadd.s32 v34, v41;
	[tilespmem:v59+s25+$0x0] =	vst.idx.msk $0xffff, v52;
	v3 =	vadd.f32 v16, v37  }
0x333: {  	[tilespmem:v4+s25+$0x0] =	vst.idx.msk $0xffff, v10;
	v7 =	vadd.f32 v19, v37  }
0x334: {  	v6 =	vadd.f32 v6, v37;
	[tilespmem:v14+s25+$0x0] =	vst.idx.msk $0xffff, v3  }
0x335: {  	[tilespmem:v13+s25+$0x0] =	vst.idx.msk $0xffff, v7  }
0x336: {  	[tilespmem:v0+s25+$0x0] =	vst.idx.msk $0xffff, v6;
	v3 =	vadd.f32 v11, v39  }
0x337: {  	v7 =	vld [tilespmem:s10+$0x90];
	[tilespmem:v21+s25+$0x0] =	vst.idx.msk $0xffff, v1  }
0x338: {  	v22 =	vld [tilespmem:s10+$0x50];
	[tilespmem:v60+s25+$0x0] =	vst.idx.msk $0xffff, v3  }
0x339: {  	v52 =	vld [tilespmem:$0x1FFE0]  }
0x33a: {  	v23 =	vld [tilespmem:s10+$0xFFFFFF10]  }
0x33b: {  	v6 =	vld [tilespmem:s10+$0xFFFFFF60]  }
0x33c: {  	v30 =	vld [tilespmem:s10+$0x20];
	v7 =	vadd.f32 v7, v39  }
0x33d: {  	v32 =	vadd.f32 v17, v37;
	v4 =	vld [tilespmem:s10+$0xE0]  }
0x33e: {  	v3 =	vadd.f32 v22, v39;
	[tilespmem:v62+s25+$0x0] =	vst.idx.msk $0xffff, v7;
	v7 =	vld [tilespmem:s10+$0xFFFFFFE0];
	v31 =	vadd.s32 v52, v44  }
0x33f: {  	v0 =	vadd.f32 v23, v39;
	[tilespmem:v9+s25+$0x0] =	vst.idx.msk $0xffff, v32  }
0x340: {  	[tilespmem:v51+s25+$0x0] =	vst.idx.msk $0xffff, v3;
	v3 =	vadd.f32 v6, v38  }
0x341: {  	v1 =	vadd.f32 v30, v38;
	[tilespmem:v58+s25+$0x0] =	vst.idx.msk $0xffff, v0  }
0x342: {  	v6 =	vld [tilespmem:s10+$0x60];
	[tilespmem:v2+s25+$0x0] =	vst.idx.msk $0xffff, v3;
	v36 =	vadd.f32 v4, v38  }
0x343: {  	v33 =	vld [tilespmem:s10+$0xA0];
	v39 =	vadd.f32 v7, v38;
	[tilespmem:v31+s25+$0x0] =	vst.idx.msk $0xffff, v1  }
0x344: {  	v63 =	vld [tilespmem:$0x1FFF0];
	[tilespmem:v56+s25+$0x0] =	vst.idx.msk $0xffff, v36  }
0x345: {  	v35 =	vld [tilespmem:s10+$0xFFFFFFA0];
	[tilespmem:v50+s25+$0x0] =	vst.idx.msk $0xffff, v39  }
0x346: {  	v51 =	vld [tilespmem:$0x1FF40]  }
0x347: {  	v0 =	vld [tilespmem:s10+$0xFFFFFF20]  }
0x348: {  	v3 =	vld [tilespmem:s10+$0xFFFFFF70];
	v40 =	vadd.f32 v33, v38  }
0x349: {  	v41 =	vadd.f32 v6, v38;
	v7 =	vld [tilespmem:s10+$0x30];
	v4 =	vadd.s32 v63, v48  }
0x34a: {  	v6 =	vadd.f32 v35, v38;
	v50 =	vld [tilespmem:s10+$0xF0];
	[tilespmem:v55+s25+$0x0] =	vst.idx.msk $0xffff, v40  }
0x34b: {  	v10 =	vld [tilespmem:$0x1FE40];
	[tilespmem:v54+s25+$0x0] =	vst.idx.msk $0xffff, v41;
	v9 =	vadd.s32 v51, v44  }
0x34c: {  	v0 =	vadd.f32 v0, v38;
	v53 =	vld [tilespmem:s10+$0xFFFFFFF0];
	[tilespmem:v8+s25+$0x0] =	vst.idx.msk $0xffff, v6  }
0x34d: {  	v3 =	vadd.f32 v3, v37;
	v6 =	vld [tilespmem:$0x1FF20]  }
0x34e: {  	v58 =	vld [tilespmem:$0x1FFA0];
	v7 =	vadd.f32 v7, v37;
	[tilespmem:v4+s25+$0x0] =	vst.idx.msk $0xffff, v0  }
0x34f: {  	v0 =	vld [tilespmem:$0x1FE10];
	[tilespmem:v42+s25+$0x0] =	vst.idx.msk $0xffff, v3  }
0x350: {  	v55 =	vld [tilespmem:s10+$0xB0];
	[tilespmem:v9+s25+$0x0] =	vst.idx.msk $0xffff, v7  }
0x351: {  	v10 =	vadd.s32 v10, v49;
	v9 =	vld [tilespmem:$0x1FE60]  }
0x352: {  	v57 =	vld [tilespmem:s10+$0xFFFFFFB0];
	v6 =	vadd.s32 v6, v47  }
0x353: {  	v56 =	vld [tilespmem:s10+$0x70];
	v13 =	vadd.s32 v58, v45  }
0x354: {  	v1 =	vadd.f32 v50, v37;
	v3 =	vld [tilespmem:s10+$0xFFFFFF30];
	v7 =	vadd.s32 v34, v43  }
0x355: {  	v4 =	vadd.f32 v53, v37;
	v0 =	vadd.s32 v0, v46  }
0x356: {  	v59 =	vadd.f32 v55, v37;
	[tilespmem:v10+s25+$0x0] =	vst.idx.msk $0xffff, v1;
	v9 =	vadd.s32 v9, v48  }
0x357: {  	[tilespmem:v6+s25+$0x0] =	vst.idx.msk $0xffff, v4;
	v4 =	vadd.f32 v57, v37  }
0x358: {  	s0 =	sshll.u32 s0, $0x12;
	v60 =	vadd.f32 v56, v37;
	[tilespmem:v13+s25+$0x0] =	vst.idx.msk $0xffff, v59  }
0x359: {  	s0 =	sor.u32 s7, s0;
	v62 =	vadd.f32 v3, v37;
	[tilespmem:v7+s25+$0x0] =	vst.idx.msk $0xffff, v4  }
0x35a: {  	s0 =	sshrl.u32 s0, $0x3;
	[tilespmem:v0+s25+$0x0] =	vst.idx.msk $0xffff, v60  }
0x35b: {  	s16 =	simm.s32 $0x18800;
	s10 =	sadd.s32 s2, s0;
	[tilespmem:v9+s25+$0x0] =	vst.idx.msk $0xffff, v62  }
0x35c: {  	[hbm4b:s10+s3] =	stream.linear.scatter [tilespmem:s16], [sflag:$0x8], $0x80, $0x38;
	[tilespmem:$0x1EE00] =	vst v63  }
0x35d: {  	s17 =	simm.s32 $0x18888;
	s11 =	sadd.s32 $0x10, s10  }
0x35e: {  	[hbm4b:s11+s3] =	stream.linear.scatter [tilespmem:s17], [sflag:$0x8], $0x80, $0x38;
	[tilespmem:$0x1EE00] =	vst v63  }
0x35f: {  	s20 =	simm.s32 $0x18910;
	s13 =	simm.s32 $0x18A20;
	s23 =	sadd.s32 $0x20, s10  }
0x360: {  	[hbm4b:s23+s3] =	stream.linear.scatter [tilespmem:s20], [sflag:$0x8], $0x80, $0x38;
	[tilespmem:$0x1EE00] =	vst v63  }
0x361: {  	s0 =	simm.s32 $0x440;
	s12 =	sadd.s32 $0x30, s10;
	s11 =	simm.s32 $0x18998  }
0x362: {  	[hbm4b:s12+s3] =	stream.linear.scatter [tilespmem:s11], [sflag:$0x8], $0x80, $0x38;
	[tilespmem:$0x1EE00] =	vst v63  }
0x363: {  	s15 =	sadd.s32 $0x40, s10;
	s16 =	simm.s32 $0x18AA8;
	s17 =	sadd.s32 $0x50, s10  }
0x364: {  	[hbm4b:s15+s3] =	stream.linear.scatter [tilespmem:s13], [sflag:$0x8], $0x80, $0x38;
	[tilespmem:$0x1EE00] =	vst v63  }
0x365: {  	s20 =	simm.s32 $0x18B30;
	s23 =	sadd.s32 $0x60, s10;
	s11 =	simm.s32 $0x2200  }
0x366: {  	[hbm4b:s17+s3] =	stream.linear.scatter [tilespmem:s16], [sflag:$0x8], $0x80, $0x38;
	[tilespmem:$0x1EE00] =	vst v63  }
0x367: {  	s12 =	simm.s32 $0x18BB8;
	s13 =	sadd.s32 $0x70, s10;
	s10 =	sadd.s32 $0x1000, s10  }
0x368: {  	[hbm4b:s23+s3] =	stream.linear.scatter [tilespmem:s20], [sflag:$0x8], $0x80, $0x38;
	[tilespmem:$0x1EE00] =	vst v63  }
.LBB2_13:
0x369: {  	[hbm4b:s13+s3] =	stream.linear.scatter [tilespmem:s12], [sflag:$0x8], $0x80, $0x38;
	[tilespmem:$0x1EE00] =	vst v63  }
0x36a: {  	s12 =	smov.u32 s0;
	s0 =	smov.u32 s11  }
0x36b: {  	s15 =	sadd.s32 $0x1100, s11;
	s0 =	sshra.s32 s0, $0x2;
	s13 =	sadd.s32 $0x18800, s12  }
0x36c: {  	[hbm4b:s10+s3] =	stream.linear.scatter [tilespmem:s13], [sflag:$0x8], $0x80, $0x38;
	[tilespmem:$0x1EE00] =	vst v63  }
0x36d: {  	p1 =	sne.s32 s11, $0x7700;
	s11 =	sadd.s32 $0x18888, s12;
	s13 =	sadd.s32 $0x10, s10  }
0x36e: {  	[hbm4b:s13+s3] =	stream.linear.scatter [tilespmem:s11], [sflag:$0x8], $0x80, $0x38;
	[tilespmem:$0x1EE00] =	vst v63  }
0x36f: {  	s11 =	sadd.s32 $0x18910, s12;
	s13 =	sadd.s32 $0x20, s10  }
0x370: {  	[hbm4b:s13+s3] =	stream.linear.scatter [tilespmem:s11], [sflag:$0x8], $0x80, $0x38;
	[tilespmem:$0x1EE00] =	vst v63  }
0x371: {  	s11 =	sadd.s32 $0x18998, s12;
	s13 =	sadd.s32 $0x30, s10  }
0x372: {  	[hbm4b:s13+s3] =	stream.linear.scatter [tilespmem:s11], [sflag:$0x8], $0x80, $0x38;
	[tilespmem:$0x1EE00] =	vst v63  }
0x373: {  	s11 =	sadd.s32 $0x18A20, s12;
	s13 =	sadd.s32 $0x40, s10  }
0x374: {  	[hbm4b:s13+s3] =	stream.linear.scatter [tilespmem:s11], [sflag:$0x8], $0x80, $0x38;
	[tilespmem:$0x1EE00] =	vst v63  }
.Ltmp7:
0x375: {  	s11 =	sadd.s32 $0x18AA8, s12;
	s13 =	sadd.s32 $0x50, s10;
	(pc) =	sbr.rel @p1 .LBB2_13-.Ltmp7, $4  }
0x376: {  	[hbm4b:s13+s3] =	stream.linear.scatter [tilespmem:s11], [sflag:$0x8], $0x80, $0x38;
	[tilespmem:$0x1EE00] =	vst v63  }
0x377: {  	s11 =	sadd.s32 $0x18B30, s12;
	s13 =	sadd.s32 $0x60, s10;
	s12 =	sadd.s32 $0x18BB8, s12  }
0x378: {  	[hbm4b:s13+s3] =	stream.linear.scatter [tilespmem:s11], [sflag:$0x8], $0x80, $0x38;
	[tilespmem:$0x1EE00] =	vst v63  }
0x379: {  	s13 =	sadd.s32 $0x70, s10;
	s10 =	sadd.s32 $0x1000, s10;
	s11 =	smov.u32 s15  }
0x37a: {  	[hbm4b:s13+s3] =	stream.linear.scatter [tilespmem:s12], [sflag:$0x8], $0x80, $0x38;
	[tilespmem:$0x1EE00] =	vst v63  }
0x37b: {  	s11 =	sadd.s32 $0x18800, s0  }
0x37c: {  	[hbm4b:s10+s3] =	stream.linear.scatter [tilespmem:s11], [sflag:$0x8], $0x80, $0x38;
	[tilespmem:$0x1EE00] =	vst v63  }
0x37d: {  	s20 =	sadd.s32 $0x18888, s0;
	s23 =	sadd.s32 $0x10, s10  }
0x37e: {  	[hbm4b:s23+s3] =	stream.linear.scatter [tilespmem:s20], [sflag:$0x8], $0x80, $0x38;
	[tilespmem:$0x1EE00] =	vst v63  }
0x37f: {  	s13 =	sadd.s32 $0x18910, s0;
	s15 =	sadd.s32 $0x20, s10  }
0x380: {  	[hbm4b:s15+s3] =	stream.linear.scatter [tilespmem:s13], [sflag:$0x8], $0x80, $0x38;
	[tilespmem:$0x1EE00] =	vst v63  }
0x381: {  	s16 =	sadd.s32 $0x18998, s0;
	s17 =	sadd.s32 $0x30, s10  }
0x382: {  	[hbm4b:s17+s3] =	stream.linear.scatter [tilespmem:s16], [sflag:$0x8], $0x80, $0x38;
	[tilespmem:$0x1EE00] =	vst v63  }
0x383: {  	s20 =	sadd.s32 $0x18A20, s0;
	s23 =	sadd.s32 $0x40, s10  }
0x384: {  	[hbm4b:s23+s3] =	stream.linear.scatter [tilespmem:s20], [sflag:$0x8], $0x80, $0x38;
	[tilespmem:$0x1EE00] =	vst v63  }
0x385: {  	p1 =	sne.s32 s5, $0x27;
	s13 =	sadd.s32 $0x18AA8, s0;
	s15 =	sadd.s32 $0x50, s10  }
0x386: {  	v34 =	vld [tilespmem:$0x1FEB0];
	[hbm4b:s15+s3] =	stream.linear.scatter [tilespmem:s13], [sflag:$0x8], $0x80, $0x38  }
.Ltmp8:
0x387: {  	v33 =	vld [tilespmem:$0x1FF30];
	(pc) =	sbr.rel @p1 .LBB2_16-.Ltmp8, $4  }
0x388: {  	v21 =	vld [tilespmem:$0x1FE00];
	s16 =	sadd.s32 $0x18B30, s0;
	s17 =	sadd.s32 $0x60, s10  }
0x389: {  	v60 =	vld [tilespmem:$0x1FF60];
	[hbm4b:s17+s3] =	stream.linear.scatter [tilespmem:s16], [sflag:$0x8], $0x80, $0x38  }
0x38a: {  	v28 =	vld [tilespmem:$0x1FE20];
	s20 =	sadd.s32 $0x18BB8, s0;
	s23 =	sadd.s32 $0x70, s10  }
0x38b: {  	v58 =	vld [tilespmem:$0x1FFB0];
	[hbm4b:s23+s3] =	stream.linear.scatter [tilespmem:s20], [sflag:$0x8], $0x80, $0x38  }
.Ltmp9:
0x38c: {  	(pc) =	sbr.rel .LBB2_17-.Ltmp9, $4  }
0x38d: {  	_ = 	snop  }
0x38e: {  	_ =	swait.ge [sflag:s26], $0x2000  }
0x38f: {  	[sflag:s26] =	ssyncset.done $0x0  }
0x390: {  	[sflag:s26] =	ssyncadd.s32 $0xFFFFE000  }
.LBB2_16:
0x391: {  	s0 =	smul.u32 $0xA00, s5;
	_ =	sdelay $0x1  }
0x392: {  	s0 =	sshra.s32 s0, $0x2  }
.Ltmp10:
0x393: {  	s10 =	simm.s32 $0xA400;
	s0 =	sadd.s32 $0x280, s0;
	(pc) =	sbr.rel @p0 .LBB2_18-.Ltmp10, $4  }
0x394: {  	[tilespmem:s10], [sflag:$0x1] =	stream.indirect.gather [hbm4b:s4+s9], $0x40, s0, s9, $0xb8;
	[tilespmem:$0x1EE00] =	vst v63  }
0x395: {  	_ =	swait.ge [sflag:s26], $0x2000  }
0x396: {  	[sflag:s26] =	ssyncset.done $0x0  }
0x397: {  	[sflag:s26] =	ssyncadd.s32 $0xFFFFE000  }
.LBB2_17:
0x398: {  	_ =	swait.ge [sflag:s28], $0x2000  }
0x399: {  	[sflag:s28] =	ssyncset.done $0x0  }
0x39a: {  	[sflag:s28] =	ssyncadd.s32 $0xFFFFE000  }
.LBB2_18:
0x39b: {  	v1 =	vld [tilespmem:$0x1FDE0]  }
0x39c: {  	v2 =	vld [tilespmem:$0x1FDC0]  }
0x39d: {  	v3 =	vld [tilespmem:$0x1FDD0]  }
0x39e: {  	v0 =	vmov s8;
	v4 =	vld [tilespmem:$0x1FDF0]  }
0x39f: {  	v0 =	vand.u32 $0x3FF, v0  }
0x3a0: {  	v1 =	vadd.s32 v1, v0  }
0x3a1: {  	v2 =	vadd.s32 v2, v0  }
0x3a2: {  	v3 =	vadd.s32 v3, v0  }
0x3a3: {  	v31 =	vld [tilespmem:$0x1FE70];
	v0 =	vadd.s32 v4, v0  }
0x3a4: {  	v51 =	vld [tilespmem:$0x1FEA0]  }
0x3a5: {  	s15 =	simm.s32 $0x1;
	v40 =	vld.idx.msk [tilespmem:v1+s14+$0x0], $0xffff  }
0x3a6: {  	s13 =	simm.s32 $0x4;
	s12 =	simm.s32 $0x2;
	v7 =	vmov s15;
	v39 =	vld.idx.msk [tilespmem:v2+s14+$0x0], $0xffff  }
0x3a7: {  	s10 =	simm.s32 $0x7;
	v7 =	vshrl.u32 v7, $0x3;
	v2 =	vmov s13;
	v38 =	vld.idx.msk [tilespmem:v3+s14+$0x0], $0xffff;
	v3 =	vmov s12  }
0x3a8: {  	v1 =	vmov s10;
	v37 =	vld.idx.msk [tilespmem:v0+s14+$0x0], $0xffff;
	v2 =	vshrl.u32 v2, $0x3;
	v0 =	vshrl.u32 v3, $0x3  }
0x3a9: {  	s16 =	simm.s32 $0x3;
	v3 =	vshll.u32 v7, v5;
	v2 =	vshll.u32 v2, v5;
	v7 =	vshll.u32 v0, v5  }
0x3aa: {  	v57 =	vld [tilespmem:$0x1FEF0];
	s10 =	simm.s32 $0x10500;
	v3 =	vbroadcast v3, $0x0;
	v0 =	vbroadcast v2, $0x0;
	v2 =	vmov s16  }
0x3ab: {  	v9 =	vld [tilespmem:s10+$0xFFFFFF40];
	v10 =	vshrl.u32 v1, $0x3;
	v1 =	vshrl.u32 v2, $0x3  }
0x3ac: {  	v8 =	vld [tilespmem:s10+$0x0];
	v11 =	vshll.u32 v1, v5;
	v1 =	vadd.s32 v51, v3  }
0x3ad: {  	s0 =	simm.s32 $0x0;
	s11 =	simm.s32 $0x5;
	v41 =	vbroadcast v7, $0x0;
	v2 =	vld [tilespmem:s10+$0xFFFFFF80];
	v12 =	vadd.s32 v31, v3;
	[tilespmem:$0x1FC30] =	vst v1  }
0x3ae: {  	v6 =	vmov s11;
	v4 =	vmov s0;
	v7 =	vadd.s32 v33, v0;
	v13 =	vld [tilespmem:s10+$0xFFFFFFC0]  }
0x3af: {  	s17 =	simm.s32 $0x6;
	v4 =	vshrl.u32 v4, $0x3;
	v14 =	vadd.s32 v34, v41;
	v54 =	vbroadcast v11, $0x0;
	v11 =	vld [tilespmem:s10+$0xFFFFFF00]  }
0x3b0: {  	v16 =	vmov s17;
	v19 =	vshll.u32 v4, v5;
	v4 =	vadd.f32 v9, v40;
	v15 =	vld [tilespmem:s10+$0xC0]  }
0x3b1: {  	v6 =	vshrl.u32 v6, $0x3;
	v8 =	vadd.f32 v8, v40;
	v18 =	vld [tilespmem:s10+$0x80];
	v17 =	vadd.s32 v57, v54  }
0x3b2: {  	v6 =	vshll.u32 v6, v5;
	v9 =	vshrl.u32 v16, $0x3;
	v16 =	vld [tilespmem:s10+$0x40];
	v2 =	vadd.f32 v2, v40;
	[tilespmem:v12+s29+$0x0] =	vst.idx.msk $0xffff, v4  }
0x3b3: {  	[tilespmem:v7+s29+$0x0] =	vst.idx.msk $0xffff, v8;
	v8 =	vbroadcast v6, $0x0;
	v6 =	vld [tilespmem:s10+$0xFFFFFF50]  }
0x3b4: {  	v7 =	vld [tilespmem:s10+$0x10];
	[tilespmem:v14+s29+$0x0] =	vst.idx.msk $0xffff, v2;
	v4 =	vadd.f32 v13, v40  }
0x3b5: {  	v9 =	vshll.u32 v9, v5;
	v30 =	vld [tilespmem:$0x1FE80]  }
0x3b6: {  	v55 =	vbroadcast v9, $0x0;
	v9 =	vld [tilespmem:s10+$0xFFFFFF90];
	[tilespmem:v17+s29+$0x0] =	vst.idx.msk $0xffff, v4  }
0x3b7: {  	v32 =	vld [tilespmem:$0x1FF10]  }
0x3b8: {  	v29 =	vld [tilespmem:$0x1FEC0]  }
0x3b9: {  	v4 =	vld [tilespmem:$0x1FF80]  }
0x3ba: {  	v42 =	vld [tilespmem:$0x1FF70]  }
0x3bb: {  	v53 =	vld [tilespmem:$0x1FE30]  }
0x3bc: {  	v56 =	vbroadcast v19, $0x0;
	v36 =	vld [tilespmem:$0x1FF00]  }
0x3bd: {  	v10 =	vshll.u32 v10, v5;
	v1 =	vadd.s32 v60, v8;
	v25 =	vld [tilespmem:$0x1FF50];
	v19 =	vadd.s32 v29, v41  }
0x3be: {  	v2 =	vbroadcast v10, $0x0;
	[tilespmem:$0x1FC20] =	vst v1;
	v26 =	vld [tilespmem:$0x1FE90];
	v1 =	vadd.s32 v32, v54  }
0x3bf: {  	v62 =	vadd.s32 v27, v56;
	v10 =	vadd.s32 v28, v55;
	v17 =	vld [tilespmem:s10+$0xFFFFFFD0];
	v42 =	vadd.s32 v42, v8;
	[tilespmem:$0x1FC50] =	vst v1  }
0x3c0: {  	v22 =	vadd.f32 v6, v39;
	v59 =	vld [tilespmem:$0x1FFD0];
	v6 =	vadd.f32 v9, v39;
	[tilespmem:$0x1FC60] =	vst v42;
	v42 =	vadd.s32 v53, v2  }
0x3c1: {  	s13 =	simm.s32 $0x9;
	v14 =	vadd.s32 v21, v0;
	v11 =	vadd.f32 v11, v40;
	v18 =	vadd.f32 v18, v40;
	v1 =	vld [tilespmem:$0x1FE50];
	[tilespmem:$0x1FC40] =	vst v42  }
0x3c2: {  	s0 =	simm.s32 $0x10700;
	v43 =	vmov s13;
	v13 =	vadd.s32 v30, v3;
	v9 =	vld [tilespmem:$0x1FFC0];
	[tilespmem:v19+s29+$0x0] =	vst.idx.msk $0xffff, v6;
	v19 =	vadd.s32 v63, v56  }
0x3c3: {  	v12 =	vadd.f32 v15, v40;
	v16 =	vadd.f32 v16, v40;
	v27 =	vadd.s32 v25, v8;
	v46 =	vld [tilespmem:s0+$0xFFFFFF40];
	[tilespmem:$0x1FC70] =	vst v19  }
0x3c4: {  	v43 =	vshrl.u32 v43, $0x3;
	v20 =	vadd.s32 v58, v2;
	v7 =	vadd.f32 v7, v39;
	[tilespmem:v10+s29+$0x0] =	vst.idx.msk $0xffff, v18  }
0x3c5: {  	v23 =	vadd.s32 v4, v55;
	v24 =	vadd.s32 v36, v54;
	v45 =	vadd.s32 v59, v41;
	v49 =	vld [tilespmem:s10+$0x90]  }
0x3c6: {  	s15 =	simm.s32 $0xC;
	s16 =	simm.s32 $0xA;
	v15 =	vmovc v21;
	v17 =	vadd.f32 v17, v39;
	v6 =	vadd.s32 v61, v55;
	v21 =	vadd.s32 v1, v56  }
0x3c7: {  	v61 =	vld [tilespmem:s10+$0xFFFFFFA0];
	v10 =	vmov s15;
	v18 =	vmov s16;
	[tilespmem:v13+s29+$0x0] =	vst.idx.msk $0xffff, v22;
	v22 =	vshll.u32 v43, v5  }
0x3c8: {  	s23 =	simm.s32 $0xF;
	[tilespmem:v27+s29+$0x0] =	vst.idx.msk $0xffff, v16;
	v18 =	vshrl.u32 v18, $0x3;
	v22 =	vbroadcast v22, $0x0;
	v10 =	vshrl.u32 v10, $0x3  }
0x3c9: {  	v44 =	vmov s23;
	[tilespmem:v14+s29+$0x0] =	vst.idx.msk $0xffff, v7;
	v16 =	vshll.u32 v18, v5;
	v18 =	vld [tilespmem:s10+$0xFFFFFF60];
	v10 =	vshll.u32 v10, v5  }
0x3ca: {  	v48 =	vld [tilespmem:s0+$0xFFFFFF80];
	[tilespmem:v20+s29+$0x0] =	vst.idx.msk $0xffff, v12;
	v43 =	vbroadcast v16, $0x0;
	v27 =	vadd.s32 v31, v22;
	v20 =	vadd.f32 v49, v39  }
0x3cb: {  	v3 =	vadd.s32 v26, v3;
	v50 =	vld [tilespmem:s0+$0x0];
	[tilespmem:v24+s29+$0x0] =	vst.idx.msk $0xffff, v17;
	v16 =	vshrl.u32 v44, $0x3;
	v44 =	vbroadcast v10, $0x0  }
0x3cc: {  	v14 =	vadd.f32 v61, v38;
	v24 =	vadd.s32 v34, v43;
	[tilespmem:v23+s29+$0x0] =	vst.idx.msk $0xffff, v20;
	v23 =	vld [tilespmem:s10+$0xD0]  }
0x3cd: {  	[tilespmem:v21+s29+$0x0] =	vst.idx.msk $0xffff, v11;
	v12 =	vadd.s32 v33, v44;
	v49 =	vadd.f32 v46, v40  }
0x3ce: {  	v35 =	vadd.s32 v9, v2;
	[tilespmem:v45+s29+$0x0] =	vst.idx.msk $0xffff, v14;
	v18 =	vadd.f32 v18, v38  }
0x3cf: {  	v11 =	vadd.f32 v48, v40;
	[tilespmem:v27+s29+$0x0] =	vst.idx.msk $0xffff, v49  }
0x3d0: {  	s20 =	simm.s32 $0x8;
	[tilespmem:v3+s29+$0x0] =	vst.idx.msk $0xffff, v18;
	v18 =	vadd.f32 v50, v40  }
0x3d1: {  	v47 =	vmov s20;
	v10 =	vld [tilespmem:s0+$0xFFFFFF00];
	[tilespmem:v24+s29+$0x0] =	vst.idx.msk $0xffff, v11;
	v11 =	vadd.f32 v23, v39  }
0x3d2: {  	v17 =	vshrl.u32 v47, $0x3;
	v47 =	vld [tilespmem:s0+$0xC0];
	[tilespmem:v12+s29+$0x0] =	vst.idx.msk $0xffff, v18  }
0x3d3: {  	s20 =	simm.s32 $0xB;
	s23 =	simm.s32 $0xE;
	[tilespmem:v35+s29+$0x0] =	vst.idx.msk $0xffff, v11  }
0x3d4: {  	v63 =	vmov s20;
	v31 =	vmovc v15;
	v20 =	vmov s23;
	v11 =	vadd.s32 v15, v44;
	v15 =	vld [tilespmem:$0x1FC20]  }
0x3d5: {  	v19 =	vadd.s32 v52, v0;
	v7 =	vld [tilespmem:s10+$0x50];
	v45 =	vshrl.u32 v63, $0x3;
	v20 =	vshrl.u32 v20, $0x3  }
0x3d6: {  	v52 =	vadd.f32 v10, v40;
	v3 =	vld [tilespmem:s10+$0x20];
	v10 =	vshll.u32 v20, v5;
	v20 =	vshll.u32 v45, v5  }
0x3d7: {  	v53 =	vadd.f32 v47, v40;
	v50 =	vld [tilespmem:s0+$0xFFFFFFC0];
	v47 =	vbroadcast v20, $0x0  }
0x3d8: {  	v21 =	vld [tilespmem:s10+$0xFFFFFF10]  }
0x3d9: {  	v12 =	vadd.s32 v57, v47  }
0x3da: {  	v7 =	vadd.f32 v7, v39  }
0x3db: {  	v16 =	vshll.u32 v16, v5;
	v3 =	vadd.f32 v3, v38  }
0x3dc: {  	v49 =	vbroadcast v16, $0x0;
	v16 =	vadd.f32 v50, v40;
	[tilespmem:v15+s29+$0x0] =	vst.idx.msk $0xffff, v7  }
0x3dd: {  	v7 =	vadd.f32 v21, v39;
	v23 =	vld [tilespmem:$0x1FF40];
	[tilespmem:v19+s29+$0x0] =	vst.idx.msk $0xffff, v3  }
0x3de: {  	s17 =	simm.s32 $0xD;
	[tilespmem:v12+s29+$0x0] =	vst.idx.msk $0xffff, v16  }
0x3df: {  	v13 =	vmov s17;
	v17 =	vshll.u32 v17, v5;
	[tilespmem:v62+s29+$0x0] =	vst.idx.msk $0xffff, v7  }
0x3e0: {  	v13 =	vshrl.u32 v13, $0x3;
	v48 =	vbroadcast v17, $0x0;
	v17 =	vld [tilespmem:$0x1FC30]  }
0x3e1: {  	v13 =	vshll.u32 v13, v5;
	v45 =	vbroadcast v10, $0x0;
	v10 =	vld [tilespmem:s10+$0xFFFFFF70]  }
0x3e2: {  	v46 =	vbroadcast v13, $0x0;
	v13 =	vld [tilespmem:s10+$0xA0]  }
0x3e3: {  	v18 =	vld [tilespmem:s0+$0x10]  }
0x3e4: {  	v21 =	vadd.s32 v23, v0;
	v0 =	vld [tilespmem:$0x1FE10];
	_ =	sdelay $0x1  }
0x3e5: {  	v10 =	vadd.f32 v10, v37;
	_ =	sdelay $0x1  }
0x3e6: {  	[tilespmem:v17+s29+$0x0] =	vst.idx.msk $0xffff, v10  }
0x3e7: {  	v0 =	vadd.s32 v0, v8;
	v8 =	vadd.f32 v18, v39;
	v18 =	vadd.f32 v13, v38;
	v13 =	vld [tilespmem:$0x1FC40]  }
0x3e8: {  	v15 =	vld [tilespmem:s10+$0xE0];
	_ =	sdelay $0x4  }
0x3e9: {  	v15 =	vadd.f32 v15, v38;
	_ =	sdelay $0x1  }
0x3ea: {  	[tilespmem:v13+s29+$0x0] =	vst.idx.msk $0xffff, v15  }
0x3eb: {  	v13 =	vld [tilespmem:$0x1FC50]  }
0x3ec: {  	v20 =	vld [tilespmem:s10+$0xFFFFFFE0];
	_ =	sdelay $0x4  }
0x3ed: {  	v17 =	vadd.f32 v20, v38;
	_ =	sdelay $0x1  }
0x3ee: {  	[tilespmem:v13+s29+$0x0] =	vst.idx.msk $0xffff, v17  }
0x3ef: {  	v27 =	vld [tilespmem:$0x1FF20];
	[tilespmem:v6+s29+$0x0] =	vst.idx.msk $0xffff, v18  }
0x3f0: {  	v6 =	vld [tilespmem:$0x1FE40];
	_ =	sdelay $0x4  }
0x3f1: {  	v15 =	vadd.s32 v6, v2;
	v2 =	vld [tilespmem:$0x1FC60]  }
0x3f2: {  	v16 =	vld [tilespmem:s10+$0x60];
	_ =	sdelay $0x1  }
0x3f3: {  	v14 =	vld [tilespmem:s0+$0x40];
	_ =	sdelay $0x2  }
0x3f4: {  	v16 =	vadd.f32 v16, v38;
	_ =	sdelay $0x1  }
0x3f5: {  	v3 =	vadd.f32 v14, v40;
	v14 =	vld [tilespmem:s10+$0x30];
	[tilespmem:v2+s29+$0x0] =	vst.idx.msk $0xffff, v16  }
0x3f6: {  	v2 =	vld [tilespmem:$0x1FFA0];
	_ =	sdelay $0x4  }
0x3f7: {  	v20 =	vadd.f32 v14, v37;
	v14 =	vadd.s32 v2, v55;
	v2 =	vld [tilespmem:$0x1FE60];
	_ =	sdelay $0x2  }
0x3f8: {  	v42 =	vadd.s32 v51, v22  }
0x3f9: {  	v51 =	vadd.s32 v60, v46;
	v60 =	vadd.s32 v9, v49;
	[tilespmem:v21+s29+$0x0] =	vst.idx.msk $0xffff, v20  }
0x3fa: {  	v63 =	vadd.s32 v28, v45;
	v28 =	vmov v9;
	v9 =	vadd.s32 v2, v56;
	v2 =	vld [tilespmem:$0x1FED0];
	[tilespmem:v11+s29+$0x0] =	vst.idx.msk $0xffff, v8  }
0x3fb: {  	v6 =	vld [tilespmem:$0x1FF70];
	_ =	sdelay $0x2  }
0x3fc: {  	v59 =	vld [tilespmem:s0+$0x80]  }
0x3fd: {  	v33 =	vld [tilespmem:s10+$0xFFFFFFB0]  }
0x3fe: {  	v50 =	vadd.s32 v32, v47;
	v13 =	vadd.s32 v27, v54;
	v32 =	vmovc v6;
	v54 =	vadd.s32 v6, v46;
	v6 =	vld [tilespmem:$0x1FE30];
	_ =	sdelay $0x3  }
0x3ff: {  	v19 =	vld [tilespmem:s0+$0xFFFFFF50];
	v12 =	vadd.f32 v59, v40  }
0x400: {  	v59 =	vadd.s32 v1, v48;
	v1 =	vadd.f32 v33, v37;
	v33 =	vmovc v6;
	v56 =	vadd.s32 v6, v49;
	v6 =	vld [tilespmem:$0x1FC70]  }
0x401: {  	v24 =	vld [tilespmem:s10+$0xFFFFFF20]  }
0x402: {  	v30 =	vadd.s32 v30, v22;
	_ =	sdelay $0x2  }
0x403: {  	v23 =	vadd.f32 v19, v39  }
0x404: {  	v19 =	vld [tilespmem:s0+$0xFFFFFFD0];
	v24 =	vadd.f32 v24, v38  }
0x405: {  	v10 =	vld [tilespmem:s0+$0xFFFFFF90];
	[tilespmem:v30+s29+$0x0] =	vst.idx.msk $0xffff, v23  }
0x406: {  	v17 =	vld [tilespmem:s10+$0xF0];
	[tilespmem:v6+s29+$0x0] =	vst.idx.msk $0xffff, v24  }
0x407: {  	v8 =	vld [tilespmem:$0x1FFD0]  }
0x408: {  	v11 =	vld [tilespmem:$0x1FF90]  }
0x409: {  	v7 =	vadd.s32 v29, v43;
	v29 =	vmov v31;
	v31 =	vld [tilespmem:$0x1FEE0]  }
0x40a: {  	v57 =	vadd.s32 v58, v49;
	v18 =	vadd.f32 v10, v39;
	v10 =	vadd.f32 v19, v39;
	v19 =	vld [tilespmem:s10+$0xFFFFFFF0]  }
0x40b: {  	v35 =	vmovc v25;
	v62 =	vadd.s32 v4, v45;
	v4 =	vadd.s32 v36, v47;
	v36 =	vmov v34;
	v16 =	vld [tilespmem:s10+$0xB0]  }
0x40c: {  	v34 =	vmovc v26;
	v20 =	vadd.s32 v25, v46;
	v21 =	vadd.f32 v17, v37;
	v58 =	vadd.s32 v2, v48;
	v6 =	vld [tilespmem:s10+$0x70]  }
0x40d: {  	s11 =	simm.s32 $0x10;
	s12 =	simm.s32 $0x10900;
	v2 =	vadd.s32 v26, v22;
	v17 =	vld [tilespmem:s10+$0xFFFFFF30];
	v30 =	vmovc v8;
	v8 =	vadd.s32 v8, v43;
	v55 =	vadd.s32 v11, v45  }
.LBB2_19:
0x40e: {  	v26 =	vadd.s32 v31, v41  }
0x40f: {  	[tilespmem:v7+s29+$0x0] =	vst.idx.msk $0xffff, v18  }
0x410: {  	s15 =	smov.u32 s11;
	[tilespmem:v63+s29+$0x0] =	vst.idx.msk $0xffff, v12;
	v25 =	vld [tilespmem:s0+$0xFFFFFFA0]  }
0x411: {  	s20 =	sadd.s32 $0x2, s15;
	[tilespmem:v15+s29+$0x0] =	vst.idx.msk $0xffff, v21;
	v27 =	vld [tilespmem:s12+$0xFFFFFF80]  }
0x412: {  	[tilespmem:v20+s29+$0x0] =	vst.idx.msk $0xffff, v3;
	v12 =	vld [tilespmem:s12+$0x80];
	v21 =	vmov s20;
	v7 =	vadd.f32 v19, v37  }
0x413: {  	s23 =	sadd.s32 $0x1, s15;
	v3 =	vadd.f32 v16, v37;
	v16 =	vshrl.u32 v21, $0x3;
	[tilespmem:v26+s29+$0x0] =	vst.idx.msk $0xffff, v1;
	v1 =	vld [tilespmem:$0x1FE70]  }
0x414: {  	v15 =	vmov s23;
	[tilespmem:v13+s29+$0x0] =	vst.idx.msk $0xffff, v7;
	v13 =	vshll.u32 v16, v5;
	v16 =	vld [tilespmem:s0+$0x90]  }
0x415: {  	v15 =	vshrl.u32 v15, $0x3;
	[tilespmem:v14+s29+$0x0] =	vst.idx.msk $0xffff, v3;
	v14 =	vld [tilespmem:s0+$0xFFFFFF60]  }
0x416: {  	v11 =	vld [tilespmem:$0x1FFF0];
	v7 =	vadd.f32 v6, v37;
	v6 =	vshll.u32 v15, v5  }
0x417: {  	v22 =	vld [tilespmem:s12+$0xFFFFFF40];
	v6 =	vbroadcast v6, $0x0;
	_ =	sdelay $0x1  }
0x418: {  	v20 =	vld [tilespmem:s0+$0x50];
	[tilespmem:v0+s29+$0x0] =	vst.idx.msk $0xffff, v7;
	v7 =	vadd.f32 v25, v38;
	v1 =	vadd.s32 v1, v6  }
0x419: {  	[tilespmem:v4+s29+$0x0] =	vst.idx.msk $0xffff, v10;
	v14 =	vadd.f32 v14, v38  }
0x41a: {  	v61 =	vadd.s32 v11, v48;
	v11 =	vld [tilespmem:$0x1FFE0];
	[tilespmem:v8+s29+$0x0] =	vst.idx.msk $0xffff, v7  }
0x41b: {  	v4 =	vld [tilespmem:$0x1FF30];
	v7 =	vadd.f32 v22, v40;
	[tilespmem:v2+s29+$0x0] =	vst.idx.msk $0xffff, v14  }
0x41c: {  	v41 =	vmov v43;
	s16 =	sadd.s32 $0x4, s15;
	v17 =	vadd.f32 v17, v37;
	v43 =	vbroadcast v13, $0x0;
	v25 =	vld [tilespmem:s0+$0xFFFFFF70]  }
0x41d: {  	s13 =	sadd.s32 $0x7, s11;
	v18 =	vmov s16;
	[tilespmem:v1+s29+$0x0] =	vst.idx.msk $0xffff, v7;
	v1 =	vld [tilespmem:$0x1FF40]  }
0x41e: {  	v24 =	vmov s13;
	v3 =	vshrl.u32 v18, $0x3;
	v18 =	vld [tilespmem:s12+$0x0];
	[tilespmem:v9+s29+$0x0] =	vst.idx.msk $0xffff, v17;
	v21 =	vadd.s32 v36, v43  }
0x41f: {  	v15 =	vshrl.u32 v24, $0x3;
	v9 =	vld [tilespmem:s12+$0xFFFFFF00];
	v0 =	vshll.u32 v3, v5  }
0x420: {  	s17 =	sadd.s32 $0x5, s15;
	v10 =	vshll.u32 v15, v5;
	v15 =	vld [tilespmem:s0+$0x20];
	v0 =	vbroadcast v0, $0x0  }
0x421: {  	v23 =	vmov s15;
	v19 =	vmov s17;
	v2 =	vld [tilespmem:s0+$0xFFFFFFB0];
	v14 =	vadd.f32 v27, v40  }
0x422: {  	s10 =	sadd.s32 $0x6, s15;
	s15 =	sadd.s32 $0x3, s15;
	v17 =	vshrl.u32 v23, $0x3;
	v4 =	vadd.s32 v4, v0;
	v27 =	vadd.s32 v1, v44;
	v1 =	vld [tilespmem:$0x1FFB0]  }
0x423: {  	v23 =	vmov s15;
	v11 =	vadd.s32 v11, v44;
	[tilespmem:v21+s29+$0x0] =	vst.idx.msk $0xffff, v14;
	v21 =	vadd.s32 v29, v0;
	v44 =	vmovc v0;
	v0 =	vld [tilespmem:$0x1FEF0]  }
0x424: {  	v24 =	vld [tilespmem:s12+$0xC0];
	[tilespmem:v57+s29+$0x0] =	vst.idx.msk $0xffff, v53;
	v23 =	vshrl.u32 v23, $0x3;
	v16 =	vadd.f32 v16, v39;
	v9 =	vadd.f32 v9, v40  }
0x425: {  	v19 =	vshrl.u32 v19, $0x3;
	[tilespmem:v59+s29+$0x0] =	vst.idx.msk $0xffff, v52;
	v23 =	vshll.u32 v23, v5;
	v18 =	vadd.f32 v18, v40  }
0x426: {  	v19 =	vshll.u32 v19, v5;
	v10 =	vbroadcast v10, $0x0;
	[tilespmem:v62+s29+$0x0] =	vst.idx.msk $0xffff, v16;
	v16 =	vld [tilespmem:s0+$0xD0];
	v52 =	vmovc v9;
	v9 =	vbroadcast v23, $0x0  }
0x427: {  	[tilespmem:v4+s29+$0x0] =	vst.idx.msk $0xffff, v18;
	v4 =	vbroadcast v19, $0x0;
	v19 =	vld [tilespmem:$0x1FE80]  }
0x428: {  	v57 =	vadd.s32 v1, v10;
	v1 =	vadd.f32 v15, v38;
	v15 =	vadd.s32 v0, v9;
	v0 =	vld [tilespmem:$0x1FF10];
	_ =	sdelay $0x2  }
0x429: {  	v16 =	vadd.f32 v16, v39  }
0x42a: {  	v22 =	vmov s10;
	v53 =	vadd.f32 v24, v40;
	v24 =	vadd.s32 v19, v6;
	v19 =	vld [tilespmem:$0x1FE20]  }
0x42b: {  	v22 =	vshrl.u32 v22, $0x3;
	[tilespmem:v60+s29+$0x0] =	vst.idx.msk $0xffff, v16;
	v16 =	vadd.s32 v0, v9;
	v0 =	vld [tilespmem:$0x1FEC0]  }
0x42c: {  	v22 =	vshll.u32 v22, v5  }
0x42d: {  	v26 =	vld [tilespmem:s0+$0xFFFFFF10];
	v22 =	vbroadcast v22, $0x0  }
0x42e: {  	v3 =	vld [tilespmem:s12+$0x40]  }
0x42f: {  	v63 =	vadd.s32 v19, v22;
	v19 =	vld [tilespmem:$0x1FF60]  }
0x430: {  	v7 =	vadd.s32 v0, v43;
	v0 =	vld [tilespmem:$0x1FE10]  }
0x431: {  	v8 =	vld [tilespmem:s12+$0xFFFFFFC0]  }
0x432: {  	v23 =	vld [tilespmem:s0+$0xFFFFFFE0]  }
0x433: {  	v18 =	vld [tilespmem:s0+$0xA0]  }
0x434: {  	v14 =	vld [tilespmem:s12+$0x10]  }
0x435: {  	v20 =	vadd.f32 v20, v39;
	v19 =	vadd.s32 v19, v4;
	v0 =	vadd.s32 v0, v46;
	v46 =	vmovc v4;
	v4 =	vld [tilespmem:$0x1FE50]  }
0x436: {  	v62 =	vld [tilespmem:s12+$0xFFFFFF50];
	[tilespmem:v11+s29+$0x0] =	vst.idx.msk $0xffff, v1;
	v1 =	vadd.f32 v26, v39  }
0x437: {  	v17 =	vshll.u32 v17, v5;
	[tilespmem:v51+s29+$0x0] =	vst.idx.msk $0xffff, v20;
	v20 =	vld [tilespmem:s0+$0xE0]  }
0x438: {  	v17 =	vbroadcast v17, $0x0;
	v11 =	vld [tilespmem:s0+$0x60];
	[tilespmem:v58+s29+$0x0] =	vst.idx.msk $0xffff, v1;
	v1 =	vadd.f32 v2, v37;
	v2 =	vadd.f32 v18, v38  }
0x439: {  	v8 =	vadd.f32 v8, v40;
	v26 =	vadd.f32 v14, v39;
	v14 =	vld [tilespmem:s12+$0xFFFFFF90]  }
0x43a: {  	[tilespmem:v55+s29+$0x0] =	vst.idx.msk $0xffff, v2;
	v2 =	vld [tilespmem:$0x1FE40];
	v59 =	vadd.s32 v4, v17;
	v4 =	vadd.f32 v25, v37  }
0x43b: {  	[tilespmem:v15+s29+$0x0] =	vst.idx.msk $0xffff, v8;
	v8 =	vld [tilespmem:s0+$0xFFFFFF20]  }
0x43c: {  	[tilespmem:v42+s29+$0x0] =	vst.idx.msk $0xffff, v4;
	v4 =	vld [tilespmem:$0x1FF80]  }
0x43d: {  	v18 =	vadd.f32 v20, v38;
	v15 =	vadd.f32 v23, v38;
	v20 =	vld [tilespmem:s12+$0xFFFFFFD0]  }
0x43e: {  	v51 =	vmov v19;
	v19 =	vld [tilespmem:s0+$0x30]  }
0x43f: {  	[tilespmem:v50+s29+$0x0] =	vst.idx.msk $0xffff, v15;
	v15 =	vadd.s32 v2, v49;
	v2 =	vld [tilespmem:$0x1FFA0]  }
0x440: {  	v13 =	vld [tilespmem:$0x1FEA0];
	v23 =	vadd.f32 v62, v39  }
0x441: {  	[tilespmem:v56+s29+$0x0] =	vst.idx.msk $0xffff, v18;
	v8 =	vadd.f32 v8, v38;
	v62 =	vadd.s32 v4, v22;
	v4 =	vld [tilespmem:$0x1FF20]  }
0x442: {  	v56 =	vld [tilespmem:s0+$0xF0]  }
0x443: {  	v12 =	vadd.f32 v12, v40;
	[tilespmem:v61+s29+$0x0] =	vst.idx.msk $0xffff, v8;
	v61 =	vld [tilespmem:$0x1FF90];
	v25 =	vadd.f32 v19, v37  }
0x444: {  	v11 =	vadd.f32 v11, v38;
	v18 =	vadd.f32 v14, v39;
	v14 =	vadd.s32 v2, v45;
	v2 =	vld [tilespmem:$0x1FE60]  }
0x445: {  	v13 =	vadd.s32 v13, v6;
	v3 =	vadd.f32 v3, v40;
	[tilespmem:v27+s29+$0x0] =	vst.idx.msk $0xffff, v25;
	v27 =	vld [tilespmem:$0x1FED0]  }
0x446: {  	p2 =	slt.u32 s11, $0x78;
	[tilespmem:v54+s29+$0x0] =	vst.idx.msk $0xffff, v11;
	v49 =	vmov v10;
	v42 =	vmov v13;
	v13 =	vadd.s32 v4, v47;
	v4 =	vld [tilespmem:$0x1FF00]  }
.Ltmp11:
0x447: {  	v10 =	vadd.f32 v20, v39;
	v60 =	vadd.s32 v28, v49;
	v8 =	vadd.s32 v30, v43;
	v45 =	vmovc v22;
	(pc) =	sbr.rel @p2 .LBB2_19-.Ltmp11, $4  }
0x448: {  	v50 =	vmovc v16;
	v16 =	vld [tilespmem:s0+$0xB0];
	v20 =	vadd.s32 v35, v46;
	v54 =	vadd.s32 v32, v46;
	v55 =	vadd.s32 v61, v45  }
0x449: {  	v19 =	vld [tilespmem:s0+$0xFFFFFFF0];
	[tilespmem:v21+s29+$0x0] =	vst.idx.msk $0xffff, v26;
	v21 =	vadd.f32 v56, v37;
	v56 =	vadd.s32 v33, v49  }
0x44a: {  	v47 =	vmovc v9;
	v9 =	vadd.s32 v2, v48;
	v48 =	vmov v17;
	v2 =	vadd.s32 v34, v6;
	v6 =	vld [tilespmem:s0+$0x70]  }
0x44b: {  	s11 =	sadd.s32 $0x8, s11;
	[tilespmem:v24+s29+$0x0] =	vst.idx.msk $0xffff, v23;
	v17 =	vld [tilespmem:s0+$0xFFFFFF30];
	s0 =	smov.u32 s12;
	s12 =	sadd.s32 $0x200, s12;
	v58 =	vadd.s32 v27, v48;
	v4 =	vadd.s32 v4, v47  }
0x44c: {  	_ =	sdelay $0x3  }
0x44d: {  	[tilespmem:v63+s29+$0x0] =	vst.idx.msk $0xffff, v12  }
0x44e: {  	[tilespmem:v7+s29+$0x0] =	vst.idx.msk $0xffff, v18  }
0x44f: {  	[tilespmem:v57+s29+$0x0] =	vst.idx.msk $0xffff, v53  }
0x450: {  	[tilespmem:v15+s29+$0x0] =	vst.idx.msk $0xffff, v21  }
0x451: {  	[tilespmem:v20+s29+$0x0] =	vst.idx.msk $0xffff, v3;
	v11 =	vld [tilespmem:s0+$0xD0]  }
0x452: {  	v21 =	vadd.s32 v31, v41;
	[tilespmem:v59+s29+$0x0] =	vst.idx.msk $0xffff, v52;
	v3 =	vadd.f32 v16, v37  }
0x453: {  	[tilespmem:v4+s29+$0x0] =	vst.idx.msk $0xffff, v10;
	v7 =	vadd.f32 v19, v37  }
0x454: {  	v6 =	vadd.f32 v6, v37;
	[tilespmem:v14+s29+$0x0] =	vst.idx.msk $0xffff, v3  }
0x455: {  	[tilespmem:v13+s29+$0x0] =	vst.idx.msk $0xffff, v7  }
0x456: {  	[tilespmem:v0+s29+$0x0] =	vst.idx.msk $0xffff, v6;
	v3 =	vadd.f32 v11, v39  }
0x457: {  	v7 =	vld [tilespmem:s0+$0x90];
	[tilespmem:v21+s29+$0x0] =	vst.idx.msk $0xffff, v1  }
0x458: {  	v22 =	vld [tilespmem:s0+$0x50];
	[tilespmem:v60+s29+$0x0] =	vst.idx.msk $0xffff, v3  }
0x459: {  	v52 =	vld [tilespmem:$0x1FFE0]  }
0x45a: {  	v23 =	vld [tilespmem:s0+$0xFFFFFF10]  }
0x45b: {  	v6 =	vld [tilespmem:s0+$0xFFFFFF60]  }
0x45c: {  	v30 =	vld [tilespmem:s0+$0x20];
	v7 =	vadd.f32 v7, v39  }
0x45d: {  	v33 =	vadd.f32 v17, v37;
	v4 =	vld [tilespmem:s0+$0xE0]  }
0x45e: {  	v3 =	vadd.f32 v22, v39;
	[tilespmem:v62+s29+$0x0] =	vst.idx.msk $0xffff, v7;
	v7 =	vld [tilespmem:s0+$0xFFFFFFE0];
	v32 =	vadd.s32 v52, v44  }
0x45f: {  	v0 =	vadd.f32 v23, v39;
	[tilespmem:v9+s29+$0x0] =	vst.idx.msk $0xffff, v33  }
0x460: {  	[tilespmem:v51+s29+$0x0] =	vst.idx.msk $0xffff, v3;
	v3 =	vadd.f32 v6, v38  }
0x461: {  	v1 =	vadd.f32 v30, v38;
	[tilespmem:v58+s29+$0x0] =	vst.idx.msk $0xffff, v0  }
0x462: {  	v6 =	vld [tilespmem:s0+$0x60];
	[tilespmem:v2+s29+$0x0] =	vst.idx.msk $0xffff, v3;
	v36 =	vadd.f32 v4, v38  }
0x463: {  	v34 =	vld [tilespmem:s0+$0xA0];
	v39 =	vadd.f32 v7, v38;
	[tilespmem:v32+s29+$0x0] =	vst.idx.msk $0xffff, v1  }
0x464: {  	v26 =	vld [tilespmem:$0x1FFF0];
	[tilespmem:v56+s29+$0x0] =	vst.idx.msk $0xffff, v36  }
0x465: {  	v35 =	vld [tilespmem:s0+$0xFFFFFFA0];
	[tilespmem:v50+s29+$0x0] =	vst.idx.msk $0xffff, v39  }
0x466: {  	v51 =	vld [tilespmem:$0x1FF40]  }
0x467: {  	v0 =	vld [tilespmem:s0+$0xFFFFFF20]  }
0x468: {  	v3 =	vld [tilespmem:s0+$0xFFFFFF70];
	v40 =	vadd.f32 v34, v38  }
0x469: {  	v41 =	vadd.f32 v6, v38;
	v7 =	vld [tilespmem:s0+$0x30];
	v4 =	vadd.s32 v26, v48  }
0x46a: {  	v6 =	vadd.f32 v35, v38;
	v50 =	vld [tilespmem:s0+$0xF0];
	[tilespmem:v55+s29+$0x0] =	vst.idx.msk $0xffff, v40  }
0x46b: {  	v10 =	vld [tilespmem:$0x1FE40];
	[tilespmem:v54+s29+$0x0] =	vst.idx.msk $0xffff, v41;
	v9 =	vadd.s32 v51, v44  }
0x46c: {  	v0 =	vadd.f32 v0, v38;
	v53 =	vld [tilespmem:s0+$0xFFFFFFF0];
	[tilespmem:v8+s29+$0x0] =	vst.idx.msk $0xffff, v6  }
0x46d: {  	v3 =	vadd.f32 v3, v37;
	v6 =	vld [tilespmem:$0x1FF20]  }
0x46e: {  	v59 =	vld [tilespmem:$0x1FFA0];
	v7 =	vadd.f32 v7, v37;
	[tilespmem:v4+s29+$0x0] =	vst.idx.msk $0xffff, v0  }
0x46f: {  	v0 =	vld [tilespmem:$0x1FE10];
	[tilespmem:v42+s29+$0x0] =	vst.idx.msk $0xffff, v3  }
0x470: {  	v56 =	vld [tilespmem:s0+$0xB0];
	[tilespmem:v9+s29+$0x0] =	vst.idx.msk $0xffff, v7  }
0x471: {  	v10 =	vadd.s32 v10, v49;
	v9 =	vld [tilespmem:$0x1FE60]  }
0x472: {  	v58 =	vld [tilespmem:s0+$0xFFFFFFB0];
	v6 =	vadd.s32 v6, v47  }
0x473: {  	v57 =	vld [tilespmem:s0+$0x70];
	v13 =	vadd.s32 v59, v45  }
0x474: {  	v1 =	vadd.f32 v50, v37;
	v3 =	vld [tilespmem:s0+$0xFFFFFF30];
	v7 =	vadd.s32 v31, v43  }
0x475: {  	v4 =	vadd.f32 v53, v37;
	v0 =	vadd.s32 v0, v46  }
0x476: {  	v60 =	vadd.f32 v56, v37;
	[tilespmem:v10+s29+$0x0] =	vst.idx.msk $0xffff, v1;
	v9 =	vadd.s32 v9, v48  }
0x477: {  	[tilespmem:v6+s29+$0x0] =	vst.idx.msk $0xffff, v4;
	v4 =	vadd.f32 v58, v37  }
0x478: {  	s15 =	sshll.u32 s8, $0x12;
	v62 =	vadd.f32 v57, v37;
	[tilespmem:v13+s29+$0x0] =	vst.idx.msk $0xffff, v60  }
0x479: {  	s0 =	sor.u32 s7, s15;
	v63 =	vadd.f32 v3, v37;
	[tilespmem:v7+s29+$0x0] =	vst.idx.msk $0xffff, v4  }
0x47a: {  	s0 =	sshrl.u32 s0, $0x3;
	[tilespmem:v0+s29+$0x0] =	vst.idx.msk $0xffff, v62  }
0x47b: {  	s16 =	simm.s32 $0x1AA00;
	s8 =	sadd.s32 s2, s0;
	[tilespmem:v9+s29+$0x0] =	vst.idx.msk $0xffff, v63  }
0x47c: {  	[hbm4b:s8+s3] =	stream.linear.scatter [tilespmem:s16], [sflag:$0x9], $0x80, $0x38;
	[tilespmem:$0x1EE00] =	vst v63  }
0x47d: {  	s17 =	simm.s32 $0x1AA88;
	s10 =	sadd.s32 $0x10, s8  }
0x47e: {  	[hbm4b:s10+s3] =	stream.linear.scatter [tilespmem:s17], [sflag:$0x9], $0x80, $0x38;
	[tilespmem:$0x1EE00] =	vst v63  }
0x47f: {  	s20 =	simm.s32 $0x1AB10;
	s11 =	simm.s32 $0x1AB98;
	s23 =	sadd.s32 $0x20, s8  }
0x480: {  	[hbm4b:s23+s3] =	stream.linear.scatter [tilespmem:s20], [sflag:$0x9], $0x80, $0x38;
	[tilespmem:$0x1EE00] =	vst v63  }
0x481: {  	s13 =	simm.s32 $0x1AC20;
	s0 =	simm.s32 $0x440;
	s12 =	sadd.s32 $0x30, s8  }
0x482: {  	[hbm4b:s12+s3] =	stream.linear.scatter [tilespmem:s11], [sflag:$0x9], $0x80, $0x38;
	[tilespmem:$0x1EE00] =	vst v63  }
0x483: {  	s15 =	sadd.s32 $0x40, s8;
	s16 =	simm.s32 $0x1ACA8;
	s17 =	sadd.s32 $0x50, s8  }
0x484: {  	[hbm4b:s15+s3] =	stream.linear.scatter [tilespmem:s13], [sflag:$0x9], $0x80, $0x38;
	[tilespmem:$0x1EE00] =	vst v63  }
0x485: {  	s10 =	simm.s32 $0x2200;
	s20 =	simm.s32 $0x1AD30;
	s23 =	sadd.s32 $0x60, s8  }
0x486: {  	[hbm4b:s17+s3] =	stream.linear.scatter [tilespmem:s16], [sflag:$0x9], $0x80, $0x38;
	[tilespmem:$0x1EE00] =	vst v63  }
0x487: {  	s11 =	simm.s32 $0x1ADB8;
	s12 =	sadd.s32 $0x70, s8;
	s8 =	sadd.s32 $0x1000, s8  }
0x488: {  	v42 =	vmov v26;
	[hbm4b:s23+s3] =	stream.linear.scatter [tilespmem:s20], [sflag:$0x9], $0x80, $0x38;
	[tilespmem:$0x1EE00] =	vst v63  }
.LBB2_21:
0x489: {  	[hbm4b:s12+s3] =	stream.linear.scatter [tilespmem:s11], [sflag:$0x9], $0x80, $0x38;
	[tilespmem:$0x1EE00] =	vst v63  }
0x48a: {  	s11 =	smov.u32 s0;
	s0 =	smov.u32 s10  }
0x48b: {  	s13 =	sadd.s32 $0x1100, s10;
	s0 =	sshra.s32 s0, $0x2;
	s12 =	sadd.s32 $0x1AA00, s11  }
0x48c: {  	[hbm4b:s8+s3] =	stream.linear.scatter [tilespmem:s12], [sflag:$0x9], $0x80, $0x38;
	[tilespmem:$0x1EE00] =	vst v63  }
0x48d: {  	p2 =	sne.s32 s10, $0x7700;
	s10 =	sadd.s32 $0x1AA88, s11;
	s12 =	sadd.s32 $0x10, s8  }
0x48e: {  	[hbm4b:s12+s3] =	stream.linear.scatter [tilespmem:s10], [sflag:$0x9], $0x80, $0x38;
	[tilespmem:$0x1EE00] =	vst v63  }
0x48f: {  	s10 =	sadd.s32 $0x1AB10, s11;
	s12 =	sadd.s32 $0x20, s8  }
0x490: {  	[hbm4b:s12+s3] =	stream.linear.scatter [tilespmem:s10], [sflag:$0x9], $0x80, $0x38;
	[tilespmem:$0x1EE00] =	vst v63  }
0x491: {  	s10 =	sadd.s32 $0x1AB98, s11;
	s12 =	sadd.s32 $0x30, s8  }
0x492: {  	[hbm4b:s12+s3] =	stream.linear.scatter [tilespmem:s10], [sflag:$0x9], $0x80, $0x38;
	[tilespmem:$0x1EE00] =	vst v63  }
0x493: {  	s10 =	sadd.s32 $0x1AC20, s11;
	s12 =	sadd.s32 $0x40, s8  }
0x494: {  	[hbm4b:s12+s3] =	stream.linear.scatter [tilespmem:s10], [sflag:$0x9], $0x80, $0x38;
	[tilespmem:$0x1EE00] =	vst v63  }
.Ltmp12:
0x495: {  	s10 =	sadd.s32 $0x1ACA8, s11;
	s12 =	sadd.s32 $0x50, s8;
	(pc) =	sbr.rel @p2 .LBB2_21-.Ltmp12, $4  }
0x496: {  	[hbm4b:s12+s3] =	stream.linear.scatter [tilespmem:s10], [sflag:$0x9], $0x80, $0x38;
	[tilespmem:$0x1EE00] =	vst v63  }
0x497: {  	s10 =	sadd.s32 $0x1AD30, s11;
	s12 =	sadd.s32 $0x60, s8;
	s11 =	sadd.s32 $0x1ADB8, s11  }
0x498: {  	[hbm4b:s12+s3] =	stream.linear.scatter [tilespmem:s10], [sflag:$0x9], $0x80, $0x38;
	[tilespmem:$0x1EE00] =	vst v63  }
0x499: {  	s12 =	sadd.s32 $0x70, s8;
	s8 =	sadd.s32 $0x1000, s8;
	s10 =	smov.u32 s13  }
0x49a: {  	[hbm4b:s12+s3] =	stream.linear.scatter [tilespmem:s11], [sflag:$0x9], $0x80, $0x38;
	[tilespmem:$0x1EE00] =	vst v63  }
0x49b: {  	s10 =	sadd.s32 $0x1AA00, s0  }
0x49c: {  	[hbm4b:s8+s3] =	stream.linear.scatter [tilespmem:s10], [sflag:$0x9], $0x80, $0x38;
	[tilespmem:$0x1EE00] =	vst v63  }
0x49d: {  	s13 =	sadd.s32 $0x1AA88, s0;
	s15 =	sadd.s32 $0x10, s8  }
0x49e: {  	[hbm4b:s15+s3] =	stream.linear.scatter [tilespmem:s13], [sflag:$0x9], $0x80, $0x38;
	[tilespmem:$0x1EE00] =	vst v63  }
0x49f: {  	s16 =	sadd.s32 $0x1AB10, s0;
	s17 =	sadd.s32 $0x20, s8  }
0x4a0: {  	[hbm4b:s17+s3] =	stream.linear.scatter [tilespmem:s16], [sflag:$0x9], $0x80, $0x38;
	[tilespmem:$0x1EE00] =	vst v63  }
0x4a1: {  	s20 =	sadd.s32 $0x1AB98, s0;
	s23 =	sadd.s32 $0x30, s8  }
0x4a2: {  	[hbm4b:s23+s3] =	stream.linear.scatter [tilespmem:s20], [sflag:$0x9], $0x80, $0x38;
	[tilespmem:$0x1EE00] =	vst v63  }
0x4a3: {  	s11 =	sadd.s32 $0x1AC20, s0;
	s12 =	sadd.s32 $0x40, s8  }
0x4a4: {  	[hbm4b:s12+s3] =	stream.linear.scatter [tilespmem:s11], [sflag:$0x9], $0x80, $0x38;
	[tilespmem:$0x1EE00] =	vst v63  }
0x4a5: {  	v28 =	vld [tilespmem:$0x1FEB0];
	s13 =	sadd.s32 $0x1ACA8, s0;
	s15 =	sadd.s32 $0x50, s8  }
0x4a6: {  	v30 =	vld [tilespmem:$0x1FF30];
	[hbm4b:s15+s3] =	stream.linear.scatter [tilespmem:s13], [sflag:$0x9], $0x80, $0x38  }
.Ltmp13:
0x4a7: {  	v34 =	vld [tilespmem:$0x1FE00];
	(pc) =	sbr.rel @p1 .LBB2_24-.Ltmp13, $4  }
0x4a8: {  	v35 =	vld [tilespmem:$0x1FF60];
	s16 =	sadd.s32 $0x1AD30, s0;
	s17 =	sadd.s32 $0x60, s8  }
0x4a9: {  	v60 =	vld [tilespmem:$0x1FE20];
	[hbm4b:s17+s3] =	stream.linear.scatter [tilespmem:s16], [sflag:$0x9], $0x80, $0x38  }
0x4aa: {  	v58 =	vld [tilespmem:$0x1FFB0];
	s20 =	sadd.s32 $0x1ADB8, s0;
	s23 =	sadd.s32 $0x70, s8  }
0x4ab: {  	v33 =	vld [tilespmem:$0x1FE30];
	[hbm4b:s23+s3] =	stream.linear.scatter [tilespmem:s20], [sflag:$0x9], $0x80, $0x38  }
.Ltmp14:
0x4ac: {  	(pc) =	sbr.rel .LBB2_25-.Ltmp14, $4  }
0x4ad: {  	_ = 	snop  }
0x4ae: {  	_ =	swait.ge [sflag:s30], $0x2000  }
0x4af: {  	[sflag:s30] =	ssyncset.done $0x0  }
0x4b0: {  	[sflag:s30] =	ssyncadd.s32 $0xFFFFE000  }
.LBB2_24:
0x4b1: {  	s0 =	smul.u32 $0xA00, s5;
	_ =	sdelay $0x1  }
0x4b2: {  	s0 =	sshra.s32 s0, $0x2  }
.Ltmp15:
0x4b3: {  	s8 =	simm.s32 $0xC400;
	s0 =	sadd.s32 $0x300, s0;
	(pc) =	sbr.rel @p0 .LBB2_26-.Ltmp15, $4  }
0x4b4: {  	[tilespmem:s8], [sflag:$0x2] =	stream.indirect.gather [hbm4b:s4+s9], $0x40, s0, s9, $0xb8;
	[tilespmem:$0x1EE00] =	vst v63  }
0x4b5: {  	_ =	swait.ge [sflag:s30], $0x2000  }
0x4b6: {  	[sflag:s30] =	ssyncset.done $0x0  }
0x4b7: {  	[sflag:s30] =	ssyncadd.s32 $0xFFFFE000  }
.LBB2_25:
0x4b8: {  	_ =	swait.ge [sflag:s31], $0x2000  }
0x4b9: {  	[sflag:s31] =	ssyncset.done $0x0  }
0x4ba: {  	[sflag:s31] =	ssyncadd.s32 $0xFFFFE000  }
.LBB2_26:
0x4bb: {  	v1 =	vld [tilespmem:$0x1FDE0]  }
0x4bc: {  	v2 =	vld [tilespmem:$0x1FDC0]  }
0x4bd: {  	v3 =	vld [tilespmem:$0x1FDD0]  }
0x4be: {  	v0 =	vmov s6;
	v4 =	vld [tilespmem:$0x1FDF0]  }
0x4bf: {  	v0 =	vand.u32 $0x3FF, v0  }
0x4c0: {  	v1 =	vadd.s32 v1, v0  }
0x4c1: {  	v2 =	vadd.s32 v2, v0  }
0x4c2: {  	v3 =	vadd.s32 v3, v0  }
0x4c3: {  	v50 =	vld [tilespmem:$0x1FE70];
	v0 =	vadd.s32 v4, v0  }
0x4c4: {  	v51 =	vld [tilespmem:$0x1FEA0]  }
0x4c5: {  	s20 =	simm.s32 $0x1;
	v40 =	vld.idx.msk [tilespmem:v1+s14+$0x0], $0xffff  }
0x4c6: {  	s17 =	simm.s32 $0x4;
	s11 =	simm.s32 $0x2;
	v7 =	vmov s20;
	v39 =	vld.idx.msk [tilespmem:v2+s14+$0x0], $0xffff  }
0x4c7: {  	s8 =	simm.s32 $0x7;
	v7 =	vshrl.u32 v7, $0x3;
	v2 =	vmov s17;
	v38 =	vld.idx.msk [tilespmem:v3+s14+$0x0], $0xffff;
	v3 =	vmov s11  }
0x4c8: {  	v1 =	vmov s8;
	v37 =	vld.idx.msk [tilespmem:v0+s14+$0x0], $0xffff;
	v2 =	vshrl.u32 v2, $0x3;
	v0 =	vshrl.u32 v3, $0x3  }
0x4c9: {  	s23 =	simm.s32 $0x3;
	v3 =	vshll.u32 v7, v5;
	v2 =	vshll.u32 v2, v5;
	v7 =	vshll.u32 v0, v5  }
0x4ca: {  	v57 =	vld [tilespmem:$0x1FEF0];
	s8 =	simm.s32 $0x12500;
	v3 =	vbroadcast v3, $0x0;
	v0 =	vbroadcast v2, $0x0;
	v2 =	vmov s23  }
0x4cb: {  	v9 =	vld [tilespmem:s8+$0xFFFFFF40];
	v10 =	vshrl.u32 v1, $0x3;
	v1 =	vshrl.u32 v2, $0x3  }
0x4cc: {  	v8 =	vld [tilespmem:s8+$0x0];
	v11 =	vshll.u32 v1, v5;
	v1 =	vadd.s32 v51, v3  }
0x4cd: {  	s0 =	simm.s32 $0x0;
	s10 =	simm.s32 $0x5;
	v41 =	vbroadcast v7, $0x0;
	v2 =	vld [tilespmem:s8+$0xFFFFFF80];
	v12 =	vadd.s32 v50, v3;
	[tilespmem:$0x1FBB0] =	vst v1  }
0x4ce: {  	v6 =	vmov s10;
	v4 =	vmov s0;
	v7 =	vadd.s32 v30, v0;
	v13 =	vld [tilespmem:s8+$0xFFFFFFC0]  }
0x4cf: {  	s10 =	simm.s32 $0x6;
	v4 =	vshrl.u32 v4, $0x3;
	v14 =	vadd.s32 v28, v41;
	v54 =	vbroadcast v11, $0x0;
	v11 =	vld [tilespmem:s8+$0xFFFFFF00]  }
0x4d0: {  	v16 =	vmov s10;
	v19 =	vshll.u32 v4, v5;
	v4 =	vadd.f32 v9, v40;
	v15 =	vld [tilespmem:s8+$0xC0]  }
0x4d1: {  	v6 =	vshrl.u32 v6, $0x3;
	v8 =	vadd.f32 v8, v40;
	v18 =	vld [tilespmem:s8+$0x80];
	v17 =	vadd.s32 v57, v54  }
0x4d2: {  	v6 =	vshll.u32 v6, v5;
	v9 =	vshrl.u32 v16, $0x3;
	v16 =	vld [tilespmem:s8+$0x40];
	v2 =	vadd.f32 v2, v40;
	[tilespmem:v12+s1+$0x0] =	vst.idx.msk $0xffff, v4  }
0x4d3: {  	[tilespmem:v7+s1+$0x0] =	vst.idx.msk $0xffff, v8;
	v8 =	vbroadcast v6, $0x0;
	v6 =	vld [tilespmem:s8+$0xFFFFFF50]  }
0x4d4: {  	v7 =	vld [tilespmem:s8+$0x10];
	[tilespmem:v14+s1+$0x0] =	vst.idx.msk $0xffff, v2;
	v4 =	vadd.f32 v13, v40  }
0x4d5: {  	v9 =	vshll.u32 v9, v5;
	v63 =	vld [tilespmem:$0x1FE80]  }
0x4d6: {  	v55 =	vbroadcast v9, $0x0;
	v9 =	vld [tilespmem:s8+$0xFFFFFF90];
	[tilespmem:v17+s1+$0x0] =	vst.idx.msk $0xffff, v4  }
0x4d7: {  	v29 =	vld [tilespmem:$0x1FEC0]  }
0x4d8: {  	v17 =	vld [tilespmem:s8+$0xFFFFFFD0]  }
0x4d9: {  	v31 =	vld [tilespmem:$0x1FF10]  }
0x4da: {  	v10 =	vshll.u32 v10, v5;
	v43 =	vld [tilespmem:$0x1FF70]  }
0x4db: {  	v2 =	vbroadcast v10, $0x0;
	v4 =	vld [tilespmem:$0x1FF80]  }
0x4dc: {  	v56 =	vbroadcast v19, $0x0;
	v36 =	vld [tilespmem:$0x1FF00];
	v19 =	vadd.s32 v29, v41  }
0x4dd: {  	s13 =	simm.s32 $0xF;
	v53 =	vadd.s32 v33, v2;
	v25 =	vld [tilespmem:$0x1FF50]  }
0x4de: {  	v44 =	vmov s13;
	v62 =	vadd.s32 v27, v56;
	v26 =	vld [tilespmem:$0x1FE90];
	[tilespmem:$0x1FBC0] =	vst v53;
	v1 =	vadd.s32 v31, v54  }
0x4df: {  	v22 =	vadd.f32 v6, v39;
	v59 =	vld [tilespmem:$0x1FFD0];
	v6 =	vadd.f32 v9, v39;
	v43 =	vadd.s32 v43, v8;
	[tilespmem:$0x1FBD0] =	vst v1  }
0x4e0: {  	s11 =	simm.s32 $0x8;
	v10 =	vadd.s32 v60, v55;
	v14 =	vadd.s32 v34, v0;
	v11 =	vadd.f32 v11, v40;
	v9 =	vld [tilespmem:$0x1FFC0];
	[tilespmem:$0x1FBF0] =	vst v43  }
0x4e1: {  	s0 =	simm.s32 $0x12700;
	v47 =	vmov s11;
	v12 =	vadd.f32 v15, v40;
	v1 =	vld [tilespmem:$0x1FE50];
	[tilespmem:v19+s1+$0x0] =	vst.idx.msk $0xffff, v6;
	v6 =	vadd.s32 v61, v55  }
0x4e2: {  	v15 =	vadd.s32 v35, v8;
	v16 =	vadd.f32 v16, v40;
	v46 =	vld [tilespmem:s0+$0xFFFFFF40];
	[tilespmem:$0x1FBE0] =	vst v6;
	v6 =	vadd.s32 v42, v56  }
0x4e3: {  	v18 =	vadd.f32 v18, v40;
	v20 =	vadd.s32 v58, v2;
	v13 =	vadd.s32 v63, v3;
	[tilespmem:$0x1FC00] =	vst v6  }
0x4e4: {  	v7 =	vadd.f32 v7, v39;
	v23 =	vadd.s32 v4, v55;
	v27 =	vadd.s32 v25, v8;
	v61 =	vld [tilespmem:s8+$0xFFFFFFA0]  }
0x4e5: {  	v24 =	vadd.s32 v36, v54;
	v17 =	vadd.f32 v17, v39;
	v45 =	vadd.s32 v59, v41;
	v59 =	vld [tilespmem:s0+$0x80]  }
0x4e6: {  	s12 =	simm.s32 $0x9;
	s16 =	simm.s32 $0xA;
	v3 =	vadd.s32 v26, v3;
	v32 =	vadd.s32 v9, v2;
	v19 =	vadd.s32 v52, v0;
	v48 =	vld [tilespmem:s0+$0xFFFFFF80]  }
0x4e7: {  	s15 =	simm.s32 $0xC;
	v52 =	vmov s12;
	v21 =	vadd.s32 v1, v56;
	[tilespmem:v10+s1+$0x0] =	vst.idx.msk $0xffff, v18;
	v18 =	vmov s16;
	v53 =	vld [tilespmem:s0+$0x0]  }
0x4e8: {  	v43 =	vshrl.u32 v52, $0x3;
	v10 =	vmov s15;
	[tilespmem:v13+s1+$0x0] =	vst.idx.msk $0xffff, v22;
	v18 =	vshrl.u32 v18, $0x3;
	v49 =	vld [tilespmem:s8+$0x90]  }
0x4e9: {  	v22 =	vshll.u32 v43, v5;
	[tilespmem:v27+s1+$0x0] =	vst.idx.msk $0xffff, v16;
	v10 =	vshrl.u32 v10, $0x3;
	v16 =	vshll.u32 v18, v5;
	v18 =	vld [tilespmem:s8+$0xFFFFFF60]  }
0x4ea: {  	[tilespmem:v24+s1+$0x0] =	vst.idx.msk $0xffff, v17;
	v17 =	vshrl.u32 v47, $0x3;
	v47 =	vld [tilespmem:s0+$0xC0];
	v22 =	vbroadcast v22, $0x0;
	v10 =	vshll.u32 v10, v5  }
0x4eb: {  	[tilespmem:v14+s1+$0x0] =	vst.idx.msk $0xffff, v7;
	v7 =	vld [tilespmem:s8+$0x50];
	v43 =	vbroadcast v16, $0x0;
	v16 =	vshrl.u32 v44, $0x3;
	v44 =	vbroadcast v10, $0x0  }
0x4ec: {  	[tilespmem:v20+s1+$0x0] =	vst.idx.msk $0xffff, v12;
	v27 =	vadd.s32 v50, v22;
	v10 =	vld [tilespmem:s0+$0xFFFFFF00];
	v14 =	vadd.f32 v61, v38  }
0x4ed: {  	v50 =	vld [tilespmem:s0+$0xFFFFFFC0];
	[tilespmem:v21+s1+$0x0] =	vst.idx.msk $0xffff, v11;
	v12 =	vadd.s32 v30, v44;
	v20 =	vadd.f32 v49, v39  }
0x4ee: {  	s20 =	simm.s32 $0xB;
	s23 =	simm.s32 $0xE;
	v21 =	vld [tilespmem:s8+$0xFFFFFF10];
	v24 =	vadd.s32 v28, v43;
	[tilespmem:v45+s1+$0x0] =	vst.idx.msk $0xffff, v14;
	v18 =	vadd.f32 v18, v38  }
0x4ef: {  	v61 =	vmov s20;
	v11 =	vadd.f32 v48, v40;
	v14 =	vld [tilespmem:s0+$0x40];
	[tilespmem:v23+s1+$0x0] =	vst.idx.msk $0xffff, v20;
	v20 =	vmov s23  }
0x4f0: {  	v49 =	vadd.f32 v46, v40;
	v23 =	vld [tilespmem:s8+$0xD0];
	[tilespmem:v3+s1+$0x0] =	vst.idx.msk $0xffff, v18;
	v18 =	vadd.f32 v53, v40;
	v20 =	vshrl.u32 v20, $0x3  }
0x4f1: {  	v45 =	vshrl.u32 v61, $0x3;
	v52 =	vadd.f32 v10, v40;
	v3 =	vld [tilespmem:s8+$0x20];
	v10 =	vshll.u32 v20, v5  }
0x4f2: {  	v61 =	vld [tilespmem:s8+$0xFFFFFFB0];
	v20 =	vshll.u32 v45, v5;
	[tilespmem:v12+s1+$0x0] =	vst.idx.msk $0xffff, v18;
	v12 =	vadd.s32 v63, v22  }
0x4f3: {  	v53 =	vadd.f32 v47, v40;
	v45 =	vbroadcast v10, $0x0;
	v47 =	vbroadcast v20, $0x0;
	v10 =	vld [tilespmem:s8+$0xFFFFFF70];
	[tilespmem:$0x1FC10] =	vst v12  }
0x4f4: {  	v7 =	vadd.f32 v7, v39;
	[tilespmem:v24+s1+$0x0] =	vst.idx.msk $0xffff, v11  }
0x4f5: {  	v11 =	vadd.f32 v23, v39;
	[tilespmem:v27+s1+$0x0] =	vst.idx.msk $0xffff, v49;
	v12 =	vadd.s32 v57, v47  }
0x4f6: {  	[tilespmem:v15+s1+$0x0] =	vst.idx.msk $0xffff, v7;
	v3 =	vadd.f32 v3, v38  }
0x4f7: {  	v16 =	vshll.u32 v16, v5;
	v7 =	vadd.f32 v21, v39;
	[tilespmem:v32+s1+$0x0] =	vst.idx.msk $0xffff, v11  }
0x4f8: {  	v49 =	vbroadcast v16, $0x0;
	v16 =	vadd.f32 v50, v40;
	v23 =	vld [tilespmem:$0x1FF40];
	[tilespmem:v19+s1+$0x0] =	vst.idx.msk $0xffff, v3  }
0x4f9: {  	[tilespmem:v62+s1+$0x0] =	vst.idx.msk $0xffff, v7  }
0x4fa: {  	[tilespmem:v12+s1+$0x0] =	vst.idx.msk $0xffff, v16  }
0x4fb: {  	v6 =	vld [tilespmem:$0x1FBB0];
	_ =	sdelay $0x5  }
0x4fc: {  	v10 =	vadd.f32 v10, v37;
	_ =	sdelay $0x1  }
0x4fd: {  	v21 =	vadd.s32 v23, v0;
	v0 =	vld [tilespmem:$0x1FE10];
	[tilespmem:v6+s1+$0x0] =	vst.idx.msk $0xffff, v10  }
0x4fe: {  	v6 =	vld [tilespmem:$0x1FBC0]  }
0x4ff: {  	v15 =	vld [tilespmem:s8+$0xE0];
	_ =	sdelay $0x4  }
0x500: {  	v15 =	vadd.f32 v15, v38;
	_ =	sdelay $0x1  }
0x501: {  	[tilespmem:v6+s1+$0x0] =	vst.idx.msk $0xffff, v15  }
0x502: {  	v6 =	vld [tilespmem:$0x1FBD0]  }
0x503: {  	v20 =	vld [tilespmem:s8+$0xFFFFFFE0];
	_ =	sdelay $0x2  }
0x504: {  	s17 =	simm.s32 $0xD  }
0x505: {  	v13 =	vmov s17;
	v17 =	vshll.u32 v17, v5  }
0x506: {  	v13 =	vshrl.u32 v13, $0x3;
	v48 =	vbroadcast v17, $0x0;
	v17 =	vadd.f32 v20, v38  }
0x507: {  	v13 =	vshll.u32 v13, v5  }
0x508: {  	v46 =	vbroadcast v13, $0x0;
	v13 =	vld [tilespmem:s8+$0xA0];
	[tilespmem:v6+s1+$0x0] =	vst.idx.msk $0xffff, v17  }
0x509: {  	v6 =	vld [tilespmem:$0x1FBE0]  }
0x50a: {  	v18 =	vld [tilespmem:s0+$0x10];
	_ =	sdelay $0x4  }
0x50b: {  	v0 =	vadd.s32 v0, v8;
	v8 =	vadd.f32 v18, v39;
	v18 =	vadd.f32 v13, v38;
	_ =	sdelay $0x1  }
0x50c: {  	v27 =	vld [tilespmem:$0x1FF20];
	[tilespmem:v6+s1+$0x0] =	vst.idx.msk $0xffff, v18  }
0x50d: {  	v6 =	vld [tilespmem:$0x1FE40];
	_ =	sdelay $0x4  }
0x50e: {  	v15 =	vadd.s32 v6, v2;
	v2 =	vld [tilespmem:$0x1FBF0]  }
0x50f: {  	v16 =	vld [tilespmem:s8+$0x60];
	_ =	sdelay $0x4  }
0x510: {  	v16 =	vadd.f32 v16, v38;
	_ =	sdelay $0x1  }
0x511: {  	v3 =	vadd.f32 v14, v40;
	v14 =	vld [tilespmem:s8+$0x30];
	[tilespmem:v2+s1+$0x0] =	vst.idx.msk $0xffff, v16  }
0x512: {  	v2 =	vld [tilespmem:$0x1FFA0];
	_ =	sdelay $0x4  }
0x513: {  	v11 =	vadd.s32 v34, v44;
	v20 =	vadd.f32 v14, v37;
	v14 =	vadd.s32 v2, v55;
	v2 =	vld [tilespmem:$0x1FE60];
	_ =	sdelay $0x2  }
0x514: {  	v42 =	vadd.s32 v51, v22  }
0x515: {  	v51 =	vadd.s32 v35, v46;
	v63 =	vadd.s32 v60, v45;
	[tilespmem:v21+s1+$0x0] =	vst.idx.msk $0xffff, v20  }
0x516: {  	v35 =	vmov v9;
	v60 =	vadd.s32 v9, v49;
	v9 =	vadd.s32 v2, v56;
	v2 =	vld [tilespmem:$0x1FED0];
	[tilespmem:v11+s1+$0x0] =	vst.idx.msk $0xffff, v8  }
0x517: {  	v6 =	vld [tilespmem:$0x1FF70];
	_ =	sdelay $0x4  }
0x518: {  	v50 =	vadd.s32 v31, v47;
	v13 =	vadd.s32 v27, v54;
	v31 =	vmovc v6;
	v54 =	vadd.s32 v6, v46;
	v6 =	vld [tilespmem:$0x1FC00]  }
0x519: {  	v24 =	vld [tilespmem:s8+$0xFFFFFF20];
	_ =	sdelay $0x4  }
0x51a: {  	v24 =	vadd.f32 v24, v38;
	_ =	sdelay $0x1  }
0x51b: {  	[tilespmem:v6+s1+$0x0] =	vst.idx.msk $0xffff, v24  }
0x51c: {  	v8 =	vld [tilespmem:$0x1FC10]  }
0x51d: {  	v19 =	vld [tilespmem:s0+$0xFFFFFF50];
	_ =	sdelay $0x4  }
0x51e: {  	v23 =	vadd.f32 v19, v39;
	v19 =	vld [tilespmem:s0+$0xFFFFFFD0]  }
0x51f: {  	v10 =	vld [tilespmem:s0+$0xFFFFFF90]  }
0x520: {  	v7 =	vadd.s32 v29, v43;
	v29 =	vmov v33;
	v17 =	vld [tilespmem:s8+$0xF0];
	[tilespmem:v8+s1+$0x0] =	vst.idx.msk $0xffff, v23  }
0x521: {  	v8 =	vld [tilespmem:$0x1FFD0]  }
0x522: {  	v62 =	vadd.s32 v4, v45;
	v11 =	vld [tilespmem:$0x1FF90]  }
0x523: {  	v4 =	vadd.s32 v36, v47;
	v36 =	vmovc v28;
	v28 =	vmovc v29;
	v56 =	vadd.s32 v29, v49;
	v29 =	vmov v34;
	v34 =	vld [tilespmem:$0x1FEE0]  }
0x524: {  	v57 =	vadd.s32 v58, v49;
	v18 =	vadd.f32 v10, v39;
	v10 =	vadd.f32 v19, v39;
	v19 =	vld [tilespmem:s8+$0xFFFFFFF0]  }
0x525: {  	v32 =	vmovc v26;
	v12 =	vadd.f32 v59, v40;
	v59 =	vadd.s32 v1, v48;
	v1 =	vadd.f32 v61, v37;
	v16 =	vld [tilespmem:s8+$0xB0]  }
0x526: {  	v33 =	vmovc v25;
	v20 =	vadd.s32 v25, v46;
	v21 =	vadd.f32 v17, v37;
	v58 =	vadd.s32 v2, v48;
	v6 =	vld [tilespmem:s8+$0x70]  }
0x527: {  	s10 =	simm.s32 $0x10;
	s11 =	simm.s32 $0x12900;
	v2 =	vadd.s32 v26, v22;
	v17 =	vld [tilespmem:s8+$0xFFFFFF30];
	v30 =	vmovc v8;
	v8 =	vadd.s32 v8, v43;
	v55 =	vadd.s32 v11, v45  }
.LBB2_27:
0x528: {  	v26 =	vadd.s32 v34, v41  }
0x529: {  	[tilespmem:v7+s1+$0x0] =	vst.idx.msk $0xffff, v18  }
0x52a: {  	s13 =	smov.u32 s10;
	[tilespmem:v63+s1+$0x0] =	vst.idx.msk $0xffff, v12;
	v25 =	vld [tilespmem:s0+$0xFFFFFFA0]  }
0x52b: {  	s17 =	sadd.s32 $0x2, s13;
	[tilespmem:v15+s1+$0x0] =	vst.idx.msk $0xffff, v21;
	v27 =	vld [tilespmem:s11+$0xFFFFFF80]  }
0x52c: {  	[tilespmem:v20+s1+$0x0] =	vst.idx.msk $0xffff, v3;
	v12 =	vld [tilespmem:s11+$0x80];
	v21 =	vmov s17;
	v7 =	vadd.f32 v19, v37  }
0x52d: {  	s23 =	sadd.s32 $0x1, s13;
	v3 =	vadd.f32 v16, v37;
	v16 =	vshrl.u32 v21, $0x3;
	[tilespmem:v26+s1+$0x0] =	vst.idx.msk $0xffff, v1;
	v1 =	vld [tilespmem:$0x1FE70]  }
0x52e: {  	v15 =	vmov s23;
	[tilespmem:v13+s1+$0x0] =	vst.idx.msk $0xffff, v7;
	v13 =	vshll.u32 v16, v5;
	v16 =	vld [tilespmem:s0+$0x90]  }
0x52f: {  	v15 =	vshrl.u32 v15, $0x3;
	[tilespmem:v14+s1+$0x0] =	vst.idx.msk $0xffff, v3;
	v14 =	vld [tilespmem:s0+$0xFFFFFF60]  }
0x530: {  	v11 =	vld [tilespmem:$0x1FFF0];
	v7 =	vadd.f32 v6, v37;
	v6 =	vshll.u32 v15, v5  }
0x531: {  	v22 =	vld [tilespmem:s11+$0xFFFFFF40];
	v6 =	vbroadcast v6, $0x0;
	_ =	sdelay $0x1  }
0x532: {  	v20 =	vld [tilespmem:s0+$0x50];
	[tilespmem:v0+s1+$0x0] =	vst.idx.msk $0xffff, v7;
	v7 =	vadd.f32 v25, v38;
	v1 =	vadd.s32 v1, v6  }
0x533: {  	[tilespmem:v4+s1+$0x0] =	vst.idx.msk $0xffff, v10;
	v14 =	vadd.f32 v14, v38  }
0x534: {  	v61 =	vadd.s32 v11, v48;
	v11 =	vld [tilespmem:$0x1FFE0];
	[tilespmem:v8+s1+$0x0] =	vst.idx.msk $0xffff, v7  }
0x535: {  	v4 =	vld [tilespmem:$0x1FF30];
	v7 =	vadd.f32 v22, v40;
	[tilespmem:v2+s1+$0x0] =	vst.idx.msk $0xffff, v14  }
0x536: {  	v41 =	vmov v43;
	s15 =	sadd.s32 $0x4, s13;
	v17 =	vadd.f32 v17, v37;
	v43 =	vbroadcast v13, $0x0;
	v25 =	vld [tilespmem:s0+$0xFFFFFF70]  }
0x537: {  	s12 =	sadd.s32 $0x7, s10;
	v18 =	vmov s15;
	[tilespmem:v1+s1+$0x0] =	vst.idx.msk $0xffff, v7;
	v1 =	vld [tilespmem:$0x1FF40]  }
0x538: {  	v24 =	vmov s12;
	v3 =	vshrl.u32 v18, $0x3;
	v18 =	vld [tilespmem:s11+$0x0];
	[tilespmem:v9+s1+$0x0] =	vst.idx.msk $0xffff, v17;
	v21 =	vadd.s32 v36, v43  }
0x539: {  	v15 =	vshrl.u32 v24, $0x3;
	v9 =	vld [tilespmem:s11+$0xFFFFFF00];
	v0 =	vshll.u32 v3, v5  }
0x53a: {  	s16 =	sadd.s32 $0x5, s13;
	v10 =	vshll.u32 v15, v5;
	v15 =	vld [tilespmem:s0+$0x20];
	v0 =	vbroadcast v0, $0x0  }
0x53b: {  	v23 =	vmov s13;
	v19 =	vmov s16;
	v2 =	vld [tilespmem:s0+$0xFFFFFFB0];
	v14 =	vadd.f32 v27, v40  }
0x53c: {  	s8 =	sadd.s32 $0x6, s13;
	s13 =	sadd.s32 $0x3, s13;
	v17 =	vshrl.u32 v23, $0x3;
	v4 =	vadd.s32 v4, v0;
	v27 =	vadd.s32 v1, v44;
	v1 =	vld [tilespmem:$0x1FFB0]  }
0x53d: {  	v23 =	vmov s13;
	v11 =	vadd.s32 v11, v44;
	[tilespmem:v21+s1+$0x0] =	vst.idx.msk $0xffff, v14;
	v21 =	vadd.s32 v29, v0;
	v44 =	vmovc v0;
	v0 =	vld [tilespmem:$0x1FEF0]  }
0x53e: {  	v24 =	vld [tilespmem:s11+$0xC0];
	[tilespmem:v57+s1+$0x0] =	vst.idx.msk $0xffff, v53;
	v23 =	vshrl.u32 v23, $0x3;
	v16 =	vadd.f32 v16, v39;
	v9 =	vadd.f32 v9, v40  }
0x53f: {  	v19 =	vshrl.u32 v19, $0x3;
	[tilespmem:v59+s1+$0x0] =	vst.idx.msk $0xffff, v52;
	v23 =	vshll.u32 v23, v5;
	v18 =	vadd.f32 v18, v40  }
0x540: {  	v19 =	vshll.u32 v19, v5;
	v10 =	vbroadcast v10, $0x0;
	[tilespmem:v62+s1+$0x0] =	vst.idx.msk $0xffff, v16;
	v16 =	vld [tilespmem:s0+$0xD0];
	v52 =	vmovc v9;
	v9 =	vbroadcast v23, $0x0  }
0x541: {  	[tilespmem:v4+s1+$0x0] =	vst.idx.msk $0xffff, v18;
	v4 =	vbroadcast v19, $0x0;
	v19 =	vld [tilespmem:$0x1FE80]  }
0x542: {  	v57 =	vadd.s32 v1, v10;
	v1 =	vadd.f32 v15, v38;
	v15 =	vadd.s32 v0, v9;
	v0 =	vld [tilespmem:$0x1FF10];
	_ =	sdelay $0x2  }
0x543: {  	v16 =	vadd.f32 v16, v39  }
0x544: {  	v22 =	vmov s8;
	v53 =	vadd.f32 v24, v40;
	v24 =	vadd.s32 v19, v6;
	v19 =	vld [tilespmem:$0x1FE20]  }
0x545: {  	v22 =	vshrl.u32 v22, $0x3;
	[tilespmem:v60+s1+$0x0] =	vst.idx.msk $0xffff, v16;
	v16 =	vadd.s32 v0, v9;
	v0 =	vld [tilespmem:$0x1FEC0]  }
0x546: {  	v22 =	vshll.u32 v22, v5  }
0x547: {  	v26 =	vld [tilespmem:s0+$0xFFFFFF10];
	v22 =	vbroadcast v22, $0x0  }
0x548: {  	v3 =	vld [tilespmem:s11+$0x40]  }
0x549: {  	v63 =	vadd.s32 v19, v22;
	v19 =	vld [tilespmem:$0x1FF60]  }
0x54a: {  	v7 =	vadd.s32 v0, v43;
	v0 =	vld [tilespmem:$0x1FE10]  }
0x54b: {  	v8 =	vld [tilespmem:s11+$0xFFFFFFC0]  }
0x54c: {  	v23 =	vld [tilespmem:s0+$0xFFFFFFE0]  }
0x54d: {  	v18 =	vld [tilespmem:s0+$0xA0]  }
0x54e: {  	v14 =	vld [tilespmem:s11+$0x10]  }
0x54f: {  	v20 =	vadd.f32 v20, v39;
	v19 =	vadd.s32 v19, v4;
	v0 =	vadd.s32 v0, v46;
	v46 =	vmovc v4;
	v4 =	vld [tilespmem:$0x1FE50]  }
0x550: {  	v62 =	vld [tilespmem:s11+$0xFFFFFF50];
	[tilespmem:v11+s1+$0x0] =	vst.idx.msk $0xffff, v1;
	v1 =	vadd.f32 v26, v39  }
0x551: {  	v17 =	vshll.u32 v17, v5;
	[tilespmem:v51+s1+$0x0] =	vst.idx.msk $0xffff, v20;
	v20 =	vld [tilespmem:s0+$0xE0]  }
0x552: {  	v17 =	vbroadcast v17, $0x0;
	v11 =	vld [tilespmem:s0+$0x60];
	[tilespmem:v58+s1+$0x0] =	vst.idx.msk $0xffff, v1;
	v1 =	vadd.f32 v2, v37;
	v2 =	vadd.f32 v18, v38  }
0x553: {  	v8 =	vadd.f32 v8, v40;
	v26 =	vadd.f32 v14, v39;
	v14 =	vld [tilespmem:s11+$0xFFFFFF90]  }
0x554: {  	[tilespmem:v55+s1+$0x0] =	vst.idx.msk $0xffff, v2;
	v2 =	vld [tilespmem:$0x1FE40];
	v59 =	vadd.s32 v4, v17;
	v4 =	vadd.f32 v25, v37  }
0x555: {  	[tilespmem:v15+s1+$0x0] =	vst.idx.msk $0xffff, v8;
	v8 =	vld [tilespmem:s0+$0xFFFFFF20]  }
0x556: {  	[tilespmem:v42+s1+$0x0] =	vst.idx.msk $0xffff, v4;
	v4 =	vld [tilespmem:$0x1FF80]  }
0x557: {  	v18 =	vadd.f32 v20, v38;
	v15 =	vadd.f32 v23, v38;
	v20 =	vld [tilespmem:s11+$0xFFFFFFD0]  }
0x558: {  	v51 =	vmov v19;
	v19 =	vld [tilespmem:s0+$0x30]  }
0x559: {  	[tilespmem:v50+s1+$0x0] =	vst.idx.msk $0xffff, v15;
	v15 =	vadd.s32 v2, v49;
	v2 =	vld [tilespmem:$0x1FFA0]  }
0x55a: {  	v13 =	vld [tilespmem:$0x1FEA0];
	v23 =	vadd.f32 v62, v39  }
0x55b: {  	[tilespmem:v56+s1+$0x0] =	vst.idx.msk $0xffff, v18;
	v8 =	vadd.f32 v8, v38;
	v62 =	vadd.s32 v4, v22;
	v4 =	vld [tilespmem:$0x1FF20]  }
0x55c: {  	v56 =	vld [tilespmem:s0+$0xF0]  }
0x55d: {  	v12 =	vadd.f32 v12, v40;
	[tilespmem:v61+s1+$0x0] =	vst.idx.msk $0xffff, v8;
	v61 =	vld [tilespmem:$0x1FF90];
	v25 =	vadd.f32 v19, v37  }
0x55e: {  	v11 =	vadd.f32 v11, v38;
	v18 =	vadd.f32 v14, v39;
	v14 =	vadd.s32 v2, v45;
	v2 =	vld [tilespmem:$0x1FE60]  }
0x55f: {  	v13 =	vadd.s32 v13, v6;
	v3 =	vadd.f32 v3, v40;
	[tilespmem:v27+s1+$0x0] =	vst.idx.msk $0xffff, v25;
	v27 =	vld [tilespmem:$0x1FED0]  }
0x560: {  	p0 =	slt.u32 s10, $0x78;
	[tilespmem:v54+s1+$0x0] =	vst.idx.msk $0xffff, v11;
	v49 =	vmov v10;
	v42 =	vmov v13;
	v13 =	vadd.s32 v4, v47;
	v4 =	vld [tilespmem:$0x1FF00]  }
.Ltmp16:
0x561: {  	v10 =	vadd.f32 v20, v39;
	v60 =	vadd.s32 v35, v49;
	v8 =	vadd.s32 v30, v43;
	v45 =	vmovc v22;
	(pc) =	sbr.rel @p0 .LBB2_27-.Ltmp16, $4  }
0x562: {  	v50 =	vmovc v16;
	v16 =	vld [tilespmem:s0+$0xB0];
	v20 =	vadd.s32 v33, v46;
	v54 =	vadd.s32 v31, v46;
	v55 =	vadd.s32 v61, v45  }
0x563: {  	v19 =	vld [tilespmem:s0+$0xFFFFFFF0];
	[tilespmem:v21+s1+$0x0] =	vst.idx.msk $0xffff, v26;
	v21 =	vadd.f32 v56, v37;
	v56 =	vadd.s32 v28, v49  }
0x564: {  	v47 =	vmovc v9;
	v9 =	vadd.s32 v2, v48;
	v48 =	vmov v17;
	v2 =	vadd.s32 v32, v6;
	v6 =	vld [tilespmem:s0+$0x70]  }
0x565: {  	s10 =	sadd.s32 $0x8, s10;
	[tilespmem:v24+s1+$0x0] =	vst.idx.msk $0xffff, v23;
	v17 =	vld [tilespmem:s0+$0xFFFFFF30];
	s0 =	smov.u32 s11;
	s11 =	sadd.s32 $0x200, s11;
	v58 =	vadd.s32 v27, v48;
	v4 =	vadd.s32 v4, v47  }
0x566: {  	_ =	sdelay $0x3  }
0x567: {  	[tilespmem:v63+s1+$0x0] =	vst.idx.msk $0xffff, v12  }
0x568: {  	[tilespmem:v7+s1+$0x0] =	vst.idx.msk $0xffff, v18  }
0x569: {  	[tilespmem:v57+s1+$0x0] =	vst.idx.msk $0xffff, v53  }
0x56a: {  	[tilespmem:v15+s1+$0x0] =	vst.idx.msk $0xffff, v21  }
0x56b: {  	[tilespmem:v20+s1+$0x0] =	vst.idx.msk $0xffff, v3  }
0x56c: {  	[tilespmem:v59+s1+$0x0] =	vst.idx.msk $0xffff, v52;
	v11 =	vld [tilespmem:s0+$0xD0]  }
0x56d: {  	v3 =	vadd.f32 v16, v37;
	v7 =	vadd.f32 v19, v37;
	v19 =	vadd.s32 v34, v41  }
0x56e: {  	[tilespmem:v4+s1+$0x0] =	vst.idx.msk $0xffff, v10  }
0x56f: {  	v6 =	vadd.f32 v6, v37;
	[tilespmem:v14+s1+$0x0] =	vst.idx.msk $0xffff, v3  }
0x570: {  	[tilespmem:v13+s1+$0x0] =	vst.idx.msk $0xffff, v7  }
0x571: {  	[tilespmem:v0+s1+$0x0] =	vst.idx.msk $0xffff, v6;
	v3 =	vadd.f32 v11, v39  }
0x572: {  	v7 =	vld [tilespmem:s0+$0x90];
	[tilespmem:v19+s1+$0x0] =	vst.idx.msk $0xffff, v1  }
0x573: {  	v21 =	vld [tilespmem:s0+$0x50];
	[tilespmem:v60+s1+$0x0] =	vst.idx.msk $0xffff, v3  }
0x574: {  	v14 =	vld [tilespmem:$0x1FFE0]  }
0x575: {  	v22 =	vld [tilespmem:s0+$0xFFFFFF10]  }
0x576: {  	v6 =	vld [tilespmem:s0+$0xFFFFFF60]  }
0x577: {  	v23 =	vld [tilespmem:s0+$0x20];
	v7 =	vadd.f32 v7, v39  }
0x578: {  	v31 =	vadd.f32 v17, v37;
	v4 =	vld [tilespmem:s0+$0xE0]  }
0x579: {  	v3 =	vadd.f32 v21, v39;
	[tilespmem:v62+s1+$0x0] =	vst.idx.msk $0xffff, v7;
	v7 =	vld [tilespmem:s0+$0xFFFFFFE0];
	v30 =	vadd.s32 v14, v44  }
0x57a: {  	v0 =	vadd.f32 v22, v39;
	[tilespmem:v9+s1+$0x0] =	vst.idx.msk $0xffff, v31  }
0x57b: {  	[tilespmem:v51+s1+$0x0] =	vst.idx.msk $0xffff, v3;
	v3 =	vadd.f32 v6, v38  }
0x57c: {  	v1 =	vadd.f32 v23, v38;
	[tilespmem:v58+s1+$0x0] =	vst.idx.msk $0xffff, v0  }
0x57d: {  	v6 =	vld [tilespmem:s0+$0x60];
	[tilespmem:v2+s1+$0x0] =	vst.idx.msk $0xffff, v3;
	v35 =	vadd.f32 v4, v38  }
0x57e: {  	v32 =	vld [tilespmem:s0+$0xA0];
	v36 =	vadd.f32 v7, v38;
	[tilespmem:v30+s1+$0x0] =	vst.idx.msk $0xffff, v1  }
0x57f: {  	v26 =	vld [tilespmem:$0x1FFF0];
	[tilespmem:v56+s1+$0x0] =	vst.idx.msk $0xffff, v35  }
0x580: {  	v33 =	vld [tilespmem:s0+$0xFFFFFFA0];
	[tilespmem:v50+s1+$0x0] =	vst.idx.msk $0xffff, v36  }
0x581: {  	v15 =	vld [tilespmem:$0x1FF40]  }
0x582: {  	v0 =	vld [tilespmem:s0+$0xFFFFFF20]  }
0x583: {  	v3 =	vld [tilespmem:s0+$0xFFFFFF70];
	v39 =	vadd.f32 v32, v38  }
0x584: {  	v40 =	vadd.f32 v6, v38;
	v7 =	vld [tilespmem:s0+$0x30];
	v4 =	vadd.s32 v26, v48  }
0x585: {  	v6 =	vadd.f32 v33, v38;
	v41 =	vld [tilespmem:s0+$0xF0];
	[tilespmem:v55+s1+$0x0] =	vst.idx.msk $0xffff, v39  }
0x586: {  	v10 =	vld [tilespmem:$0x1FE40];
	[tilespmem:v54+s1+$0x0] =	vst.idx.msk $0xffff, v40;
	v50 =	vadd.s32 v15, v44  }
0x587: {  	v0 =	vadd.f32 v0, v38;
	v51 =	vld [tilespmem:s0+$0xFFFFFFF0];
	[tilespmem:v8+s1+$0x0] =	vst.idx.msk $0xffff, v6  }
0x588: {  	v3 =	vadd.f32 v3, v37;
	v53 =	vld [tilespmem:$0x1FF20]  }
0x589: {  	v56 =	vld [tilespmem:$0x1FFA0];
	v7 =	vadd.f32 v7, v37;
	[tilespmem:v4+s1+$0x0] =	vst.idx.msk $0xffff, v0  }
0x58a: {  	v0 =	vld [tilespmem:$0x1FE10];
	[tilespmem:v42+s1+$0x0] =	vst.idx.msk $0xffff, v3  }
0x58b: {  	v52 =	vld [tilespmem:s0+$0xB0];
	[tilespmem:v50+s1+$0x0] =	vst.idx.msk $0xffff, v7  }
0x58c: {  	v10 =	vadd.s32 v10, v49;
	v58 =	vld [tilespmem:$0x1FE60]  }
0x58d: {  	v55 =	vld [tilespmem:s0+$0xFFFFFFB0];
	v6 =	vadd.s32 v53, v47  }
0x58e: {  	v54 =	vld [tilespmem:s0+$0x70];
	v57 =	vadd.s32 v56, v45  }
0x58f: {  	v1 =	vadd.f32 v41, v37;
	v3 =	vld [tilespmem:s0+$0xFFFFFF30];
	v7 =	vadd.s32 v34, v43  }
0x590: {  	v4 =	vadd.f32 v51, v37;
	v0 =	vadd.s32 v0, v46  }
0x591: {  	v60 =	vadd.f32 v52, v37;
	[tilespmem:v10+s1+$0x0] =	vst.idx.msk $0xffff, v1;
	v59 =	vadd.s32 v58, v48  }
0x592: {  	[tilespmem:v6+s1+$0x0] =	vst.idx.msk $0xffff, v4;
	v4 =	vadd.f32 v55, v37  }
0x593: {  	s17 =	sshll.u32 s6, $0x12;
	v62 =	vadd.f32 v54, v37;
	[tilespmem:v57+s1+$0x0] =	vst.idx.msk $0xffff, v60  }
0x594: {  	s0 =	sor.u32 s7, s17;
	v63 =	vadd.f32 v3, v37;
	[tilespmem:v7+s1+$0x0] =	vst.idx.msk $0xffff, v4  }
0x595: {  	s0 =	sshrl.u32 s0, $0x3;
	[tilespmem:v0+s1+$0x0] =	vst.idx.msk $0xffff, v62  }
0x596: {  	s20 =	simm.s32 $0x1CC00;
	s6 =	sadd.s32 s2, s0;
	[tilespmem:v59+s1+$0x0] =	vst.idx.msk $0xffff, v63  }
0x597: {  	[hbm4b:s6+s3] =	stream.linear.scatter [tilespmem:s20], [sflag:$0xA], $0x80, $0x38;
	[tilespmem:$0x1EE00] =	vst v63  }
0x598: {  	s23 =	simm.s32 $0x1CC88;
	s8 =	sadd.s32 $0x10, s6  }
0x599: {  	[hbm4b:s8+s3] =	stream.linear.scatter [tilespmem:s23], [sflag:$0xA], $0x80, $0x38;
	[tilespmem:$0x1EE00] =	vst v63  }
0x59a: {  	s11 =	simm.s32 $0x1CD98;
	s10 =	sadd.s32 $0x20, s6;
	s8 =	simm.s32 $0x1CD10  }
0x59b: {  	[hbm4b:s10+s3] =	stream.linear.scatter [tilespmem:s8], [sflag:$0xA], $0x80, $0x38;
	[tilespmem:$0x1EE00] =	vst v63  }
0x59c: {  	s13 =	simm.s32 $0x1CE20;
	s16 =	simm.s32 $0x1CEA8;
	s12 =	sadd.s32 $0x30, s6  }
0x59d: {  	[hbm4b:s12+s3] =	stream.linear.scatter [tilespmem:s11], [sflag:$0xA], $0x80, $0x38;
	[tilespmem:$0x1EE00] =	vst v63  }
0x59e: {  	s0 =	simm.s32 $0x440;
	s15 =	sadd.s32 $0x40, s6;
	s17 =	sadd.s32 $0x50, s6  }
0x59f: {  	[hbm4b:s15+s3] =	stream.linear.scatter [tilespmem:s13], [sflag:$0xA], $0x80, $0x38;
	[tilespmem:$0x1EE00] =	vst v63  }
0x5a0: {  	s20 =	simm.s32 $0x1CF30;
	s23 =	sadd.s32 $0x60, s6;
	s8 =	simm.s32 $0x2200  }
0x5a1: {  	[hbm4b:s17+s3] =	stream.linear.scatter [tilespmem:s16], [sflag:$0xA], $0x80, $0x38;
	[tilespmem:$0x1EE00] =	vst v63  }
0x5a2: {  	s10 =	simm.s32 $0x1CFB8;
	s11 =	sadd.s32 $0x70, s6;
	s6 =	sadd.s32 $0x1000, s6  }
0x5a3: {  	v44 =	vmov v14;
	[hbm4b:s23+s3] =	stream.linear.scatter [tilespmem:s20], [sflag:$0xA], $0x80, $0x38;
	[tilespmem:$0x1EE00] =	vst v63  }
.LBB2_29:
0x5a4: {  	[hbm4b:s11+s3] =	stream.linear.scatter [tilespmem:s10], [sflag:$0xA], $0x80, $0x38;
	[tilespmem:$0x1EE00] =	vst v63  }
0x5a5: {  	s10 =	smov.u32 s0;
	s0 =	smov.u32 s8  }
0x5a6: {  	s12 =	sadd.s32 $0x1100, s8;
	s0 =	sshra.s32 s0, $0x2;
	s11 =	sadd.s32 $0x1CC00, s10  }
0x5a7: {  	[hbm4b:s6+s3] =	stream.linear.scatter [tilespmem:s11], [sflag:$0xA], $0x80, $0x38;
	[tilespmem:$0x1EE00] =	vst v63  }
0x5a8: {  	p0 =	sne.s32 s8, $0x7700;
	s8 =	sadd.s32 $0x1CC88, s10;
	s11 =	sadd.s32 $0x10, s6  }
0x5a9: {  	[hbm4b:s11+s3] =	stream.linear.scatter [tilespmem:s8], [sflag:$0xA], $0x80, $0x38;
	[tilespmem:$0x1EE00] =	vst v63  }
0x5aa: {  	s8 =	sadd.s32 $0x1CD10, s10;
	s11 =	sadd.s32 $0x20, s6  }
0x5ab: {  	[hbm4b:s11+s3] =	stream.linear.scatter [tilespmem:s8], [sflag:$0xA], $0x80, $0x38;
	[tilespmem:$0x1EE00] =	vst v63  }
0x5ac: {  	s8 =	sadd.s32 $0x1CD98, s10;
	s11 =	sadd.s32 $0x30, s6  }
0x5ad: {  	[hbm4b:s11+s3] =	stream.linear.scatter [tilespmem:s8], [sflag:$0xA], $0x80, $0x38;
	[tilespmem:$0x1EE00] =	vst v63  }
0x5ae: {  	s8 =	sadd.s32 $0x1CE20, s10;
	s11 =	sadd.s32 $0x40, s6  }
0x5af: {  	[hbm4b:s11+s3] =	stream.linear.scatter [tilespmem:s8], [sflag:$0xA], $0x80, $0x38;
	[tilespmem:$0x1EE00] =	vst v63  }
.Ltmp17:
0x5b0: {  	s8 =	sadd.s32 $0x1CEA8, s10;
	s11 =	sadd.s32 $0x50, s6;
	(pc) =	sbr.rel @p0 .LBB2_29-.Ltmp17, $4  }
0x5b1: {  	[hbm4b:s11+s3] =	stream.linear.scatter [tilespmem:s8], [sflag:$0xA], $0x80, $0x38;
	[tilespmem:$0x1EE00] =	vst v63  }
0x5b2: {  	s8 =	sadd.s32 $0x1CF30, s10;
	s11 =	sadd.s32 $0x60, s6;
	s10 =	sadd.s32 $0x1CFB8, s10  }
0x5b3: {  	[hbm4b:s11+s3] =	stream.linear.scatter [tilespmem:s8], [sflag:$0xA], $0x80, $0x38;
	[tilespmem:$0x1EE00] =	vst v63  }
0x5b4: {  	s11 =	sadd.s32 $0x70, s6;
	s6 =	sadd.s32 $0x1000, s6;
	s8 =	smov.u32 s12  }
0x5b5: {  	[hbm4b:s11+s3] =	stream.linear.scatter [tilespmem:s10], [sflag:$0xA], $0x80, $0x38;
	[tilespmem:$0x1EE00] =	vst v63  }
0x5b6: {  	s8 =	sadd.s32 $0x1CC00, s0  }
0x5b7: {  	[hbm4b:s6+s3] =	stream.linear.scatter [tilespmem:s8], [sflag:$0xA], $0x80, $0x38;
	[tilespmem:$0x1EE00] =	vst v63  }
0x5b8: {  	s13 =	sadd.s32 $0x1CC88, s0;
	s15 =	sadd.s32 $0x10, s6  }
0x5b9: {  	v36 =	vld [tilespmem:$0x1FE50];
	[hbm4b:s15+s3] =	stream.linear.scatter [tilespmem:s13], [sflag:$0xA], $0x80, $0x38  }
0x5ba: {  	s16 =	sadd.s32 $0x1CD10, s0;
	s17 =	sadd.s32 $0x20, s6;
	v32 =	vld [tilespmem:$0x1FE70]  }
0x5bb: {  	v60 =	vld [tilespmem:$0x1FE80];
	[hbm4b:s17+s3] =	stream.linear.scatter [tilespmem:s16], [sflag:$0xA], $0x80, $0x38  }
0x5bc: {  	s20 =	sadd.s32 $0x1CD98, s0;
	s23 =	sadd.s32 $0x30, s6;
	v25 =	vld [tilespmem:$0x1FE90]  }
0x5bd: {  	v22 =	vld [tilespmem:$0x1FEA0];
	[hbm4b:s23+s3] =	stream.linear.scatter [tilespmem:s20], [sflag:$0xA], $0x80, $0x38  }
0x5be: {  	s11 =	sadd.s32 $0x1CE20, s0;
	s12 =	sadd.s32 $0x40, s6;
	v34 =	vld [tilespmem:$0x1FEB0]  }
0x5bf: {  	v30 =	vld [tilespmem:$0x1FEC0];
	[hbm4b:s12+s3] =	stream.linear.scatter [tilespmem:s11], [sflag:$0xA], $0x80, $0x38  }
0x5c0: {  	p0 =	seq.s32 s5, $0x27;
	v35 =	vld [tilespmem:$0x1FEF0];
	s13 =	sadd.s32 $0x1CEA8, s0;
	s15 =	sadd.s32 $0x50, s6  }
0x5c1: {  	v28 =	vld [tilespmem:$0x1FF00];
	[hbm4b:s15+s3] =	stream.linear.scatter [tilespmem:s13], [sflag:$0xA], $0x80, $0x38  }
.Ltmp18:
0x5c2: {  	v33 =	vld [tilespmem:$0x1FF10];
	(pc) =	sbr.rel @p0 .LBB2_32-.Ltmp18, $4  }
0x5c3: {  	v54 =	vld [tilespmem:$0x1FF30];
	s16 =	sadd.s32 $0x1CF30, s0;
	s17 =	sadd.s32 $0x60, s6  }
0x5c4: {  	v31 =	vld [tilespmem:$0x1FF50];
	[hbm4b:s17+s3] =	stream.linear.scatter [tilespmem:s16], [sflag:$0xA], $0x80, $0x38  }
0x5c5: {  	v51 =	vld [tilespmem:$0x1FF60];
	s20 =	sadd.s32 $0x1CFB8, s0;
	s23 =	sadd.s32 $0x70, s6  }
0x5c6: {  	v57 =	vld [tilespmem:$0x1FFB0];
	[hbm4b:s23+s3] =	stream.linear.scatter [tilespmem:s20], [sflag:$0xA], $0x80, $0x38  }
0x5c7: {  	s0 =	smul.u32 $0xA00, s5  }
.Ltmp19:
0x5c8: {  	_ = 	snop;
	(pc) =	sbr.rel .LBB2_2-.Ltmp19, $4  }
0x5c9: {  	_ = 	snop  }
0x5ca: {  	s0 =	sshra.s32 s0, $0x2  }
0x5cb: {  	s6 =	simm.s32 $0xE400;
	s5 =	sadd.s32 $0x1, s5;
	s0 =	sadd.s32 $0x380, s0  }
0x5cc: {  	[tilespmem:s6], [sflag:$0x3] =	stream.indirect.gather [hbm4b:s4+s9], $0x40, s0, s9, $0xb8;
	[tilespmem:$0x1EE00] =	vst v63  }
.LBB2_33:
0x5cd: {  	_ =	sfence.sel $0x180000  }
0x5ce: {  	[bflag:$0x0] =	sbarrier.arrive $0xFFFF  }
0x5cf: {  	_ =	strace $0x90000047  }
0x5d0: {  	s0 =	stileid.u32;
	[bflag:$0x2] =	sbarrier.arrive $0xFFFF  }
0x5d1: {  	p0 =	sne.s32 s0, $0x0;
	s0 =	rddreg [dreg:$0x2]  }
0x5d2: {  	s0 =	sadd.s32 @!p0 $0x100000, s0  }
0x5d3: {  	[sflag:s0] =	ssyncadd.tile.s32 @!p0 $0x1;
	_ =	shalt  }
.Lfunc_end2:
_tile_overlayer_lowered:
.L_overlay_start_2:
0x5d4: {  	(tag) =	ssettag $0x2  }
0x5d5: {  	s0 =	rddreg [dreg:$0x0];
	s2 =	stileid.u32  }
0x5d6: {  	s1 =	rddreg [dreg:$0x1];
	p0 =	sne.s32 s2, $0x0  }
0x5d7: {  	s3 =	rddreg [dreg:$0x2];
	[bflag:$0x3] =	sbarrier.arrive $0xFFFF;
	s2 =	simm.s32 @!p0 $0x1C0B  }
0x5d8: {  	[timem:s3], [sflag:s2] =	dma.local @!p0 [hbm:s0], s1  }
0x5d9: {  	s0 =	simm.s32 @!p0 $0xB  }
0x5da: {  	_ =	swait.ge @!p0 [sflag:s0], s1  }
0x5db: {  	s1 =	ssub.s32 @!p0 $0x0, s1;
	[sflag:s0] =	ssyncset.done @!p0 $0x0  }
0x5dc: {  	[sflag:s0] =	ssyncadd.s32 @!p0 s1  }
0x5dd: {  	[bflag:$0x3] =	sbarrier.arrive $0xFFFF  }
0x5de: {  	_ =	shalt  }

</sc_bundles>
